<compile_context>
chip_gen: v7x
topology: tpu7x:2x2x1
jax: 0.10.2.dev20260603
libtpu: 0.0.44.dev20260713+nightly
codegen_flags: <defaults>
</compile_context>

<pallas_src>
import functools

import jax
import jax.numpy as jnp
from jax import lax
from jax.experimental import pallas as pl
from jax.experimental.pallas import tpu as pltpu

N_ITER = 2
DT = 0.01
COORDS_WEIGHT = 1.0

BE = 512
BN = 1000

def _silu(x):
    return x * (0.5 * jnp.tanh(0.5 * x) + 0.5)


def _dot(a, b):
    return jax.lax.dot_general(a, b, (((1,), (0,)), ((), ())),
                               preferred_element_type=jnp.float32)


def _rowdot(x, wrow):
    xb = x.astype(jnp.bfloat16).astype(jnp.float32)
    wb = wrow.astype(jnp.bfloat16).astype(jnp.float32)
    return jnp.sum(xb * wb, axis=-1, keepdims=True)



def _pre_body(h_ref, wa_ref, wb_ref, ha_ref, hb_ref):
    h = h_ref[...]
    ha_ref[...] = _dot(h, wa_ref[...])
    hb_ref[...] = _dot(h, wb_ref[...])


def _tc_pre(h, wa, wb):
    n = h.shape[0]
    grid = n // BN
    return pl.pallas_call(
        _pre_body,
        grid=(grid,),
        in_specs=[
            pl.BlockSpec((BN, 128), lambda i: (i, 0)),
            pl.BlockSpec((128, 128), lambda i: (0, 0)),
            pl.BlockSpec((128, 128), lambda i: (0, 0)),
        ],
        out_specs=[
            pl.BlockSpec((BN, 128), lambda i: (i, 0)),
            pl.BlockSpec((BN, 128), lambda i: (i, 0)),
        ],
        out_shape=[
            jax.ShapeDtypeStruct((n, 128), jnp.float32),
            jax.ShapeDtypeStruct((n, 128), jnp.float32),
        ],
    )(h, wa, wb)



def _edge_body(har_ref, hbc_ref, posr_ref, posc_ref,
               we1c_ref, be1_ref, we2_ref, be2_ref,
               wc1_ref, bc1_ref, wc2_ref,
               m_ref, trans_ref):
    dpos = posr_ref[...] - posc_ref[...]
    radial = jnp.sum(dpos * dpos, axis=-1, keepdims=True)
    rb = radial.astype(jnp.bfloat16).astype(jnp.float32)
    wb = we1c_ref[...].astype(jnp.bfloat16).astype(jnp.float32)
    x = (har_ref[...] + hbc_ref[...]) + rb * wb + be1_ref[...]
    x = _silu(x)
    m = _silu(_dot(x, we2_ref[...]) + be2_ref[...])
    y = _silu(_dot(m, wc1_ref[...]) + bc1_ref[...])
    q = _dot(y, wc2_ref[...])
    lane = jax.lax.broadcasted_iota(jnp.int32, dpos.shape, 1)
    trans_ref[...] = dpos * q + jnp.where(lane == 3, 1.0, 0.0)
    m_ref[...] = m


def _tc_edge(har, hbc, posr, posc, we1c, be1, we2, be2, wc1, bc1, wc2row):
    e = har.shape[0]
    grid = e // BE
    w0 = pl.BlockSpec((1, 128), lambda i: (0, 0))
    return pl.pallas_call(
        _edge_body,
        grid=(grid,),
        in_specs=[
            pl.BlockSpec((BE, 128), lambda i: (i, 0)),
            pl.BlockSpec((BE, 128), lambda i: (i, 0)),
            pl.BlockSpec((BE, 128), lambda i: (i, 0)),
            pl.BlockSpec((BE, 128), lambda i: (i, 0)),
            w0, w0,
            pl.BlockSpec((128, 128), lambda i: (0, 0)), w0,
            pl.BlockSpec((128, 128), lambda i: (0, 0)), w0,
            pl.BlockSpec((128, 1), lambda i: (0, 0)),
        ],
        out_specs=[
            pl.BlockSpec((BE, 128), lambda i: (i, 0)),
            pl.BlockSpec((BE, 128), lambda i: (i, 0)),
        ],
        out_shape=[
            jax.ShapeDtypeStruct((e, 128), jnp.float32),
            jax.ShapeDtypeStruct((e, 128), jnp.float32),
        ],
    )(har, hbc, posr, posc, we1c, be1, we2, be2, wc1, bc1, wc2row)



def _node_body(h_ref, g_ref, vel_ref, pos_ref, agg_ref, fsum_ref,
               wn1h_ref, wn1a_ref, bn1_ref, wn2_ref, bn2_ref,
               ws1_ref, bs1_ref, ws2_ref, bs2_ref,
               wanx_ref, wbnx_ref,
               h2_ref, g2_ref, vel2_ref, pos2_ref, ha_ref, hb_ref, ldj_ref):
    i = pl.program_id(0)
    agg = agg_ref[0] + agg_ref[1]
    fsum = fsum_ref[0] + fsum_ref[1]
    cnt = jnp.maximum(fsum[:, 3:4], 1.0)
    lane = jax.lax.broadcasted_iota(jnp.int32, fsum.shape, 1)
    force = jnp.where(lane < 3, fsum, 0.0) / cnt * COORDS_WEIGHT
    h = h_ref[...]
    hf = _dot(_silu(_dot(h, wn1h_ref[...]) + _dot(agg, wn1a_ref[...])
                    + bn1_ref[...]), wn2_ref[...]) + bn2_ref[...]
    y = _silu(_dot(agg, ws1_ref[...]) + bs1_ref[...])
    scaling = jnp.tanh(_dot(y, ws2_ref[...]) + bs2_ref[...])
    vel2 = jnp.exp(scaling) * vel_ref[...] + force * DT
    pos2 = pos_ref[...] + vel2 * DT
    g2 = g_ref[...] + hf
    h2 = h + g2
    h2_ref[...] = h2
    g2_ref[...] = g2
    vel2_ref[...] = vel2
    pos2_ref[...] = pos2
    ha_ref[...] = _dot(h2, wanx_ref[...])
    hb_ref[...] = _dot(h2, wbnx_ref[...])

    @pl.when(i == 0)
    def _():
        ldj_ref[...] = jnp.zeros_like(ldj_ref)

    ldj_ref[...] = ldj_ref[...] + jnp.sum(scaling).reshape(1, 1)


def _tc_node(h, g, vel16, pos16, aggp, fp,
             wn1h, wn1a, bn1, wn2, bn2, ws1, bs1, ws2row, bs2, wanx, wbnx):
    n = h.shape[0]
    grid = n // BN
    w128 = pl.BlockSpec((128, 128), lambda i: (0, 0))
    w0 = pl.BlockSpec((1, 128), lambda i: (0, 0))
    return pl.pallas_call(
        _node_body,
        grid=(grid,),
        in_specs=[
            pl.BlockSpec((BN, 128), lambda i: (i, 0)),
            pl.BlockSpec((BN, 128), lambda i: (i, 0)),
            pl.BlockSpec((BN, 128), lambda i: (i, 0)),
            pl.BlockSpec((BN, 128), lambda i: (i, 0)),
            pl.BlockSpec((2, BN, 128), lambda i: (0, i, 0)),
            pl.BlockSpec((2, BN, 128), lambda i: (0, i, 0)),
            w128, w128, w0, w128, w0,
            w128, w0, pl.BlockSpec((128, 1), lambda i: (0, 0)),
            pl.BlockSpec((1, 1), lambda i: (0, 0)),
            w128, w128,
        ],
        out_specs=[
            pl.BlockSpec((BN, 128), lambda i: (i, 0)),
            pl.BlockSpec((BN, 128), lambda i: (i, 0)),
            pl.BlockSpec((BN, 128), lambda i: (i, 0)),
            pl.BlockSpec((BN, 128), lambda i: (i, 0)),
            pl.BlockSpec((BN, 128), lambda i: (i, 0)),
            pl.BlockSpec((BN, 128), lambda i: (i, 0)),
            pl.BlockSpec((1, 1), lambda i: (0, 0)),
        ],
        out_shape=[
            jax.ShapeDtypeStruct((n, 128), jnp.float32),
            jax.ShapeDtypeStruct((n, 128), jnp.float32),
            jax.ShapeDtypeStruct((n, 128), jnp.float32),
            jax.ShapeDtypeStruct((n, 128), jnp.float32),
            jax.ShapeDtypeStruct((n, 128), jnp.float32),
            jax.ShapeDtypeStruct((n, 128), jnp.float32),
            jax.ShapeDtypeStruct((1, 1), jnp.float32),
        ],
    )(h, g, vel16, pos16, aggp, fp,
      wn1h, wn1a, bn1, wn2, bn2, ws1, bs1, ws2row, bs2, wanx, wbnx)



NC = 2
NS = 16
BS = 80
_sc_mesh = None


def _get_sc_mesh():
    global _sc_mesh
    if _sc_mesh is None:
        from jax.experimental.pallas import tpu_sc as plsc
        _sc_mesh = plsc.VectorSubcoreMesh(core_axis_name="c",
                                          subcore_axis_name="s")
    return _sc_mesh


def _gather_body(nblk, ha_hbm, hb_hbm, pos_hbm, row_hbm, col_hbm,
                 har_hbm, hbc_hbm, posr_hbm, posc_hbm,
                 row_v, col_v, bufa, bufb, bufp, bufq, sem):
    wid = lax.axis_index("s") * NC + lax.axis_index("c")
    ebase = wid * nblk * BS
    pltpu.sync_copy(row_hbm.at[wid], row_v)
    pltpu.sync_copy(col_hbm.at[wid], col_v)

    def body(b, _):
        e0 = ebase + b * BS
        ca = pltpu.async_copy(ha_hbm.at[row_v.at[b]], bufa, sem)
        cb = pltpu.async_copy(hb_hbm.at[col_v.at[b]], bufb, sem)
        cp = pltpu.async_copy(pos_hbm.at[row_v.at[b]], bufp, sem)
        cq = pltpu.async_copy(pos_hbm.at[col_v.at[b]], bufq, sem)
        ca.wait(); cb.wait(); cp.wait(); cq.wait()
        pltpu.sync_copy(bufa, har_hbm.at[pl.ds(e0, BS)])
        pltpu.sync_copy(bufb, hbc_hbm.at[pl.ds(e0, BS)])
        pltpu.sync_copy(bufp, posr_hbm.at[pl.ds(e0, BS)])
        pltpu.sync_copy(bufq, posc_hbm.at[pl.ds(e0, BS)])
        return ()

    lax.fori_loop(0, nblk, body, (), unroll=False)


def _gather_edges(ha, hb, pos128, row3d, col3d):
    nw, nblk, _ = row3d.shape
    e = nw * nblk * BS
    f = pl.kernel(
        functools.partial(_gather_body, nblk),
        out_type=[
            jax.ShapeDtypeStruct((e, 128), jnp.float32),
            jax.ShapeDtypeStruct((e, 128), jnp.float32),
            jax.ShapeDtypeStruct((e, 128), jnp.float32),
            jax.ShapeDtypeStruct((e, 128), jnp.float32),
        ],
        mesh=_get_sc_mesh(),
        scratch_types=[
            pltpu.VMEM((nblk, BS), jnp.int32),
            pltpu.VMEM((nblk, BS), jnp.int32),
            pltpu.VMEM((BS, 128), jnp.float32),
            pltpu.VMEM((BS, 128), jnp.float32),
            pltpu.VMEM((BS, 128), jnp.float32),
            pltpu.VMEM((BS, 128), jnp.float32),
            pltpu.SemaphoreType.DMA,
        ],
    )
    return f(ha, hb, pos128, row3d, col3d)


def _scatter_body(nblk, n, m_hbm, row_hbm, z128_hbm,
                  aggp_hbm, row_v, mbuf, agg_sp):
    from jax.experimental.pallas import tpu_sc as plsc
    cid = lax.axis_index("c")
    sid = lax.axis_index("s")
    wid = sid * NC + cid
    ebase = wid * nblk * BS
    pltpu.sync_copy(row_hbm.at[wid], row_v)

    @pl.when(sid == 0)
    def _():
        pltpu.sync_copy(z128_hbm, agg_sp)

    plsc.subcore_barrier()

    def body(b, _):
        e0 = ebase + b * BS
        pltpu.sync_copy(m_hbm.at[pl.ds(e0, BS)], mbuf)
        pltpu.sync_copy(mbuf, agg_sp.at[row_v.at[b]], add=True)
        return ()

    lax.fori_loop(0, nblk, body, (), unroll=False)
    plsc.subcore_barrier()
    stripe = 8 * (n // (8 * NS))
    last = n - (NS - 1) * stripe
    r0 = sid * stripe

    @pl.when(sid < NS - 1)
    def _():
        pltpu.sync_copy(agg_sp.at[pl.ds(r0, stripe)],
                        aggp_hbm.at[cid, pl.ds(r0, stripe)])

    @pl.when(sid == NS - 1)
    def _():
        pltpu.sync_copy(agg_sp.at[pl.ds((NS - 1) * stripe, last)],
                        aggp_hbm.at[cid, pl.ds((NS - 1) * stripe, last)])


def _scatter_edges(m, row3d, z128):
    n = z128.shape[0]
    _, nblk, _ = row3d.shape
    f = pl.kernel(
        functools.partial(_scatter_body, nblk, n),
        out_type=jax.ShapeDtypeStruct((NC, n, 128), jnp.float32),
        mesh=_get_sc_mesh(),
        scratch_types=[
            pltpu.VMEM((nblk, BS), jnp.int32),
            pltpu.VMEM((BS, 128), jnp.float32),
            pltpu.VMEM_SHARED((n, 128), jnp.float32),
        ],
    )
    return f(m, row3d, z128)



def kernel(h, pos, vel, g, edge_index, We1, be1, We2, be2, Wc1, bc1, Wc2,
           Wn1, bn1, Wn2, bn2, Ws1, bs1, Ws2, bs2):
    n = h.shape[0]
    e = edge_index.shape[1]
    nw = NC * NS
    row3d = edge_index[0].reshape(nw, e // (nw * BS), BS)
    col3d = edge_index[1].reshape(nw, e // (nw * BS), BS)
    pos128 = jnp.zeros((n, 128), jnp.float32).at[:, :3].set(pos)
    vel128 = jnp.zeros((n, 128), jnp.float32).at[:, :3].set(vel)
    z128 = jnp.zeros((n, 128), jnp.float32)

    ha, hb = _tc_pre(h, We1[0, :128], We1[0, 128:256])
    ldj = jnp.float32(0.0)
    for i in range(N_ITER):
        we1c = We1[i, 256:257]
        har, hbc, posr, posc = _gather_edges(ha, hb, pos128, row3d, col3d)
        m, trans = _tc_edge(har, hbc, posr, posc,
                            we1c, be1[i][None], We2[i], be2[i][None],
                            Wc1[i], bc1[i][None], Wc2[i])
        aggp = _scatter_edges(m, row3d, z128)
        fp = _scatter_edges(trans, row3d, z128)
        nx = min(i + 1, N_ITER - 1)
        h, g, vel128, pos128, ha, hb, ldj_i = _tc_node(
            h, g, vel128, pos128, aggp, fp,
            Wn1[i, :128], Wn1[i, 128:], bn1[i][None], Wn2[i], bn2[i][None],
            Ws1[i], bs1[i][None], Ws2[i], bs2[i][None],
            We1[nx, :128], We1[nx, 128:256])
        ldj = ldj + ldj_i[0, 0]

    return (h, pos128[:, :3], vel128[:, :3], g, ldj)

# --- scband reference (transcript-rebuilt; emitter-appended) ---
"""Pipeline reference for scband-enflow-36292473651894 (READ-ONLY COPY).

The authoritative reference and input builder live on the scoring server;
editing this copy changes nothing except your own understanding.
"""

import jax, jax.numpy as jnp
import numpy as np

N = 10000
E = 320000
NODE_NF = 128
HIDDEN = 128
N_ITER = 2
DT = 0.01
COORDS_WEIGHT = 1.0

def _silu(x):
    return x * jax.nn.sigmoid(x)

def setup_inputs(seed: int = 0) -> dict:
    key = jax.random.key(seed)
    ks = jax.random.split(key, 40)
    inp = {}
    inp["h"] = jax.random.normal(ks[0], (N, NODE_NF), dtype=jnp.float32)
    inp["pos"] = jax.random.normal(ks[1], (N, 3), dtype=jnp.float32)
    inp["vel"] = jax.random.normal(ks[2], (N, 3), dtype=jnp.float32)
    inp["g"] = jax.random.normal(ks[3], (N, NODE_NF), dtype=jnp.float32)
    inp["edge_index"] = jax.random.randint(ks[4], (2, E), 0, N, dtype=jnp.int32)
    def W(k, shape):
        return jax.random.normal(k, shape, dtype=jnp.float32) / np.sqrt(shape[-2])
    inp["We1"] = W(ks[5], (N_ITER, 2 * NODE_NF + 1, HIDDEN))
    inp["be1"] = jnp.zeros((N_ITER, HIDDEN), dtype=jnp.float32)
    inp["We2"] = W(ks[6], (N_ITER, HIDDEN, HIDDEN))
    inp["be2"] = jnp.zeros((N_ITER, HIDDEN), dtype=jnp.float32)
    inp["Wc1"] = W(ks[7], (N_ITER, HIDDEN, HIDDEN))
    inp["bc1"] = jnp.zeros((N_ITER, HIDDEN), dtype=jnp.float32)
    inp["Wc2"] = W(ks[8], (N_ITER, HIDDEN, 1))
    inp["Wn1"] = W(ks[9], (N_ITER, NODE_NF + HIDDEN, HIDDEN))
    inp["bn1"] = jnp.zeros((N_ITER, HIDDEN), dtype=jnp.float32)
    inp["Wn2"] = W(ks[10], (N_ITER, HIDDEN, NODE_NF))
    inp["bn2"] = jnp.zeros((N_ITER, NODE_NF), dtype=jnp.float32)
    inp["Ws1"] = W(ks[11], (N_ITER, HIDDEN, HIDDEN))
    inp["bs1"] = jnp.zeros((N_ITER, HIDDEN), dtype=jnp.float32)
    inp["Ws2"] = W(ks[12], (N_ITER, HIDDEN, 1))
    inp["bs2"] = jnp.zeros((N_ITER, 1), dtype=jnp.float32)
    return inp

def reference(h, pos, vel, g, edge_index, We1, be1, We2, be2, Wc1, bc1, Wc2, Wn1, bn1, Wn2, bn2, Ws1, bs1, Ws2, bs2):
    n = h.shape[0]
    row = edge_index[0]
    col = edge_index[1]
    ldj = jnp.zeros((n, 1), dtype=h.dtype)
    ones = jnp.ones((row.shape[0], 1), dtype=h.dtype)
    cnt = jnp.maximum(jax.ops.segment_sum(ones, row, num_segments=n), 1.0)
    for i in range(N_ITER):
        diff = pos[row] - pos[col]
        radial = jnp.sum(diff * diff, axis=-1, keepdims=True)
        ef_in = jnp.concatenate([h[row], h[col], radial], axis=1)
        m = _silu(_silu(ef_in @ We1[i] + be1[i]) @ We2[i] + be2[i])
        trans = diff * (_silu(m @ Wc1[i] + bc1[i]) @ Wc2[i])
        force = jax.ops.segment_sum(trans, row, num_segments=n) / cnt * COORDS_WEIGHT
        agg = jax.ops.segment_sum(m, row, num_segments=n)
        h_force = _silu(jnp.concatenate([h, agg], axis=1) @ Wn1[i] + bn1[i]) @ Wn2[i] + bn2[i]
        scaling = jnp.tanh(_silu(agg @ Ws1[i] + bs1[i]) @ Ws2[i] + bs2[i])
        vel = jnp.exp(scaling) * vel + force * DT
        pos = pos + vel * DT
        g = g + h_force
        h = h + g
        ldj = ldj + scaling
    return (h, pos, vel, g, jnp.sum(ldj))

if __name__ == "__main__":
    import jax
    _d = setup_inputs()
    print(jax.jit(kernel)(*tuple(_d.values())))

</pallas_src>

<mosaic_0001>
#map = affine_map<(d0, d1) -> (0, 0)>
#map1 = affine_map<(d0, d1) -> (0, 0, 0)>
module attributes {stable_mosaic.version = 14 : i64} {
  func.func @_gather_body(%arg0: i32, %arg1: i32, %arg2: memref<10000x128xf32, #tpu.memory_space<hbm>>, %arg3: memref<10000x128xf32, #tpu.memory_space<hbm>>, %arg4: memref<10000x128xf32, #tpu.memory_space<hbm>>, %arg5: memref<32x125x80xi32, #tpu.memory_space<hbm>>, %arg6: memref<32x125x80xi32, #tpu.memory_space<hbm>>, %arg7: memref<320000x128xf32, #tpu.memory_space<hbm>>, %arg8: memref<320000x128xf32, #tpu.memory_space<hbm>>, %arg9: memref<320000x128xf32, #tpu.memory_space<hbm>>, %arg10: memref<320000x128xf32, #tpu.memory_space<hbm>>, %arg11: memref<125x80xi32, #tpu.memory_space<vmem>>, %arg12: memref<125x80xi32, #tpu.memory_space<vmem>>, %arg13: memref<80x128xf32, #tpu.memory_space<vmem>>, %arg14: memref<80x128xf32, #tpu.memory_space<vmem>>, %arg15: memref<80x128xf32, #tpu.memory_space<vmem>>, %arg16: memref<80x128xf32, #tpu.memory_space<vmem>>, %arg17: memref<!tpu.dma_semaphore, #tpu.memory_space<semaphore_mem>>) attributes {dimension_semantics = [#tpu.dimension_semantics<core_parallel>, #tpu.dimension_semantics<subcore_parallel>], iteration_bounds = array<i64: 2, 16>, scalar_prefetch = 0 : i64, scratch_operands = 7 : i64, tpu.core_type = #tpu.core_type<sc_vector_subcore>, window_params = [{transform_indices = #map}, {transform_indices = #map}, {transform_indices = #map}, {transform_indices = #map1}, {transform_indices = #map1}, {transform_indices = #map}, {transform_indices = #map}, {transform_indices = #map}, {transform_indices = #map}]} {
    %mul3A = arith.constant 2 : i32
    %mul3A_0 = arith.muli %arg1, %mul3A : i32
    %add3A = arith.addi %mul3A_0, %arg0 : i32
    %mul3A_1 = arith.constant 125 : i32
    %mul3A_2 = arith.muli %add3A, %mul3A_1 : i32
    %mul3A_3 = arith.constant 80 : i32
    %mul3A_4 = arith.muli %mul3A_2, %mul3A_3 : i32
    "tpu.region"() ({
      %run_scoped3A = tpu.sem_alloc : memref<!tpu.dma_semaphore, #tpu.memory_space<semaphore_mem>>
      %dma_start3A = arith.constant 0 : i32
      %dma_start3A_9 = arith.constant 0 : i32
      %dma_start3A_10 = tpu.memref_slice %arg5[%add3A, %dma_start3A, %dma_start3A_9] : memref<32x125x80xi32, #tpu.memory_space<hbm>> -> memref<1x125x80xi32, #tpu.memory_space<hbm>>
      %dma_start3A_11 = tpu.memref_squeeze %dma_start3A_10 : memref<1x125x80xi32, #tpu.memory_space<hbm>> -> memref<125x80xi32, #tpu.memory_space<hbm>>
      %dma_start3A_12 = arith.constant 0 : i32
      %dma_start3A_13 = arith.constant 0 : i32
      %dma_start3A_14 = tpu.memref_slice %arg5[%add3A, %dma_start3A_12, %dma_start3A_13] : memref<32x125x80xi32, #tpu.memory_space<hbm>> -> memref<1x125x80xi32, #tpu.memory_space<hbm>>
      %dma_start3A_15 = tpu.memref_squeeze %dma_start3A_14 : memref<1x125x80xi32, #tpu.memory_space<hbm>> -> memref<125x80xi32, #tpu.memory_space<hbm>>
      tpu.enqueue_dma source(%dma_start3A_15 : memref<125x80xi32, #tpu.memory_space<hbm>>) target(%arg11 : memref<125x80xi32, #tpu.memory_space<vmem>>) target_semaphore(%run_scoped3A : memref<!tpu.dma_semaphore, #tpu.memory_space<semaphore_mem>>)
      %dma_wait3A = arith.constant 0 : i32
      %dma_wait3A_16 = arith.constant 0 : i32
      %dma_wait3A_17 = tpu.memref_slice %arg5[%add3A, %dma_wait3A, %dma_wait3A_16] : memref<32x125x80xi32, #tpu.memory_space<hbm>> -> memref<1x125x80xi32, #tpu.memory_space<hbm>>
      %dma_wait3A_18 = tpu.memref_squeeze %dma_wait3A_17 : memref<1x125x80xi32, #tpu.memory_space<hbm>> -> memref<125x80xi32, #tpu.memory_space<hbm>>
      %dma_wait3A_19 = arith.constant 0 : i32
      %dma_wait3A_20 = arith.constant 0 : i32
      %dma_wait3A_21 = tpu.memref_slice %arg5[%add3A, %dma_wait3A_19, %dma_wait3A_20] : memref<32x125x80xi32, #tpu.memory_space<hbm>> -> memref<1x125x80xi32, #tpu.memory_space<hbm>>
      %dma_wait3A_22 = tpu.memref_squeeze %dma_wait3A_21 : memref<1x125x80xi32, #tpu.memory_space<hbm>> -> memref<125x80xi32, #tpu.memory_space<hbm>>
      tpu.wait_dma2 semaphore(%run_scoped3A : memref<!tpu.dma_semaphore, #tpu.memory_space<semaphore_mem>>) src(%dma_wait3A_22 : memref<125x80xi32, #tpu.memory_space<hbm>>) dst(%arg11 : memref<125x80xi32, #tpu.memory_space<vmem>>)
      tpu.yield
    }) : () -> ()
    "tpu.region"() ({
      %run_scoped3A = tpu.sem_alloc : memref<!tpu.dma_semaphore, #tpu.memory_space<semaphore_mem>>
      %dma_start3A = arith.constant 0 : i32
      %dma_start3A_9 = arith.constant 0 : i32
      %dma_start3A_10 = tpu.memref_slice %arg6[%add3A, %dma_start3A, %dma_start3A_9] : memref<32x125x80xi32, #tpu.memory_space<hbm>> -> memref<1x125x80xi32, #tpu.memory_space<hbm>>
      %dma_start3A_11 = tpu.memref_squeeze %dma_start3A_10 : memref<1x125x80xi32, #tpu.memory_space<hbm>> -> memref<125x80xi32, #tpu.memory_space<hbm>>
      %dma_start3A_12 = arith.constant 0 : i32
      %dma_start3A_13 = arith.constant 0 : i32
      %dma_start3A_14 = tpu.memref_slice %arg6[%add3A, %dma_start3A_12, %dma_start3A_13] : memref<32x125x80xi32, #tpu.memory_space<hbm>> -> memref<1x125x80xi32, #tpu.memory_space<hbm>>
      %dma_start3A_15 = tpu.memref_squeeze %dma_start3A_14 : memref<1x125x80xi32, #tpu.memory_space<hbm>> -> memref<125x80xi32, #tpu.memory_space<hbm>>
      tpu.enqueue_dma source(%dma_start3A_15 : memref<125x80xi32, #tpu.memory_space<hbm>>) target(%arg12 : memref<125x80xi32, #tpu.memory_space<vmem>>) target_semaphore(%run_scoped3A : memref<!tpu.dma_semaphore, #tpu.memory_space<semaphore_mem>>)
      %dma_wait3A = arith.constant 0 : i32
      %dma_wait3A_16 = arith.constant 0 : i32
      %dma_wait3A_17 = tpu.memref_slice %arg6[%add3A, %dma_wait3A, %dma_wait3A_16] : memref<32x125x80xi32, #tpu.memory_space<hbm>> -> memref<1x125x80xi32, #tpu.memory_space<hbm>>
      %dma_wait3A_18 = tpu.memref_squeeze %dma_wait3A_17 : memref<1x125x80xi32, #tpu.memory_space<hbm>> -> memref<125x80xi32, #tpu.memory_space<hbm>>
      %dma_wait3A_19 = arith.constant 0 : i32
      %dma_wait3A_20 = arith.constant 0 : i32
      %dma_wait3A_21 = tpu.memref_slice %arg6[%add3A, %dma_wait3A_19, %dma_wait3A_20] : memref<32x125x80xi32, #tpu.memory_space<hbm>> -> memref<1x125x80xi32, #tpu.memory_space<hbm>>
      %dma_wait3A_22 = tpu.memref_squeeze %dma_wait3A_21 : memref<1x125x80xi32, #tpu.memory_space<hbm>> -> memref<125x80xi32, #tpu.memory_space<hbm>>
      tpu.wait_dma2 semaphore(%run_scoped3A : memref<!tpu.dma_semaphore, #tpu.memory_space<semaphore_mem>>) src(%dma_wait3A_22 : memref<125x80xi32, #tpu.memory_space<hbm>>) dst(%arg12 : memref<125x80xi32, #tpu.memory_space<vmem>>)
      tpu.yield
    }) : () -> ()
    %scan3A = arith.constant 0 : i32
    %scan3A_5 = arith.constant 125 : i32
    %scan3A_6 = arith.addi %scan3A, %scan3A_5 : i32
    %scan3A_7 = arith.constant 1 : i32
    scf.for %scan3A_9 = %scan3A to %scan3A_6 step %scan3A_7  : i32 {
      %mul3A_10 = arith.constant 80 : i32
      %mul3A_11 = arith.muli %scan3A_9, %mul3A_10 : i32
      %add3A_12 = arith.addi %mul3A_4, %mul3A_11 : i32
      %dma_start3A = arith.constant 0 : i32
      %dma_start3A_13 = tpu.memref_slice %arg11[%scan3A_9, %dma_start3A] : memref<125x80xi32, #tpu.memory_space<vmem>> -> memref<1x80xi32, #tpu.memory_space<vmem>>
      %dma_start3A_14 = tpu.memref_squeeze %dma_start3A_13 : memref<1x80xi32, #tpu.memory_space<vmem>> -> memref<80xi32, #tpu.memory_space<vmem>>
      %dma_start3A_15 = arith.constant 0 : i32
      %dma_start3A_16 = arith.constant 0 : i32
      %dma_start3A_17 = tpu.memref_slice %arg2[%dma_start3A_15, %dma_start3A_16] : memref<10000x128xf32, #tpu.memory_space<hbm>> -> memref<10000x128xf32, #tpu.memory_space<hbm>>
      tpu.enqueue_indirect_dma source(%dma_start3A_17 : memref<10000x128xf32, #tpu.memory_space<hbm>>) target(%arg13 : memref<80x128xf32, #tpu.memory_space<vmem>>) offsets(%dma_start3A_14 : memref<80xi32, #tpu.memory_space<vmem>>) semaphore(%arg17 : memref<!tpu.dma_semaphore, #tpu.memory_space<semaphore_mem>>)
      %dma_start3A_18 = arith.constant 0 : i32
      %dma_start3A_19 = tpu.memref_slice %arg12[%scan3A_9, %dma_start3A_18] : memref<125x80xi32, #tpu.memory_space<vmem>> -> memref<1x80xi32, #tpu.memory_space<vmem>>
      %dma_start3A_20 = tpu.memref_squeeze %dma_start3A_19 : memref<1x80xi32, #tpu.memory_space<vmem>> -> memref<80xi32, #tpu.memory_space<vmem>>
      %dma_start3A_21 = arith.constant 0 : i32
      %dma_start3A_22 = arith.constant 0 : i32
      %dma_start3A_23 = tpu.memref_slice %arg3[%dma_start3A_21, %dma_start3A_22] : memref<10000x128xf32, #tpu.memory_space<hbm>> -> memref<10000x128xf32, #tpu.memory_space<hbm>>
      tpu.enqueue_indirect_dma source(%dma_start3A_23 : memref<10000x128xf32, #tpu.memory_space<hbm>>) target(%arg14 : memref<80x128xf32, #tpu.memory_space<vmem>>) offsets(%dma_start3A_20 : memref<80xi32, #tpu.memory_space<vmem>>) semaphore(%arg17 : memref<!tpu.dma_semaphore, #tpu.memory_space<semaphore_mem>>)
      %dma_start3A_24 = arith.constant 0 : i32
      %dma_start3A_25 = tpu.memref_slice %arg11[%scan3A_9, %dma_start3A_24] : memref<125x80xi32, #tpu.memory_space<vmem>> -> memref<1x80xi32, #tpu.memory_space<vmem>>
      %dma_start3A_26 = tpu.memref_squeeze %dma_start3A_25 : memref<1x80xi32, #tpu.memory_space<vmem>> -> memref<80xi32, #tpu.memory_space<vmem>>
      %dma_start3A_27 = arith.constant 0 : i32
      %dma_start3A_28 = arith.constant 0 : i32
      %dma_start3A_29 = tpu.memref_slice %arg4[%dma_start3A_27, %dma_start3A_28] : memref<10000x128xf32, #tpu.memory_space<hbm>> -> memref<10000x128xf32, #tpu.memory_space<hbm>>
      tpu.enqueue_indirect_dma source(%dma_start3A_29 : memref<10000x128xf32, #tpu.memory_space<hbm>>) target(%arg15 : memref<80x128xf32, #tpu.memory_space<vmem>>) offsets(%dma_start3A_26 : memref<80xi32, #tpu.memory_space<vmem>>) semaphore(%arg17 : memref<!tpu.dma_semaphore, #tpu.memory_space<semaphore_mem>>)
      %dma_start3A_30 = arith.constant 0 : i32
      %dma_start3A_31 = tpu.memref_slice %arg12[%scan3A_9, %dma_start3A_30] : memref<125x80xi32, #tpu.memory_space<vmem>> -> memref<1x80xi32, #tpu.memory_space<vmem>>
      %dma_start3A_32 = tpu.memref_squeeze %dma_start3A_31 : memref<1x80xi32, #tpu.memory_space<vmem>> -> memref<80xi32, #tpu.memory_space<vmem>>
      %dma_start3A_33 = arith.constant 0 : i32
      %dma_start3A_34 = arith.constant 0 : i32
      %dma_start3A_35 = tpu.memref_slice %arg4[%dma_start3A_33, %dma_start3A_34] : memref<10000x128xf32, #tpu.memory_space<hbm>> -> memref<10000x128xf32, #tpu.memory_space<hbm>>
      tpu.enqueue_indirect_dma source(%dma_start3A_35 : memref<10000x128xf32, #tpu.memory_space<hbm>>) target(%arg16 : memref<80x128xf32, #tpu.memory_space<vmem>>) offsets(%dma_start3A_32 : memref<80xi32, #tpu.memory_space<vmem>>) semaphore(%arg17 : memref<!tpu.dma_semaphore, #tpu.memory_space<semaphore_mem>>)
      %dma_wait3A = arith.constant 0 : i32
      %dma_wait3A_36 = tpu.memref_slice %arg11[%scan3A_9, %dma_wait3A] : memref<125x80xi32, #tpu.memory_space<vmem>> -> memref<1x80xi32, #tpu.memory_space<vmem>>
      %dma_wait3A_37 = tpu.memref_squeeze %dma_wait3A_36 : memref<1x80xi32, #tpu.memory_space<vmem>> -> memref<80xi32, #tpu.memory_space<vmem>>
      %dma_wait3A_38 = arith.constant 0 : i32
      %dma_wait3A_39 = arith.constant 0 : i32
      %dma_wait3A_40 = tpu.memref_slice %arg2[%dma_wait3A_38, %dma_wait3A_39] : memref<10000x128xf32, #tpu.memory_space<hbm>> -> memref<10000x128xf32, #tpu.memory_space<hbm>>
      tpu.wait_indirect_dma semaphore(%arg17 : memref<!tpu.dma_semaphore, #tpu.memory_space<semaphore_mem>>) src(%dma_wait3A_40 : memref<10000x128xf32, #tpu.memory_space<hbm>>) dst(%arg13 : memref<80x128xf32, #tpu.memory_space<vmem>>)
      %dma_wait3A_41 = arith.constant 0 : i32
      %dma_wait3A_42 = tpu.memref_slice %arg12[%scan3A_9, %dma_wait3A_41] : memref<125x80xi32, #tpu.memory_space<vmem>> -> memref<1x80xi32, #tpu.memory_space<vmem>>
      %dma_wait3A_43 = tpu.memref_squeeze %dma_wait3A_42 : memref<1x80xi32, #tpu.memory_space<vmem>> -> memref<80xi32, #tpu.memory_space<vmem>>
      %dma_wait3A_44 = arith.constant 0 : i32
      %dma_wait3A_45 = arith.constant 0 : i32
      %dma_wait3A_46 = tpu.memref_slice %arg3[%dma_wait3A_44, %dma_wait3A_45] : memref<10000x128xf32, #tpu.memory_space<hbm>> -> memref<10000x128xf32, #tpu.memory_space<hbm>>
      tpu.wait_indirect_dma semaphore(%arg17 : memref<!tpu.dma_semaphore, #tpu.memory_space<semaphore_mem>>) src(%dma_wait3A_46 : memref<10000x128xf32, #tpu.memory_space<hbm>>) dst(%arg14 : memref<80x128xf32, #tpu.memory_space<vmem>>)
      %dma_wait3A_47 = arith.constant 0 : i32
      %dma_wait3A_48 = tpu.memref_slice %arg11[%scan3A_9, %dma_wait3A_47] : memref<125x80xi32, #tpu.memory_space<vmem>> -> memref<1x80xi32, #tpu.memory_space<vmem>>
      %dma_wait3A_49 = tpu.memref_squeeze %dma_wait3A_48 : memref<1x80xi32, #tpu.memory_space<vmem>> -> memref<80xi32, #tpu.memory_space<vmem>>
      %dma_wait3A_50 = arith.constant 0 : i32
      %dma_wait3A_51 = arith.constant 0 : i32
      %dma_wait3A_52 = tpu.memref_slice %arg4[%dma_wait3A_50, %dma_wait3A_51] : memref<10000x128xf32, #tpu.memory_space<hbm>> -> memref<10000x128xf32, #tpu.memory_space<hbm>>
      tpu.wait_indirect_dma semaphore(%arg17 : memref<!tpu.dma_semaphore, #tpu.memory_space<semaphore_mem>>) src(%dma_wait3A_52 : memref<10000x128xf32, #tpu.memory_space<hbm>>) dst(%arg15 : memref<80x128xf32, #tpu.memory_space<vmem>>)
      %dma_wait3A_53 = arith.constant 0 : i32
      %dma_wait3A_54 = tpu.memref_slice %arg12[%scan3A_9, %dma_wait3A_53] : memref<125x80xi32, #tpu.memory_space<vmem>> -> memref<1x80xi32, #tpu.memory_space<vmem>>
      %dma_wait3A_55 = tpu.memref_squeeze %dma_wait3A_54 : memref<1x80xi32, #tpu.memory_space<vmem>> -> memref<80xi32, #tpu.memory_space<vmem>>
      %dma_wait3A_56 = arith.constant 0 : i32
      %dma_wait3A_57 = arith.constant 0 : i32
      %dma_wait3A_58 = tpu.memref_slice %arg4[%dma_wait3A_56, %dma_wait3A_57] : memref<10000x128xf32, #tpu.memory_space<hbm>> -> memref<10000x128xf32, #tpu.memory_space<hbm>>
      tpu.wait_indirect_dma semaphore(%arg17 : memref<!tpu.dma_semaphore, #tpu.memory_space<semaphore_mem>>) src(%dma_wait3A_58 : memref<10000x128xf32, #tpu.memory_space<hbm>>) dst(%arg16 : memref<80x128xf32, #tpu.memory_space<vmem>>)
      "tpu.region"() ({
        %run_scoped3A = tpu.sem_alloc : memref<!tpu.dma_semaphore, #tpu.memory_space<semaphore_mem>>
        %dma_start3A_59 = arith.constant 0 : i32
        %dma_start3A_60 = tpu.memref_slice %arg7[%add3A_12, %dma_start3A_59] : memref<320000x128xf32, #tpu.memory_space<hbm>> -> memref<80x128xf32, #tpu.memory_space<hbm>>
        %dma_start3A_61 = arith.constant 0 : i32
        %dma_start3A_62 = tpu.memref_slice %arg7[%add3A_12, %dma_start3A_61] : memref<320000x128xf32, #tpu.memory_space<hbm>> -> memref<80x128xf32, #tpu.memory_space<hbm>>
        tpu.enqueue_dma source(%arg13 : memref<80x128xf32, #tpu.memory_space<vmem>>) target(%dma_start3A_62 : memref<80x128xf32, #tpu.memory_space<hbm>>) target_semaphore(%run_scoped3A : memref<!tpu.dma_semaphore, #tpu.memory_space<semaphore_mem>>)
        %dma_wait3A_63 = arith.constant 0 : i32
        %dma_wait3A_64 = tpu.memref_slice %arg7[%add3A_12, %dma_wait3A_63] : memref<320000x128xf32, #tpu.memory_space<hbm>> -> memref<80x128xf32, #tpu.memory_space<hbm>>
        %dma_wait3A_65 = arith.constant 0 : i32
        %dma_wait3A_66 = tpu.memref_slice %arg7[%add3A_12, %dma_wait3A_65] : memref<320000x128xf32, #tpu.memory_space<hbm>> -> memref<80x128xf32, #tpu.memory_space<hbm>>
        tpu.wait_dma2 semaphore(%run_scoped3A : memref<!tpu.dma_semaphore, #tpu.memory_space<semaphore_mem>>) src(%arg13 : memref<80x128xf32, #tpu.memory_space<vmem>>) dst(%dma_wait3A_66 : memref<80x128xf32, #tpu.memory_space<hbm>>)
        tpu.yield
      }) : () -> ()
      "tpu.region"() ({
        %run_scoped3A = tpu.sem_alloc : memref<!tpu.dma_semaphore, #tpu.memory_space<semaphore_mem>>
        %dma_start3A_59 = arith.constant 0 : i32
        %dma_start3A_60 = tpu.memref_slice %arg8[%add3A_12, %dma_start3A_59] : memref<320000x128xf32, #tpu.memory_space<hbm>> -> memref<80x128xf32, #tpu.memory_space<hbm>>
        %dma_start3A_61 = arith.constant 0 : i32
        %dma_start3A_62 = tpu.memref_slice %arg8[%add3A_12, %dma_start3A_61] : memref<320000x128xf32, #tpu.memory_space<hbm>> -> memref<80x128xf32, #tpu.memory_space<hbm>>
        tpu.enqueue_dma source(%arg14 : memref<80x128xf32, #tpu.memory_space<vmem>>) target(%dma_start3A_62 : memref<80x128xf32, #tpu.memory_space<hbm>>) target_semaphore(%run_scoped3A : memref<!tpu.dma_semaphore, #tpu.memory_space<semaphore_mem>>)
        %dma_wait3A_63 = arith.constant 0 : i32
        %dma_wait3A_64 = tpu.memref_slice %arg8[%add3A_12, %dma_wait3A_63] : memref<320000x128xf32, #tpu.memory_space<hbm>> -> memref<80x128xf32, #tpu.memory_space<hbm>>
        %dma_wait3A_65 = arith.constant 0 : i32
        %dma_wait3A_66 = tpu.memref_slice %arg8[%add3A_12, %dma_wait3A_65] : memref<320000x128xf32, #tpu.memory_space<hbm>> -> memref<80x128xf32, #tpu.memory_space<hbm>>
        tpu.wait_dma2 semaphore(%run_scoped3A : memref<!tpu.dma_semaphore, #tpu.memory_space<semaphore_mem>>) src(%arg14 : memref<80x128xf32, #tpu.memory_space<vmem>>) dst(%dma_wait3A_66 : memref<80x128xf32, #tpu.memory_space<hbm>>)
        tpu.yield
      }) : () -> ()
      "tpu.region"() ({
        %run_scoped3A = tpu.sem_alloc : memref<!tpu.dma_semaphore, #tpu.memory_space<semaphore_mem>>
        %dma_start3A_59 = arith.constant 0 : i32
        %dma_start3A_60 = tpu.memref_slice %arg9[%add3A_12, %dma_start3A_59] : memref<320000x128xf32, #tpu.memory_space<hbm>> -> memref<80x128xf32, #tpu.memory_space<hbm>>
        %dma_start3A_61 = arith.constant 0 : i32
        %dma_start3A_62 = tpu.memref_slice %arg9[%add3A_12, %dma_start3A_61] : memref<320000x128xf32, #tpu.memory_space<hbm>> -> memref<80x128xf32, #tpu.memory_space<hbm>>
        tpu.enqueue_dma source(%arg15 : memref<80x128xf32, #tpu.memory_space<vmem>>) target(%dma_start3A_62 : memref<80x128xf32, #tpu.memory_space<hbm>>) target_semaphore(%run_scoped3A : memref<!tpu.dma_semaphore, #tpu.memory_space<semaphore_mem>>)
        %dma_wait3A_63 = arith.constant 0 : i32
        %dma_wait3A_64 = tpu.memref_slice %arg9[%add3A_12, %dma_wait3A_63] : memref<320000x128xf32, #tpu.memory_space<hbm>> -> memref<80x128xf32, #tpu.memory_space<hbm>>
        %dma_wait3A_65 = arith.constant 0 : i32
        %dma_wait3A_66 = tpu.memref_slice %arg9[%add3A_12, %dma_wait3A_65] : memref<320000x128xf32, #tpu.memory_space<hbm>> -> memref<80x128xf32, #tpu.memory_space<hbm>>
        tpu.wait_dma2 semaphore(%run_scoped3A : memref<!tpu.dma_semaphore, #tpu.memory_space<semaphore_mem>>) src(%arg15 : memref<80x128xf32, #tpu.memory_space<vmem>>) dst(%dma_wait3A_66 : memref<80x128xf32, #tpu.memory_space<hbm>>)
        tpu.yield
      }) : () -> ()
      "tpu.region"() ({
        %run_scoped3A = tpu.sem_alloc : memref<!tpu.dma_semaphore, #tpu.memory_space<semaphore_mem>>
        %dma_start3A_59 = arith.constant 0 : i32
        %dma_start3A_60 = tpu.memref_slice %arg10[%add3A_12, %dma_start3A_59] : memref<320000x128xf32, #tpu.memory_space<hbm>> -> memref<80x128xf32, #tpu.memory_space<hbm>>
        %dma_start3A_61 = arith.constant 0 : i32
        %dma_start3A_62 = tpu.memref_slice %arg10[%add3A_12, %dma_start3A_61] : memref<320000x128xf32, #tpu.memory_space<hbm>> -> memref<80x128xf32, #tpu.memory_space<hbm>>
        tpu.enqueue_dma source(%arg16 : memref<80x128xf32, #tpu.memory_space<vmem>>) target(%dma_start3A_62 : memref<80x128xf32, #tpu.memory_space<hbm>>) target_semaphore(%run_scoped3A : memref<!tpu.dma_semaphore, #tpu.memory_space<semaphore_mem>>)
        %dma_wait3A_63 = arith.constant 0 : i32
        %dma_wait3A_64 = tpu.memref_slice %arg10[%add3A_12, %dma_wait3A_63] : memref<320000x128xf32, #tpu.memory_space<hbm>> -> memref<80x128xf32, #tpu.memory_space<hbm>>
        %dma_wait3A_65 = arith.constant 0 : i32
        %dma_wait3A_66 = tpu.memref_slice %arg10[%add3A_12, %dma_wait3A_65] : memref<320000x128xf32, #tpu.memory_space<hbm>> -> memref<80x128xf32, #tpu.memory_space<hbm>>
        tpu.wait_dma2 semaphore(%run_scoped3A : memref<!tpu.dma_semaphore, #tpu.memory_space<semaphore_mem>>) src(%arg16 : memref<80x128xf32, #tpu.memory_space<vmem>>) dst(%dma_wait3A_66 : memref<80x128xf32, #tpu.memory_space<hbm>>)
        tpu.yield
      }) : () -> ()
    }
    %scan3A_8 = arith.constant 125 : i32
    return
  }
}

#map = affine_map<(d0, d1) -> (0, 0)>
#map1 = affine_map<(d0, d1) -> (0, 0, 0)>
module attributes {stable_mosaic.version = 14 : i64} {
  func.func @_gather_body(%arg0: i32, %arg1: i32, %arg2: memref<10000x128xf32, #tpu.memory_space<hbm>>, %arg3: memref<10000x128xf32, #tpu.memory_space<hbm>>, %arg4: memref<10000x128xf32, #tpu.memory_space<hbm>>, %arg5: memref<32x125x80xi32, #tpu.memory_space<hbm>>, %arg6: memref<32x125x80xi32, #tpu.memory_space<hbm>>, %arg7: memref<320000x128xf32, #tpu.memory_space<hbm>>, %arg8: memref<320000x128xf32, #tpu.memory_space<hbm>>, %arg9: memref<320000x128xf32, #tpu.memory_space<hbm>>, %arg10: memref<320000x128xf32, #tpu.memory_space<hbm>>, %arg11: memref<125x80xi32, #tpu.memory_space<vmem>>, %arg12: memref<125x80xi32, #tpu.memory_space<vmem>>, %arg13: memref<80x128xf32, #tpu.memory_space<vmem>>, %arg14: memref<80x128xf32, #tpu.memory_space<vmem>>, %arg15: memref<80x128xf32, #tpu.memory_space<vmem>>, %arg16: memref<80x128xf32, #tpu.memory_space<vmem>>, %arg17: memref<!tpu.dma_semaphore, #tpu.memory_space<semaphore_mem>>) attributes {dimension_semantics = [#tpu.dimension_semantics<core_parallel>, #tpu.dimension_semantics<subcore_parallel>], iteration_bounds = array<i64: 2, 16>, scalar_prefetch = 0 : i64, scratch_operands = 7 : i64, tpu.core_type = #tpu.core_type<sc_vector_subcore>, window_params = [{transform_indices = #map}, {transform_indices = #map}, {transform_indices = #map}, {transform_indices = #map1}, {transform_indices = #map1}, {transform_indices = #map}, {transform_indices = #map}, {transform_indices = #map}, {transform_indices = #map}]} {
    %mul3A = arith.constant 2 : i32
    %mul3A_0 = arith.muli %arg1, %mul3A : i32
    %add3A = arith.addi %mul3A_0, %arg0 : i32
    %mul3A_1 = arith.constant 125 : i32
    %mul3A_2 = arith.muli %add3A, %mul3A_1 : i32
    %mul3A_3 = arith.constant 80 : i32
    %mul3A_4 = arith.muli %mul3A_2, %mul3A_3 : i32
    "tpu.region"() ({
      %run_scoped3A = tpu.sem_alloc : memref<!tpu.dma_semaphore, #tpu.memory_space<semaphore_mem>>
      %dma_start3A = arith.constant 0 : i32
      %dma_start3A_9 = arith.constant 0 : i32
      %dma_start3A_10 = tpu.memref_slice %arg5[%add3A, %dma_start3A, %dma_start3A_9] : memref<32x125x80xi32, #tpu.memory_space<hbm>> -> memref<1x125x80xi32, #tpu.memory_space<hbm>>
      %dma_start3A_11 = tpu.memref_squeeze %dma_start3A_10 : memref<1x125x80xi32, #tpu.memory_space<hbm>> -> memref<125x80xi32, #tpu.memory_space<hbm>>
      %dma_start3A_12 = arith.constant 0 : i32
      %dma_start3A_13 = arith.constant 0 : i32
      %dma_start3A_14 = tpu.memref_slice %arg5[%add3A, %dma_start3A_12, %dma_start3A_13] : memref<32x125x80xi32, #tpu.memory_space<hbm>> -> memref<1x125x80xi32, #tpu.memory_space<hbm>>
      %dma_start3A_15 = tpu.memref_squeeze %dma_start3A_14 : memref<1x125x80xi32, #tpu.memory_space<hbm>> -> memref<125x80xi32, #tpu.memory_space<hbm>>
      tpu.enqueue_dma source(%dma_start3A_15 : memref<125x80xi32, #tpu.memory_space<hbm>>) target(%arg11 : memref<125x80xi32, #tpu.memory_space<vmem>>) target_semaphore(%run_scoped3A : memref<!tpu.dma_semaphore, #tpu.memory_space<semaphore_mem>>)
      %dma_wait3A = arith.constant 0 : i32
      %dma_wait3A_16 = arith.constant 0 : i32
      %dma_wait3A_17 = tpu.memref_slice %arg5[%add3A, %dma_wait3A, %dma_wait3A_16] : memref<32x125x80xi32, #tpu.memory_space<hbm>> -> memref<1x125x80xi32, #tpu.memory_space<hbm>>
      %dma_wait3A_18 = tpu.memref_squeeze %dma_wait3A_17 : memref<1x125x80xi32, #tpu.memory_space<hbm>> -> memref<125x80xi32, #tpu.memory_space<hbm>>
      %dma_wait3A_19 = arith.constant 0 : i32
      %dma_wait3A_20 = arith.constant 0 : i32
      %dma_wait3A_21 = tpu.memref_slice %arg5[%add3A, %dma_wait3A_19, %dma_wait3A_20] : memref<32x125x80xi32, #tpu.memory_space<hbm>> -> memref<1x125x80xi32, #tpu.memory_space<hbm>>
      %dma_wait3A_22 = tpu.memref_squeeze %dma_wait3A_21 : memref<1x125x80xi32, #tpu.memory_space<hbm>> -> memref<125x80xi32, #tpu.memory_space<hbm>>
      tpu.wait_dma2 semaphore(%run_scoped3A : memref<!tpu.dma_semaphore, #tpu.memory_space<semaphore_mem>>) src(%dma_wait3A_22 : memref<125x80xi32, #tpu.memory_space<hbm>>) dst(%arg11 : memref<125x80xi32, #tpu.memory_space<vmem>>)
      tpu.yield
    }) : () -> ()
    "tpu.region"() ({
      %run_scoped3A = tpu.sem_alloc : memref<!tpu.dma_semaphore, #tpu.memory_space<semaphore_mem>>
      %dma_start3A = arith.constant 0 : i32
      %dma_start3A_9 = arith.constant 0 : i32
      %dma_start3A_10 = tpu.memref_slice %arg6[%add3A, %dma_start3A, %dma_start3A_9] : memref<32x125x80xi32, #tpu.memory_space<hbm>> -> memref<1x125x80xi32, #tpu.memory_space<hbm>>
      %dma_start3A_11 = tpu.memref_squeeze %dma_start3A_10 : memref<1x125x80xi32, #tpu.memory_space<hbm>> -> memref<125x80xi32, #tpu.memory_space<hbm>>
      %dma_start3A_12 = arith.constant 0 : i32
      %dma_start3A_13 = arith.constant 0 : i32
      %dma_start3A_14 = tpu.memref_slice %arg6[%add3A, %dma_start3A_12, %dma_start3A_13] : memref<32x125x80xi32, #tpu.memory_space<hbm>> -> memref<1x125x80xi32, #tpu.memory_space<hbm>>
      %dma_start3A_15 = tpu.memref_squeeze %dma_start3A_14 : memref<1x125x80xi32, #tpu.memory_space<hbm>> -> memref<125x80xi32, #tpu.memory_space<hbm>>
      tpu.enqueue_dma source(%dma_start3A_15 : memref<125x80xi32, #tpu.memory_space<hbm>>) target(%arg12 : memref<125x80xi32, #tpu.memory_space<vmem>>) target_semaphore(%run_scoped3A : memref<!tpu.dma_semaphore, #tpu.memory_space<semaphore_mem>>)
      %dma_wait3A = arith.constant 0 : i32
      %dma_wait3A_16 = arith.constant 0 : i32
      %dma_wait3A_17 = tpu.memref_slice %arg6[%add3A, %dma_wait3A, %dma_wait3A_16] : memref<32x125x80xi32, #tpu.memory_space<hbm>> -> memref<1x125x80xi32, #tpu.memory_space<hbm>>
      %dma_wait3A_18 = tpu.memref_squeeze %dma_wait3A_17 : memref<1x125x80xi32, #tpu.memory_space<hbm>> -> memref<125x80xi32, #tpu.memory_space<hbm>>
      %dma_wait3A_19 = arith.constant 0 : i32
      %dma_wait3A_20 = arith.constant 0 : i32
      %dma_wait3A_21 = tpu.memref_slice %arg6[%add3A, %dma_wait3A_19, %dma_wait3A_20] : memref<32x125x80xi32, #tpu.memory_space<hbm>> -> memref<1x125x80xi32, #tpu.memory_space<hbm>>
      %dma_wait3A_22 = tpu.memref_squeeze %dma_wait3A_21 : memref<1x125x80xi32, #tpu.memory_space<hbm>> -> memref<125x80xi32, #tpu.memory_space<hbm>>
      tpu.wait_dma2 semaphore(%run_scoped3A : memref<!tpu.dma_semaphore, #tpu.memory_space<semaphore_mem>>) src(%dma_wait3A_22 : memref<125x80xi32, #tpu.memory_space<hbm>>) dst(%arg12 : memref<125x80xi32, #tpu.memory_space<vmem>>)
      tpu.yield
    }) : () -> ()
    %scan3A = arith.constant 0 : i32
    %scan3A_5 = arith.constant 125 : i32
    %scan3A_6 = arith.addi %scan3A, %scan3A_5 : i32
    %scan3A_7 = arith.constant 1 : i32
    scf.for %scan3A_9 = %scan3A to %scan3A_6 step %scan3A_7  : i32 {
      %mul3A_10 = arith.constant 80 : i32
      %mul3A_11 = arith.muli %scan3A_9, %mul3A_10 : i32
      %add3A_12 = arith.addi %mul3A_4, %mul3A_11 : i32
      %dma_start3A = arith.constant 0 : i32
      %dma_start3A_13 = tpu.memref_slice %arg11[%scan3A_9, %dma_start3A] : memref<125x80xi32, #tpu.memory_space<vmem>> -> memref<1x80xi32, #tpu.memory_space<vmem>>
      %dma_start3A_14 = tpu.memref_squeeze %dma_start3A_13 : memref<1x80xi32, #tpu.memory_space<vmem>> -> memref<80xi32, #tpu.memory_space<vmem>>
      %dma_start3A_15 = arith.constant 0 : i32
      %dma_start3A_16 = arith.constant 0 : i32
      %dma_start3A_17 = tpu.memref_slice %arg2[%dma_start3A_15, %dma_start3A_16] : memref<10000x128xf32, #tpu.memory_space<hbm>> -> memref<10000x128xf32, #tpu.memory_space<hbm>>
      tpu.enqueue_indirect_dma source(%dma_start3A_17 : memref<10000x128xf32, #tpu.memory_space<hbm>>) target(%arg13 : memref<80x128xf32, #tpu.memory_space<vmem>>) offsets(%dma_start3A_14 : memref<80xi32, #tpu.memory_space<vmem>>) semaphore(%arg17 : memref<!tpu.dma_semaphore, #tpu.memory_space<semaphore_mem>>)
      %dma_start3A_18 = arith.constant 0 : i32
      %dma_start3A_19 = tpu.memref_slice %arg12[%scan3A_9, %dma_start3A_18] : memref<125x80xi32, #tpu.memory_space<vmem>> -> memref<1x80xi32, #tpu.memory_space<vmem>>
      %dma_start3A_20 = tpu.memref_squeeze %dma_start3A_19 : memref<1x80xi32, #tpu.memory_space<vmem>> -> memref<80xi32, #tpu.memory_space<vmem>>
      %dma_start3A_21 = arith.constant 0 : i32
      %dma_start3A_22 = arith.constant 0 : i32
      %dma_start3A_23 = tpu.memref_slice %arg3[%dma_start3A_21, %dma_start3A_22] : memref<10000x128xf32, #tpu.memory_space<hbm>> -> memref<10000x128xf32, #tpu.memory_space<hbm>>
      tpu.enqueue_indirect_dma source(%dma_start3A_23 : memref<10000x128xf32, #tpu.memory_space<hbm>>) target(%arg14 : memref<80x128xf32, #tpu.memory_space<vmem>>) offsets(%dma_start3A_20 : memref<80xi32, #tpu.memory_space<vmem>>) semaphore(%arg17 : memref<!tpu.dma_semaphore, #tpu.memory_space<semaphore_mem>>)
      %dma_start3A_24 = arith.constant 0 : i32
      %dma_start3A_25 = tpu.memref_slice %arg11[%scan3A_9, %dma_start3A_24] : memref<125x80xi32, #tpu.memory_space<vmem>> -> memref<1x80xi32, #tpu.memory_space<vmem>>
      %dma_start3A_26 = tpu.memref_squeeze %dma_start3A_25 : memref<1x80xi32, #tpu.memory_space<vmem>> -> memref<80xi32, #tpu.memory_space<vmem>>
      %dma_start3A_27 = arith.constant 0 : i32
      %dma_start3A_28 = arith.constant 0 : i32
      %dma_start3A_29 = tpu.memref_slice %arg4[%dma_start3A_27, %dma_start3A_28] : memref<10000x128xf32, #tpu.memory_space<hbm>> -> memref<10000x128xf32, #tpu.memory_space<hbm>>
      tpu.enqueue_indirect_dma source(%dma_start3A_29 : memref<10000x128xf32, #tpu.memory_space<hbm>>) target(%arg15 : memref<80x128xf32, #tpu.memory_space<vmem>>) offsets(%dma_start3A_26 : memref<80xi32, #tpu.memory_space<vmem>>) semaphore(%arg17 : memref<!tpu.dma_semaphore, #tpu.memory_space<semaphore_mem>>)
      %dma_start3A_30 = arith.constant 0 : i32
      %dma_start3A_31 = tpu.memref_slice %arg12[%scan3A_9, %dma_start3A_30] : memref<125x80xi32, #tpu.memory_space<vmem>> -> memref<1x80xi32, #tpu.memory_space<vmem>>
      %dma_start3A_32 = tpu.memref_squeeze %dma_start3A_31 : memref<1x80xi32, #tpu.memory_space<vmem>> -> memref<80xi32, #tpu.memory_space<vmem>>
      %dma_start3A_33 = arith.constant 0 : i32
      %dma_start3A_34 = arith.constant 0 : i32
      %dma_start3A_35 = tpu.memref_slice %arg4[%dma_start3A_33, %dma_start3A_34] : memref<10000x128xf32, #tpu.memory_space<hbm>> -> memref<10000x128xf32, #tpu.memory_space<hbm>>
      tpu.enqueue_indirect_dma source(%dma_start3A_35 : memref<10000x128xf32, #tpu.memory_space<hbm>>) target(%arg16 : memref<80x128xf32, #tpu.memory_space<vmem>>) offsets(%dma_start3A_32 : memref<80xi32, #tpu.memory_space<vmem>>) semaphore(%arg17 : memref<!tpu.dma_semaphore, #tpu.memory_space<semaphore_mem>>)
      %dma_wait3A = arith.constant 0 : i32
      %dma_wait3A_36 = tpu.memref_slice %arg11[%scan3A_9, %dma_wait3A] : memref<125x80xi32, #tpu.memory_space<vmem>> -> memref<1x80xi32, #tpu.memory_space<vmem>>
      %dma_wait3A_37 = tpu.memref_squeeze %dma_wait3A_36 : memref<1x80xi32, #tpu.memory_space<vmem>> -> memref<80xi32, #tpu.memory_space<vmem>>
      %dma_wait3A_38 = arith.constant 0 : i32
      %dma_wait3A_39 = arith.constant 0 : i32
      %dma_wait3A_40 = tpu.memref_slice %arg2[%dma_wait3A_38, %dma_wait3A_39] : memref<10000x128xf32, #tpu.memory_space<hbm>> -> memref<10000x128xf32, #tpu.memory_space<hbm>>
      tpu.wait_indirect_dma semaphore(%arg17 : memref<!tpu.dma_semaphore, #tpu.memory_space<semaphore_mem>>) src(%dma_wait3A_40 : memref<10000x128xf32, #tpu.memory_space<hbm>>) dst(%arg13 : memref<80x128xf32, #tpu.memory_space<vmem>>)
      %dma_wait3A_41 = arith.constant 0 : i32
      %dma_wait3A_42 = tpu.memref_slice %arg12[%scan3A_9, %dma_wait3A_41] : memref<125x80xi32, #tpu.memory_space<vmem>> -> memref<1x80xi32, #tpu.memory_space<vmem>>
      %dma_wait3A_43 = tpu.memref_squeeze %dma_wait3A_42 : memref<1x80xi32, #tpu.memory_space<vmem>> -> memref<80xi32, #tpu.memory_space<vmem>>
      %dma_wait3A_44 = arith.constant 0 : i32
      %dma_wait3A_45 = arith.constant 0 : i32
      %dma_wait3A_46 = tpu.memref_slice %arg3[%dma_wait3A_44, %dma_wait3A_45] : memref<10000x128xf32, #tpu.memory_space<hbm>> -> memref<10000x128xf32, #tpu.memory_space<hbm>>
      tpu.wait_indirect_dma semaphore(%arg17 : memref<!tpu.dma_semaphore, #tpu.memory_space<semaphore_mem>>) src(%dma_wait3A_46 : memref<10000x128xf32, #tpu.memory_space<hbm>>) dst(%arg14 : memref<80x128xf32, #tpu.memory_space<vmem>>)
      %dma_wait3A_47 = arith.constant 0 : i32
      %dma_wait3A_48 = tpu.memref_slice %arg11[%scan3A_9, %dma_wait3A_47] : memref<125x80xi32, #tpu.memory_space<vmem>> -> memref<1x80xi32, #tpu.memory_space<vmem>>
      %dma_wait3A_49 = tpu.memref_squeeze %dma_wait3A_48 : memref<1x80xi32, #tpu.memory_space<vmem>> -> memref<80xi32, #tpu.memory_space<vmem>>
      %dma_wait3A_50 = arith.constant 0 : i32
      %dma_wait3A_51 = arith.constant 0 : i32
      %dma_wait3A_52 = tpu.memref_slice %arg4[%dma_wait3A_50, %dma_wait3A_51] : memref<10000x128xf32, #tpu.memory_space<hbm>> -> memref<10000x128xf32, #tpu.memory_space<hbm>>
      tpu.wait_indirect_dma semaphore(%arg17 : memref<!tpu.dma_semaphore, #tpu.memory_space<semaphore_mem>>) src(%dma_wait3A_52 : memref<10000x128xf32, #tpu.memory_space<hbm>>) dst(%arg15 : memref<80x128xf32, #tpu.memory_space<vmem>>)
      %dma_wait3A_53 = arith.constant 0 : i32
      %dma_wait3A_54 = tpu.memref_slice %arg12[%scan3A_9, %dma_wait3A_53] : memref<125x80xi32, #tpu.memory_space<vmem>> -> memref<1x80xi32, #tpu.memory_space<vmem>>
      %dma_wait3A_55 = tpu.memref_squeeze %dma_wait3A_54 : memref<1x80xi32, #tpu.memory_space<vmem>> -> memref<80xi32, #tpu.memory_space<vmem>>
      %dma_wait3A_56 = arith.constant 0 : i32
      %dma_wait3A_57 = arith.constant 0 : i32
      %dma_wait3A_58 = tpu.memref_slice %arg4[%dma_wait3A_56, %dma_wait3A_57] : memref<10000x128xf32, #tpu.memory_space<hbm>> -> memref<10000x128xf32, #tpu.memory_space<hbm>>
      tpu.wait_indirect_dma semaphore(%arg17 : memref<!tpu.dma_semaphore, #tpu.memory_space<semaphore_mem>>) src(%dma_wait3A_58 : memref<10000x128xf32, #tpu.memory_space<hbm>>) dst(%arg16 : memref<80x128xf32, #tpu.memory_space<vmem>>)
      "tpu.region"() ({
        %run_scoped3A = tpu.sem_alloc : memref<!tpu.dma_semaphore, #tpu.memory_space<semaphore_mem>>
        %dma_start3A_59 = arith.constant 0 : i32
        %dma_start3A_60 = tpu.memref_slice %arg7[%add3A_12, %dma_start3A_59] : memref<320000x128xf32, #tpu.memory_space<hbm>> -> memref<80x128xf32, #tpu.memory_space<hbm>>
        %dma_start3A_61 = arith.constant 0 : i32
        %dma_start3A_62 = tpu.memref_slice %arg7[%add3A_12, %dma_start3A_61] : memref<320000x128xf32, #tpu.memory_space<hbm>> -> memref<80x128xf32, #tpu.memory_space<hbm>>
        tpu.enqueue_dma source(%arg13 : memref<80x128xf32, #tpu.memory_space<vmem>>) target(%dma_start3A_62 : memref<80x128xf32, #tpu.memory_space<hbm>>) target_semaphore(%run_scoped3A : memref<!tpu.dma_semaphore, #tpu.memory_space<semaphore_mem>>)
        %dma_wait3A_63 = arith.constant 0 : i32
        %dma_wait3A_64 = tpu.memref_slice %arg7[%add3A_12, %dma_wait3A_63] : memref<320000x128xf32, #tpu.memory_space<hbm>> -> memref<80x128xf32, #tpu.memory_space<hbm>>
        %dma_wait3A_65 = arith.constant 0 : i32
        %dma_wait3A_66 = tpu.memref_slice %arg7[%add3A_12, %dma_wait3A_65] : memref<320000x128xf32, #tpu.memory_space<hbm>> -> memref<80x128xf32, #tpu.memory_space<hbm>>
        tpu.wait_dma2 semaphore(%run_scoped3A : memref<!tpu.dma_semaphore, #tpu.memory_space<semaphore_mem>>) src(%arg13 : memref<80x128xf32, #tpu.memory_space<vmem>>) dst(%dma_wait3A_66 : memref<80x128xf32, #tpu.memory_space<hbm>>)
        tpu.yield
      }) : () -> ()
      "tpu.region"() ({
        %run_scoped3A = tpu.sem_alloc : memref<!tpu.dma_semaphore, #tpu.memory_space<semaphore_mem>>
        %dma_start3A_59 = arith.constant 0 : i32
        %dma_start3A_60 = tpu.memref_slice %arg8[%add3A_12, %dma_start3A_59] : memref<320000x128xf32, #tpu.memory_space<hbm>> -> memref<80x128xf32, #tpu.memory_space<hbm>>
        %dma_start3A_61 = arith.constant 0 : i32
        %dma_start3A_62 = tpu.memref_slice %arg8[%add3A_12, %dma_start3A_61] : memref<320000x128xf32, #tpu.memory_space<hbm>> -> memref<80x128xf32, #tpu.memory_space<hbm>>
        tpu.enqueue_dma source(%arg14 : memref<80x128xf32, #tpu.memory_space<vmem>>) target(%dma_start3A_62 : memref<80x128xf32, #tpu.memory_space<hbm>>) target_semaphore(%run_scoped3A : memref<!tpu.dma_semaphore, #tpu.memory_space<semaphore_mem>>)
        %dma_wait3A_63 = arith.constant 0 : i32
        %dma_wait3A_64 = tpu.memref_slice %arg8[%add3A_12, %dma_wait3A_63] : memref<320000x128xf32, #tpu.memory_space<hbm>> -> memref<80x128xf32, #tpu.memory_space<hbm>>
        %dma_wait3A_65 = arith.constant 0 : i32
        %dma_wait3A_66 = tpu.memref_slice %arg8[%add3A_12, %dma_wait3A_65] : memref<320000x128xf32, #tpu.memory_space<hbm>> -> memref<80x128xf32, #tpu.memory_space<hbm>>
        tpu.wait_dma2 semaphore(%run_scoped3A : memref<!tpu.dma_semaphore, #tpu.memory_space<semaphore_mem>>) src(%arg14 : memref<80x128xf32, #tpu.memory_space<vmem>>) dst(%dma_wait3A_66 : memref<80x128xf32, #tpu.memory_space<hbm>>)
        tpu.yield
      }) : () -> ()
      "tpu.region"() ({
        %run_scoped3A = tpu.sem_alloc : memref<!tpu.dma_semaphore, #tpu.memory_space<semaphore_mem>>
        %dma_start3A_59 = arith.constant 0 : i32
        %dma_start3A_60 = tpu.memref_slice %arg9[%add3A_12, %dma_start3A_59] : memref<320000x128xf32, #tpu.memory_space<hbm>> -> memref<80x128xf32, #tpu.memory_space<hbm>>
        %dma_start3A_61 = arith.constant 0 : i32
        %dma_start3A_62 = tpu.memref_slice %arg9[%add3A_12, %dma_start3A_61] : memref<320000x128xf32, #tpu.memory_space<hbm>> -> memref<80x128xf32, #tpu.memory_space<hbm>>
        tpu.enqueue_dma source(%arg15 : memref<80x128xf32, #tpu.memory_space<vmem>>) target(%dma_start3A_62 : memref<80x128xf32, #tpu.memory_space<hbm>>) target_semaphore(%run_scoped3A : memref<!tpu.dma_semaphore, #tpu.memory_space<semaphore_mem>>)
        %dma_wait3A_63 = arith.constant 0 : i32
        %dma_wait3A_64 = tpu.memref_slice %arg9[%add3A_12, %dma_wait3A_63] : memref<320000x128xf32, #tpu.memory_space<hbm>> -> memref<80x128xf32, #tpu.memory_space<hbm>>
        %dma_wait3A_65 = arith.constant 0 : i32
        %dma_wait3A_66 = tpu.memref_slice %arg9[%add3A_12, %dma_wait3A_65] : memref<320000x128xf32, #tpu.memory_space<hbm>> -> memref<80x128xf32, #tpu.memory_space<hbm>>
        tpu.wait_dma2 semaphore(%run_scoped3A : memref<!tpu.dma_semaphore, #tpu.memory_space<semaphore_mem>>) src(%arg15 : memref<80x128xf32, #tpu.memory_space<vmem>>) dst(%dma_wait3A_66 : memref<80x128xf32, #tpu.memory_space<hbm>>)
        tpu.yield
      }) : () -> ()
      "tpu.region"() ({
        %run_scoped3A = tpu.sem_alloc : memref<!tpu.dma_semaphore, #tpu.memory_space<semaphore_mem>>
        %dma_start3A_59 = arith.constant 0 : i32
        %dma_start3A_60 = tpu.memref_slice %arg10[%add3A_12, %dma_start3A_59] : memref<320000x128xf32, #tpu.memory_space<hbm>> -> memref<80x128xf32, #tpu.memory_space<hbm>>
        %dma_start3A_61 = arith.constant 0 : i32
        %dma_start3A_62 = tpu.memref_slice %arg10[%add3A_12, %dma_start3A_61] : memref<320000x128xf32, #tpu.memory_space<hbm>> -> memref<80x128xf32, #tpu.memory_space<hbm>>
        tpu.enqueue_dma source(%arg16 : memref<80x128xf32, #tpu.memory_space<vmem>>) target(%dma_start3A_62 : memref<80x128xf32, #tpu.memory_space<hbm>>) target_semaphore(%run_scoped3A : memref<!tpu.dma_semaphore, #tpu.memory_space<semaphore_mem>>)
        %dma_wait3A_63 = arith.constant 0 : i32
        %dma_wait3A_64 = tpu.memref_slice %arg10[%add3A_12, %dma_wait3A_63] : memref<320000x128xf32, #tpu.memory_space<hbm>> -> memref<80x128xf32, #tpu.memory_space<hbm>>
        %dma_wait3A_65 = arith.constant 0 : i32
        %dma_wait3A_66 = tpu.memref_slice %arg10[%add3A_12, %dma_wait3A_65] : memref<320000x128xf32, #tpu.memory_space<hbm>> -> memref<80x128xf32, #tpu.memory_space<hbm>>
        tpu.wait_dma2 semaphore(%run_scoped3A : memref<!tpu.dma_semaphore, #tpu.memory_space<semaphore_mem>>) src(%arg16 : memref<80x128xf32, #tpu.memory_space<vmem>>) dst(%dma_wait3A_66 : memref<80x128xf32, #tpu.memory_space<hbm>>)
        tpu.yield
      }) : () -> ()
    }
    %scan3A_8 = arith.constant 125 : i32
    return
  }
}

#map = affine_map<(d0, d1) -> (0, 0)>
#map1 = affine_map<(d0, d1) -> (0, 0, 0)>
module attributes {stable_mosaic.version = 14 : i64} {
  func.func @_scatter_body(%arg0: i32, %arg1: i32, %arg2: memref<320000x128xf32, #tpu.memory_space<hbm>>, %arg3: memref<32x125x80xi32, #tpu.memory_space<hbm>>, %arg4: memref<10000x128xf32, #tpu.memory_space<hbm>>, %arg5: memref<2x10000x128xf32, #tpu.memory_space<hbm>>, %arg6: memref<125x80xi32, #tpu.memory_space<vmem>>, %arg7: memref<80x128xf32, #tpu.memory_space<vmem>>, %arg8: memref<10000x128xf32, #tpu.memory_space<vmem_shared>>) attributes {dimension_semantics = [#tpu.dimension_semantics<core_parallel>, #tpu.dimension_semantics<subcore_parallel>], iteration_bounds = array<i64: 2, 16>, scalar_prefetch = 0 : i64, scratch_operands = 3 : i64, tpu.core_type = #tpu.core_type<sc_vector_subcore>, window_params = [{transform_indices = #map}, {transform_indices = #map1}, {transform_indices = #map}, {transform_indices = #map1}]} {
    %mul3A = arith.constant 2 : i32
    %mul3A_0 = arith.muli %arg1, %mul3A : i32
    %add3A = arith.addi %mul3A_0, %arg0 : i32
    %mul3A_1 = arith.constant 125 : i32
    %mul3A_2 = arith.muli %add3A, %mul3A_1 : i32
    %mul3A_3 = arith.constant 80 : i32
    %mul3A_4 = arith.muli %mul3A_2, %mul3A_3 : i32
    "tpu.region"() ({
      %run_scoped3A = tpu.sem_alloc : memref<!tpu.dma_semaphore, #tpu.memory_space<semaphore_mem>>
      %dma_start3A = arith.constant 0 : i32
      %dma_start3A_23 = arith.constant 0 : i32
      %dma_start3A_24 = tpu.memref_slice %arg3[%add3A, %dma_start3A, %dma_start3A_23] : memref<32x125x80xi32, #tpu.memory_space<hbm>> -> memref<1x125x80xi32, #tpu.memory_space<hbm>>
      %dma_start3A_25 = tpu.memref_squeeze %dma_start3A_24 : memref<1x125x80xi32, #tpu.memory_space<hbm>> -> memref<125x80xi32, #tpu.memory_space<hbm>>
      %dma_start3A_26 = arith.constant 0 : i32
      %dma_start3A_27 = arith.constant 0 : i32
      %dma_start3A_28 = tpu.memref_slice %arg3[%add3A, %dma_start3A_26, %dma_start3A_27] : memref<32x125x80xi32, #tpu.memory_space<hbm>> -> memref<1x125x80xi32, #tpu.memory_space<hbm>>
      %dma_start3A_29 = tpu.memref_squeeze %dma_start3A_28 : memref<1x125x80xi32, #tpu.memory_space<hbm>> -> memref<125x80xi32, #tpu.memory_space<hbm>>
      tpu.enqueue_dma source(%dma_start3A_29 : memref<125x80xi32, #tpu.memory_space<hbm>>) target(%arg6 : memref<125x80xi32, #tpu.memory_space<vmem>>) target_semaphore(%run_scoped3A : memref<!tpu.dma_semaphore, #tpu.memory_space<semaphore_mem>>)
      %dma_wait3A = arith.constant 0 : i32
      %dma_wait3A_30 = arith.constant 0 : i32
      %dma_wait3A_31 = tpu.memref_slice %arg3[%add3A, %dma_wait3A, %dma_wait3A_30] : memref<32x125x80xi32, #tpu.memory_space<hbm>> -> memref<1x125x80xi32, #tpu.memory_space<hbm>>
      %dma_wait3A_32 = tpu.memref_squeeze %dma_wait3A_31 : memref<1x125x80xi32, #tpu.memory_space<hbm>> -> memref<125x80xi32, #tpu.memory_space<hbm>>
      %dma_wait3A_33 = arith.constant 0 : i32
      %dma_wait3A_34 = arith.constant 0 : i32
      %dma_wait3A_35 = tpu.memref_slice %arg3[%add3A, %dma_wait3A_33, %dma_wait3A_34] : memref<32x125x80xi32, #tpu.memory_space<hbm>> -> memref<1x125x80xi32, #tpu.memory_space<hbm>>
      %dma_wait3A_36 = tpu.memref_squeeze %dma_wait3A_35 : memref<1x125x80xi32, #tpu.memory_space<hbm>> -> memref<125x80xi32, #tpu.memory_space<hbm>>
      tpu.wait_dma2 semaphore(%run_scoped3A : memref<!tpu.dma_semaphore, #tpu.memory_space<semaphore_mem>>) src(%dma_wait3A_36 : memref<125x80xi32, #tpu.memory_space<hbm>>) dst(%arg6 : memref<125x80xi32, #tpu.memory_space<vmem>>)
      tpu.yield
    }) : () -> ()
    %eq3A = arith.constant 0 : i32
    %eq3A_5 = arith.cmpi eq, %arg1, %eq3A : i32
    %convert_element_type3A = arith.extui %eq3A_5 : i1 to i32
    %cond3A = arith.constant 0 : i32
    %cond3A_6 = arith.cmpi ne, %convert_element_type3A, %cond3A : i32
    scf.if %cond3A_6 {
      "tpu.region"() ({
        %run_scoped3A = tpu.sem_alloc : memref<!tpu.dma_semaphore, #tpu.memory_space<semaphore_mem>>
        tpu.enqueue_dma source(%arg4 : memref<10000x128xf32, #tpu.memory_space<hbm>>) target(%arg8 : memref<10000x128xf32, #tpu.memory_space<vmem_shared>>) target_semaphore(%run_scoped3A : memref<!tpu.dma_semaphore, #tpu.memory_space<semaphore_mem>>)
        tpu.wait_dma2 semaphore(%run_scoped3A : memref<!tpu.dma_semaphore, #tpu.memory_space<semaphore_mem>>) src(%arg4 : memref<10000x128xf32, #tpu.memory_space<hbm>>) dst(%arg8 : memref<10000x128xf32, #tpu.memory_space<vmem_shared>>)
        tpu.yield
      }) : () -> ()
    } else {
    }
    %barrier3A = arith.constant 0 : index
    tpu.barrier barrier_id(%barrier3A)
    %scan3A = arith.constant 0 : i32
    %scan3A_7 = arith.constant 125 : i32
    %scan3A_8 = arith.addi %scan3A, %scan3A_7 : i32
    %scan3A_9 = arith.constant 1 : i32
    scf.for %scan3A_23 = %scan3A to %scan3A_8 step %scan3A_9  : i32 {
      %mul3A_24 = arith.constant 80 : i32
      %mul3A_25 = arith.muli %scan3A_23, %mul3A_24 : i32
      %add3A_26 = arith.addi %mul3A_4, %mul3A_25 : i32
      "tpu.region"() ({
        %run_scoped3A = tpu.sem_alloc : memref<!tpu.dma_semaphore, #tpu.memory_space<semaphore_mem>>
        %dma_start3A = arith.constant 0 : i32
        %dma_start3A_27 = tpu.memref_slice %arg2[%add3A_26, %dma_start3A] : memref<320000x128xf32, #tpu.memory_space<hbm>> -> memref<80x128xf32, #tpu.memory_space<hbm>>
        %dma_start3A_28 = arith.constant 0 : i32
        %dma_start3A_29 = tpu.memref_slice %arg2[%add3A_26, %dma_start3A_28] : memref<320000x128xf32, #tpu.memory_space<hbm>> -> memref<80x128xf32, #tpu.memory_space<hbm>>
        tpu.enqueue_dma source(%dma_start3A_29 : memref<80x128xf32, #tpu.memory_space<hbm>>) target(%arg7 : memref<80x128xf32, #tpu.memory_space<vmem>>) target_semaphore(%run_scoped3A : memref<!tpu.dma_semaphore, #tpu.memory_space<semaphore_mem>>)
        %dma_wait3A = arith.constant 0 : i32
        %dma_wait3A_30 = tpu.memref_slice %arg2[%add3A_26, %dma_wait3A] : memref<320000x128xf32, #tpu.memory_space<hbm>> -> memref<80x128xf32, #tpu.memory_space<hbm>>
        %dma_wait3A_31 = arith.constant 0 : i32
        %dma_wait3A_32 = tpu.memref_slice %arg2[%add3A_26, %dma_wait3A_31] : memref<320000x128xf32, #tpu.memory_space<hbm>> -> memref<80x128xf32, #tpu.memory_space<hbm>>
        tpu.wait_dma2 semaphore(%run_scoped3A : memref<!tpu.dma_semaphore, #tpu.memory_space<semaphore_mem>>) src(%dma_wait3A_32 : memref<80x128xf32, #tpu.memory_space<hbm>>) dst(%arg7 : memref<80x128xf32, #tpu.memory_space<vmem>>)
        tpu.yield
      }) : () -> ()
      "tpu.region"() ({
        %run_scoped3A = tpu.sem_alloc : memref<!tpu.dma_semaphore, #tpu.memory_space<semaphore_mem>>
        %dma_start3A = arith.constant 0 : i32
        %dma_start3A_27 = tpu.memref_slice %arg6[%scan3A_23, %dma_start3A] : memref<125x80xi32, #tpu.memory_space<vmem>> -> memref<1x80xi32, #tpu.memory_space<vmem>>
        %dma_start3A_28 = tpu.memref_squeeze %dma_start3A_27 : memref<1x80xi32, #tpu.memory_space<vmem>> -> memref<80xi32, #tpu.memory_space<vmem>>
        %dma_start3A_29 = arith.constant 0 : i32
        %dma_start3A_30 = arith.constant 0 : i32
        %dma_start3A_31 = tpu.memref_slice %arg8[%dma_start3A_29, %dma_start3A_30] : memref<10000x128xf32, #tpu.memory_space<vmem_shared>> -> memref<10000x128xf32, #tpu.memory_space<vmem_shared>>
        tpu.enqueue_indirect_dma source(%arg7 : memref<80x128xf32, #tpu.memory_space<vmem>>) target(%dma_start3A_31 : memref<10000x128xf32, #tpu.memory_space<vmem_shared>>) offsets(%dma_start3A_28 : memref<80xi32, #tpu.memory_space<vmem>>) semaphore(%run_scoped3A : memref<!tpu.dma_semaphore, #tpu.memory_space<semaphore_mem>>) {add = true}
        %dma_wait3A = arith.constant 0 : i32
        %dma_wait3A_32 = tpu.memref_slice %arg6[%scan3A_23, %dma_wait3A] : memref<125x80xi32, #tpu.memory_space<vmem>> -> memref<1x80xi32, #tpu.memory_space<vmem>>
        %dma_wait3A_33 = tpu.memref_squeeze %dma_wait3A_32 : memref<1x80xi32, #tpu.memory_space<vmem>> -> memref<80xi32, #tpu.memory_space<vmem>>
        %dma_wait3A_34 = arith.constant 0 : i32
        %dma_wait3A_35 = arith.constant 0 : i32
        %dma_wait3A_36 = tpu.memref_slice %arg8[%dma_wait3A_34, %dma_wait3A_35] : memref<10000x128xf32, #tpu.memory_space<vmem_shared>> -> memref<10000x128xf32, #tpu.memory_space<vmem_shared>>
        tpu.wait_indirect_dma semaphore(%run_scoped3A : memref<!tpu.dma_semaphore, #tpu.memory_space<semaphore_mem>>) src(%arg7 : memref<80x128xf32, #tpu.memory_space<vmem>>) dst(%dma_wait3A_36 : memref<10000x128xf32, #tpu.memory_space<vmem_shared>>)
        tpu.yield
      }) : () -> ()
    }
    %scan3A_10 = arith.constant 125 : i32
    %barrier3A_11 = arith.constant 0 : index
    tpu.barrier barrier_id(%barrier3A_11)
    %mul3A_12 = arith.constant 624 : i32
    %mul3A_13 = arith.muli %arg1, %mul3A_12 : i32
    %lt3A = arith.constant 15 : i32
    %lt3A_14 = arith.cmpi slt, %arg1, %lt3A : i32
    %convert_element_type3A_15 = arith.extui %lt3A_14 : i1 to i32
    %cond3A_16 = arith.constant 0 : i32
    %cond3A_17 = arith.cmpi ne, %convert_element_type3A_15, %cond3A_16 : i32
    scf.if %cond3A_17 {
      "tpu.region"() ({
        %run_scoped3A = tpu.sem_alloc : memref<!tpu.dma_semaphore, #tpu.memory_space<semaphore_mem>>
        %dma_start3A = arith.constant 0 : i32
        %dma_start3A_23 = tpu.memref_slice %arg5[%arg0, %mul3A_13, %dma_start3A] : memref<2x10000x128xf32, #tpu.memory_space<hbm>> -> memref<1x624x128xf32, #tpu.memory_space<hbm>>
        %dma_start3A_24 = tpu.memref_squeeze %dma_start3A_23 : memref<1x624x128xf32, #tpu.memory_space<hbm>> -> memref<624x128xf32, #tpu.memory_space<hbm>>
        %dma_start3A_25 = arith.constant 0 : i32
        %dma_start3A_26 = tpu.memref_slice %arg8[%mul3A_13, %dma_start3A_25] : memref<10000x128xf32, #tpu.memory_space<vmem_shared>> -> memref<624x128xf32, #tpu.memory_space<vmem_shared>>
        tpu.enqueue_dma source(%dma_start3A_26 : memref<624x128xf32, #tpu.memory_space<vmem_shared>>) target(%dma_start3A_24 : memref<624x128xf32, #tpu.memory_space<hbm>>) target_semaphore(%run_scoped3A : memref<!tpu.dma_semaphore, #tpu.memory_space<semaphore_mem>>)
        %dma_wait3A = arith.constant 0 : i32
        %dma_wait3A_27 = tpu.memref_slice %arg5[%arg0, %mul3A_13, %dma_wait3A] : memref<2x10000x128xf32, #tpu.memory_space<hbm>> -> memref<1x624x128xf32, #tpu.memory_space<hbm>>
        %dma_wait3A_28 = tpu.memref_squeeze %dma_wait3A_27 : memref<1x624x128xf32, #tpu.memory_space<hbm>> -> memref<624x128xf32, #tpu.memory_space<hbm>>
        %dma_wait3A_29 = arith.constant 0 : i32
        %dma_wait3A_30 = tpu.memref_slice %arg8[%mul3A_13, %dma_wait3A_29] : memref<10000x128xf32, #tpu.memory_space<vmem_shared>> -> memref<624x128xf32, #tpu.memory_space<vmem_shared>>
        tpu.wait_dma2 semaphore(%run_scoped3A : memref<!tpu.dma_semaphore, #tpu.memory_space<semaphore_mem>>) src(%dma_wait3A_30 : memref<624x128xf32, #tpu.memory_space<vmem_shared>>) dst(%dma_wait3A_28 : memref<624x128xf32, #tpu.memory_space<hbm>>)
        tpu.yield
      }) : () -> ()
    } else {
    }
    %eq3A_18 = arith.constant 15 : i32
    %eq3A_19 = arith.cmpi eq, %arg1, %eq3A_18 : i32
    %convert_element_type3A_20 = arith.extui %eq3A_19 : i1 to i32
    %cond3A_21 = arith.constant 0 : i32
    %cond3A_22 = arith.cmpi ne, %convert_element_type3A_20, %cond3A_21 : i32
    scf.if %cond3A_22 {
      "tpu.region"() ({
        %run_scoped3A = tpu.sem_alloc : memref<!tpu.dma_semaphore, #tpu.memory_space<semaphore_mem>>
        %dma_start3A = arith.constant 9360 : i32
        %dma_start3A_23 = arith.constant 0 : i32
        %dma_start3A_24 = tpu.memref_slice %arg5[%arg0, %dma_start3A, %dma_start3A_23] : memref<2x10000x128xf32, #tpu.memory_space<hbm>> -> memref<1x640x128xf32, #tpu.memory_space<hbm>>
        %dma_start3A_25 = tpu.memref_squeeze %dma_start3A_24 : memref<1x640x128xf32, #tpu.memory_space<hbm>> -> memref<640x128xf32, #tpu.memory_space<hbm>>
        %dma_start3A_26 = arith.constant 9360 : i32
        %dma_start3A_27 = arith.constant 0 : i32
        %dma_start3A_28 = tpu.memref_slice %arg8[%dma_start3A_26, %dma_start3A_27] : memref<10000x128xf32, #tpu.memory_space<vmem_shared>> -> memref<640x128xf32, #tpu.memory_space<vmem_shared>>
        tpu.enqueue_dma source(%dma_start3A_28 : memref<640x128xf32, #tpu.memory_space<vmem_shared>>) target(%dma_start3A_25 : memref<640x128xf32, #tpu.memory_space<hbm>>) target_semaphore(%run_scoped3A : memref<!tpu.dma_semaphore, #tpu.memory_space<semaphore_mem>>)
        %dma_wait3A = arith.constant 9360 : i32
        %dma_wait3A_29 = arith.constant 0 : i32
        %dma_wait3A_30 = tpu.memref_slice %arg5[%arg0, %dma_wait3A, %dma_wait3A_29] : memref<2x10000x128xf32, #tpu.memory_space<hbm>> -> memref<1x640x128xf32, #tpu.memory_space<hbm>>
        %dma_wait3A_31 = tpu.memref_squeeze %dma_wait3A_30 : memref<1x640x128xf32, #tpu.memory_space<hbm>> -> memref<640x128xf32, #tpu.memory_space<hbm>>
        %dma_wait3A_32 = arith.constant 9360 : i32
        %dma_wait3A_33 = arith.constant 0 : i32
        %dma_wait3A_34 = tpu.memref_slice %arg8[%dma_wait3A_32, %dma_wait3A_33] : memref<10000x128xf32, #tpu.memory_space<vmem_shared>> -> memref<640x128xf32, #tpu.memory_space<vmem_shared>>
        tpu.wait_dma2 semaphore(%run_scoped3A : memref<!tpu.dma_semaphore, #tpu.memory_space<semaphore_mem>>) src(%dma_wait3A_34 : memref<640x128xf32, #tpu.memory_space<vmem_shared>>) dst(%dma_wait3A_31 : memref<640x128xf32, #tpu.memory_space<hbm>>)
        tpu.yield
      }) : () -> ()
    } else {
    }
    return
  }
}

#map = affine_map<(d0, d1) -> (0, 0)>
#map1 = affine_map<(d0, d1) -> (0, 0, 0)>
module attributes {stable_mosaic.version = 14 : i64} {
  func.func @_scatter_body(%arg0: i32, %arg1: i32, %arg2: memref<320000x128xf32, #tpu.memory_space<hbm>>, %arg3: memref<32x125x80xi32, #tpu.memory_space<hbm>>, %arg4: memref<10000x128xf32, #tpu.memory_space<hbm>>, %arg5: memref<2x10000x128xf32, #tpu.memory_space<hbm>>, %arg6: memref<125x80xi32, #tpu.memory_space<vmem>>, %arg7: memref<80x128xf32, #tpu.memory_space<vmem>>, %arg8: memref<10000x128xf32, #tpu.memory_space<vmem_shared>>) attributes {dimension_semantics = [#tpu.dimension_semantics<core_parallel>, #tpu.dimension_semantics<subcore_parallel>], iteration_bounds = array<i64: 2, 16>, scalar_prefetch = 0 : i64, scratch_operands = 3 : i64, tpu.core_type = #tpu.core_type<sc_vector_subcore>, window_params = [{transform_indices = #map}, {transform_indices = #map1}, {transform_indices = #map}, {transform_indices = #map1}]} {
    %mul3A = arith.constant 2 : i32
    %mul3A_0 = arith.muli %arg1, %mul3A : i32
    %add3A = arith.addi %mul3A_0, %arg0 : i32
    %mul3A_1 = arith.constant 125 : i32
    %mul3A_2 = arith.muli %add3A, %mul3A_1 : i32
    %mul3A_3 = arith.constant 80 : i32
    %mul3A_4 = arith.muli %mul3A_2, %mul3A_3 : i32
    "tpu.region"() ({
      %run_scoped3A = tpu.sem_alloc : memref<!tpu.dma_semaphore, #tpu.memory_space<semaphore_mem>>
      %dma_start3A = arith.constant 0 : i32
      %dma_start3A_23 = arith.constant 0 : i32
      %dma_start3A_24 = tpu.memref_slice %arg3[%add3A, %dma_start3A, %dma_start3A_23] : memref<32x125x80xi32, #tpu.memory_space<hbm>> -> memref<1x125x80xi32, #tpu.memory_space<hbm>>
      %dma_start3A_25 = tpu.memref_squeeze %dma_start3A_24 : memref<1x125x80xi32, #tpu.memory_space<hbm>> -> memref<125x80xi32, #tpu.memory_space<hbm>>
      %dma_start3A_26 = arith.constant 0 : i32
      %dma_start3A_27 = arith.constant 0 : i32
      %dma_start3A_28 = tpu.memref_slice %arg3[%add3A, %dma_start3A_26, %dma_start3A_27] : memref<32x125x80xi32, #tpu.memory_space<hbm>> -> memref<1x125x80xi32, #tpu.memory_space<hbm>>
      %dma_start3A_29 = tpu.memref_squeeze %dma_start3A_28 : memref<1x125x80xi32, #tpu.memory_space<hbm>> -> memref<125x80xi32, #tpu.memory_space<hbm>>
      tpu.enqueue_dma source(%dma_start3A_29 : memref<125x80xi32, #tpu.memory_space<hbm>>) target(%arg6 : memref<125x80xi32, #tpu.memory_space<vmem>>) target_semaphore(%run_scoped3A : memref<!tpu.dma_semaphore, #tpu.memory_space<semaphore_mem>>)
      %dma_wait3A = arith.constant 0 : i32
      %dma_wait3A_30 = arith.constant 0 : i32
      %dma_wait3A_31 = tpu.memref_slice %arg3[%add3A, %dma_wait3A, %dma_wait3A_30] : memref<32x125x80xi32, #tpu.memory_space<hbm>> -> memref<1x125x80xi32, #tpu.memory_space<hbm>>
      %dma_wait3A_32 = tpu.memref_squeeze %dma_wait3A_31 : memref<1x125x80xi32, #tpu.memory_space<hbm>> -> memref<125x80xi32, #tpu.memory_space<hbm>>
      %dma_wait3A_33 = arith.constant 0 : i32
      %dma_wait3A_34 = arith.constant 0 : i32
      %dma_wait3A_35 = tpu.memref_slice %arg3[%add3A, %dma_wait3A_33, %dma_wait3A_34] : memref<32x125x80xi32, #tpu.memory_space<hbm>> -> memref<1x125x80xi32, #tpu.memory_space<hbm>>
      %dma_wait3A_36 = tpu.memref_squeeze %dma_wait3A_35 : memref<1x125x80xi32, #tpu.memory_space<hbm>> -> memref<125x80xi32, #tpu.memory_space<hbm>>
      tpu.wait_dma2 semaphore(%run_scoped3A : memref<!tpu.dma_semaphore, #tpu.memory_space<semaphore_mem>>) src(%dma_wait3A_36 : memref<125x80xi32, #tpu.memory_space<hbm>>) dst(%arg6 : memref<125x80xi32, #tpu.memory_space<vmem>>)
      tpu.yield
    }) : () -> ()
    %eq3A = arith.constant 0 : i32
    %eq3A_5 = arith.cmpi eq, %arg1, %eq3A : i32
    %convert_element_type3A = arith.extui %eq3A_5 : i1 to i32
    %cond3A = arith.constant 0 : i32
    %cond3A_6 = arith.cmpi ne, %convert_element_type3A, %cond3A : i32
    scf.if %cond3A_6 {
      "tpu.region"() ({
        %run_scoped3A = tpu.sem_alloc : memref<!tpu.dma_semaphore, #tpu.memory_space<semaphore_mem>>
        tpu.enqueue_dma source(%arg4 : memref<10000x128xf32, #tpu.memory_space<hbm>>) target(%arg8 : memref<10000x128xf32, #tpu.memory_space<vmem_shared>>) target_semaphore(%run_scoped3A : memref<!tpu.dma_semaphore, #tpu.memory_space<semaphore_mem>>)
        tpu.wait_dma2 semaphore(%run_scoped3A : memref<!tpu.dma_semaphore, #tpu.memory_space<semaphore_mem>>) src(%arg4 : memref<10000x128xf32, #tpu.memory_space<hbm>>) dst(%arg8 : memref<10000x128xf32, #tpu.memory_space<vmem_shared>>)
        tpu.yield
      }) : () -> ()
    } else {
    }
    %barrier3A = arith.constant 0 : index
    tpu.barrier barrier_id(%barrier3A)
    %scan3A = arith.constant 0 : i32
    %scan3A_7 = arith.constant 125 : i32
    %scan3A_8 = arith.addi %scan3A, %scan3A_7 : i32
    %scan3A_9 = arith.constant 1 : i32
    scf.for %scan3A_23 = %scan3A to %scan3A_8 step %scan3A_9  : i32 {
      %mul3A_24 = arith.constant 80 : i32
      %mul3A_25 = arith.muli %scan3A_23, %mul3A_24 : i32
      %add3A_26 = arith.addi %mul3A_4, %mul3A_25 : i32
      "tpu.region"() ({
        %run_scoped3A = tpu.sem_alloc : memref<!tpu.dma_semaphore, #tpu.memory_space<semaphore_mem>>
        %dma_start3A = arith.constant 0 : i32
        %dma_start3A_27 = tpu.memref_slice %arg2[%add3A_26, %dma_start3A] : memref<320000x128xf32, #tpu.memory_space<hbm>> -> memref<80x128xf32, #tpu.memory_space<hbm>>
        %dma_start3A_28 = arith.constant 0 : i32
        %dma_start3A_29 = tpu.memref_slice %arg2[%add3A_26, %dma_start3A_28] : memref<320000x128xf32, #tpu.memory_space<hbm>> -> memref<80x128xf32, #tpu.memory_space<hbm>>
        tpu.enqueue_dma source(%dma_start3A_29 : memref<80x128xf32, #tpu.memory_space<hbm>>) target(%arg7 : memref<80x128xf32, #tpu.memory_space<vmem>>) target_semaphore(%run_scoped3A : memref<!tpu.dma_semaphore, #tpu.memory_space<semaphore_mem>>)
        %dma_wait3A = arith.constant 0 : i32
        %dma_wait3A_30 = tpu.memref_slice %arg2[%add3A_26, %dma_wait3A] : memref<320000x128xf32, #tpu.memory_space<hbm>> -> memref<80x128xf32, #tpu.memory_space<hbm>>
        %dma_wait3A_31 = arith.constant 0 : i32
        %dma_wait3A_32 = tpu.memref_slice %arg2[%add3A_26, %dma_wait3A_31] : memref<320000x128xf32, #tpu.memory_space<hbm>> -> memref<80x128xf32, #tpu.memory_space<hbm>>
        tpu.wait_dma2 semaphore(%run_scoped3A : memref<!tpu.dma_semaphore, #tpu.memory_space<semaphore_mem>>) src(%dma_wait3A_32 : memref<80x128xf32, #tpu.memory_space<hbm>>) dst(%arg7 : memref<80x128xf32, #tpu.memory_space<vmem>>)
        tpu.yield
      }) : () -> ()
      "tpu.region"() ({
        %run_scoped3A = tpu.sem_alloc : memref<!tpu.dma_semaphore, #tpu.memory_space<semaphore_mem>>
        %dma_start3A = arith.constant 0 : i32
        %dma_start3A_27 = tpu.memref_slice %arg6[%scan3A_23, %dma_start3A] : memref<125x80xi32, #tpu.memory_space<vmem>> -> memref<1x80xi32, #tpu.memory_space<vmem>>
        %dma_start3A_28 = tpu.memref_squeeze %dma_start3A_27 : memref<1x80xi32, #tpu.memory_space<vmem>> -> memref<80xi32, #tpu.memory_space<vmem>>
        %dma_start3A_29 = arith.constant 0 : i32
        %dma_start3A_30 = arith.constant 0 : i32
        %dma_start3A_31 = tpu.memref_slice %arg8[%dma_start3A_29, %dma_start3A_30] : memref<10000x128xf32, #tpu.memory_space<vmem_shared>> -> memref<10000x128xf32, #tpu.memory_space<vmem_shared>>
        tpu.enqueue_indirect_dma source(%arg7 : memref<80x128xf32, #tpu.memory_space<vmem>>) target(%dma_start3A_31 : memref<10000x128xf32, #tpu.memory_space<vmem_shared>>) offsets(%dma_start3A_28 : memref<80xi32, #tpu.memory_space<vmem>>) semaphore(%run_scoped3A : memref<!tpu.dma_semaphore, #tpu.memory_space<semaphore_mem>>) {add = true}
        %dma_wait3A = arith.constant 0 : i32
        %dma_wait3A_32 = tpu.memref_slice %arg6[%scan3A_23, %dma_wait3A] : memref<125x80xi32, #tpu.memory_space<vmem>> -> memref<1x80xi32, #tpu.memory_space<vmem>>
        %dma_wait3A_33 = tpu.memref_squeeze %dma_wait3A_32 : memref<1x80xi32, #tpu.memory_space<vmem>> -> memref<80xi32, #tpu.memory_space<vmem>>
        %dma_wait3A_34 = arith.constant 0 : i32
        %dma_wait3A_35 = arith.constant 0 : i32
        %dma_wait3A_36 = tpu.memref_slice %arg8[%dma_wait3A_34, %dma_wait3A_35] : memref<10000x128xf32, #tpu.memory_space<vmem_shared>> -> memref<10000x128xf32, #tpu.memory_space<vmem_shared>>
        tpu.wait_indirect_dma semaphore(%run_scoped3A : memref<!tpu.dma_semaphore, #tpu.memory_space<semaphore_mem>>) src(%arg7 : memref<80x128xf32, #tpu.memory_space<vmem>>) dst(%dma_wait3A_36 : memref<10000x128xf32, #tpu.memory_space<vmem_shared>>)
        tpu.yield
      }) : () -> ()
    }
    %scan3A_10 = arith.constant 125 : i32
    %barrier3A_11 = arith.constant 0 : index
    tpu.barrier barrier_id(%barrier3A_11)
    %mul3A_12 = arith.constant 624 : i32
    %mul3A_13 = arith.muli %arg1, %mul3A_12 : i32
    %lt3A = arith.constant 15 : i32
    %lt3A_14 = arith.cmpi slt, %arg1, %lt3A : i32
    %convert_element_type3A_15 = arith.extui %lt3A_14 : i1 to i32
    %cond3A_16 = arith.constant 0 : i32
    %cond3A_17 = arith.cmpi ne, %convert_element_type3A_15, %cond3A_16 : i32
    scf.if %cond3A_17 {
      "tpu.region"() ({
        %run_scoped3A = tpu.sem_alloc : memref<!tpu.dma_semaphore, #tpu.memory_space<semaphore_mem>>
        %dma_start3A = arith.constant 0 : i32
        %dma_start3A_23 = tpu.memref_slice %arg5[%arg0, %mul3A_13, %dma_start3A] : memref<2x10000x128xf32, #tpu.memory_space<hbm>> -> memref<1x624x128xf32, #tpu.memory_space<hbm>>
        %dma_start3A_24 = tpu.memref_squeeze %dma_start3A_23 : memref<1x624x128xf32, #tpu.memory_space<hbm>> -> memref<624x128xf32, #tpu.memory_space<hbm>>
        %dma_start3A_25 = arith.constant 0 : i32
        %dma_start3A_26 = tpu.memref_slice %arg8[%mul3A_13, %dma_start3A_25] : memref<10000x128xf32, #tpu.memory_space<vmem_shared>> -> memref<624x128xf32, #tpu.memory_space<vmem_shared>>
        tpu.enqueue_dma source(%dma_start3A_26 : memref<624x128xf32, #tpu.memory_space<vmem_shared>>) target(%dma_start3A_24 : memref<624x128xf32, #tpu.memory_space<hbm>>) target_semaphore(%run_scoped3A : memref<!tpu.dma_semaphore, #tpu.memory_space<semaphore_mem>>)
        %dma_wait3A = arith.constant 0 : i32
        %dma_wait3A_27 = tpu.memref_slice %arg5[%arg0, %mul3A_13, %dma_wait3A] : memref<2x10000x128xf32, #tpu.memory_space<hbm>> -> memref<1x624x128xf32, #tpu.memory_space<hbm>>
        %dma_wait3A_28 = tpu.memref_squeeze %dma_wait3A_27 : memref<1x624x128xf32, #tpu.memory_space<hbm>> -> memref<624x128xf32, #tpu.memory_space<hbm>>
        %dma_wait3A_29 = arith.constant 0 : i32
        %dma_wait3A_30 = tpu.memref_slice %arg8[%mul3A_13, %dma_wait3A_29] : memref<10000x128xf32, #tpu.memory_space<vmem_shared>> -> memref<624x128xf32, #tpu.memory_space<vmem_shared>>
        tpu.wait_dma2 semaphore(%run_scoped3A : memref<!tpu.dma_semaphore, #tpu.memory_space<semaphore_mem>>) src(%dma_wait3A_30 : memref<624x128xf32, #tpu.memory_space<vmem_shared>>) dst(%dma_wait3A_28 : memref<624x128xf32, #tpu.memory_space<hbm>>)
        tpu.yield
      }) : () -> ()
    } else {
    }
    %eq3A_18 = arith.constant 15 : i32
    %eq3A_19 = arith.cmpi eq, %arg1, %eq3A_18 : i32
    %convert_element_type3A_20 = arith.extui %eq3A_19 : i1 to i32
    %cond3A_21 = arith.constant 0 : i32
    %cond3A_22 = arith.cmpi ne, %convert_element_type3A_20, %cond3A_21 : i32
    scf.if %cond3A_22 {
      "tpu.region"() ({
        %run_scoped3A = tpu.sem_alloc : memref<!tpu.dma_semaphore, #tpu.memory_space<semaphore_mem>>
        %dma_start3A = arith.constant 9360 : i32
        %dma_start3A_23 = arith.constant 0 : i32
        %dma_start3A_24 = tpu.memref_slice %arg5[%arg0, %dma_start3A, %dma_start3A_23] : memref<2x10000x128xf32, #tpu.memory_space<hbm>> -> memref<1x640x128xf32, #tpu.memory_space<hbm>>
        %dma_start3A_25 = tpu.memref_squeeze %dma_start3A_24 : memref<1x640x128xf32, #tpu.memory_space<hbm>> -> memref<640x128xf32, #tpu.memory_space<hbm>>
        %dma_start3A_26 = arith.constant 9360 : i32
        %dma_start3A_27 = arith.constant 0 : i32
        %dma_start3A_28 = tpu.memref_slice %arg8[%dma_start3A_26, %dma_start3A_27] : memref<10000x128xf32, #tpu.memory_space<vmem_shared>> -> memref<640x128xf32, #tpu.memory_space<vmem_shared>>
        tpu.enqueue_dma source(%dma_start3A_28 : memref<640x128xf32, #tpu.memory_space<vmem_shared>>) target(%dma_start3A_25 : memref<640x128xf32, #tpu.memory_space<hbm>>) target_semaphore(%run_scoped3A : memref<!tpu.dma_semaphore, #tpu.memory_space<semaphore_mem>>)
        %dma_wait3A = arith.constant 9360 : i32
        %dma_wait3A_29 = arith.constant 0 : i32
        %dma_wait3A_30 = tpu.memref_slice %arg5[%arg0, %dma_wait3A, %dma_wait3A_29] : memref<2x10000x128xf32, #tpu.memory_space<hbm>> -> memref<1x640x128xf32, #tpu.memory_space<hbm>>
        %dma_wait3A_31 = tpu.memref_squeeze %dma_wait3A_30 : memref<1x640x128xf32, #tpu.memory_space<hbm>> -> memref<640x128xf32, #tpu.memory_space<hbm>>
        %dma_wait3A_32 = arith.constant 9360 : i32
        %dma_wait3A_33 = arith.constant 0 : i32
        %dma_wait3A_34 = tpu.memref_slice %arg8[%dma_wait3A_32, %dma_wait3A_33] : memref<10000x128xf32, #tpu.memory_space<vmem_shared>> -> memref<640x128xf32, #tpu.memory_space<vmem_shared>>
        tpu.wait_dma2 semaphore(%run_scoped3A : memref<!tpu.dma_semaphore, #tpu.memory_space<semaphore_mem>>) src(%dma_wait3A_34 : memref<640x128xf32, #tpu.memory_space<vmem_shared>>) dst(%dma_wait3A_31 : memref<640x128xf32, #tpu.memory_space<hbm>>)
        tpu.yield
      }) : () -> ()
    } else {
    }
    return
  }
}

#map = affine_map<(d0, d1) -> (0, 0)>
#map1 = affine_map<(d0, d1) -> (0, 0, 0)>
module attributes {stable_mosaic.version = 14 : i64} {
  func.func @_scatter_body(%arg0: i32, %arg1: i32, %arg2: memref<320000x128xf32, #tpu.memory_space<hbm>>, %arg3: memref<32x125x80xi32, #tpu.memory_space<hbm>>, %arg4: memref<10000x128xf32, #tpu.memory_space<hbm>>, %arg5: memref<2x10000x128xf32, #tpu.memory_space<hbm>>, %arg6: memref<125x80xi32, #tpu.memory_space<vmem>>, %arg7: memref<80x128xf32, #tpu.memory_space<vmem>>, %arg8: memref<10000x128xf32, #tpu.memory_space<vmem_shared>>) attributes {dimension_semantics = [#tpu.dimension_semantics<core_parallel>, #tpu.dimension_semantics<subcore_parallel>], iteration_bounds = array<i64: 2, 16>, scalar_prefetch = 0 : i64, scratch_operands = 3 : i64, tpu.core_type = #tpu.core_type<sc_vector_subcore>, window_params = [{transform_indices = #map}, {transform_indices = #map1}, {transform_indices = #map}, {transform_indices = #map1}]} {
    %mul3A = arith.constant 2 : i32
    %mul3A_0 = arith.muli %arg1, %mul3A : i32
    %add3A = arith.addi %mul3A_0, %arg0 : i32
    %mul3A_1 = arith.constant 125 : i32
    %mul3A_2 = arith.muli %add3A, %mul3A_1 : i32
    %mul3A_3 = arith.constant 80 : i32
    %mul3A_4 = arith.muli %mul3A_2, %mul3A_3 : i32
    "tpu.region"() ({
      %run_scoped3A = tpu.sem_alloc : memref<!tpu.dma_semaphore, #tpu.memory_space<semaphore_mem>>
      %dma_start3A = arith.constant 0 : i32
      %dma_start3A_23 = arith.constant 0 : i32
      %dma_start3A_24 = tpu.memref_slice %arg3[%add3A, %dma_start3A, %dma_start3A_23] : memref<32x125x80xi32, #tpu.memory_space<hbm>> -> memref<1x125x80xi32, #tpu.memory_space<hbm>>
      %dma_start3A_25 = tpu.memref_squeeze %dma_start3A_24 : memref<1x125x80xi32, #tpu.memory_space<hbm>> -> memref<125x80xi32, #tpu.memory_space<hbm>>
      %dma_start3A_26 = arith.constant 0 : i32
      %dma_start3A_27 = arith.constant 0 : i32
      %dma_start3A_28 = tpu.memref_slice %arg3[%add3A, %dma_start3A_26, %dma_start3A_27] : memref<32x125x80xi32, #tpu.memory_space<hbm>> -> memref<1x125x80xi32, #tpu.memory_space<hbm>>
      %dma_start3A_29 = tpu.memref_squeeze %dma_start3A_28 : memref<1x125x80xi32, #tpu.memory_space<hbm>> -> memref<125x80xi32, #tpu.memory_space<hbm>>
      tpu.enqueue_dma source(%dma_start3A_29 : memref<125x80xi32, #tpu.memory_space<hbm>>) target(%arg6 : memref<125x80xi32, #tpu.memory_space<vmem>>) target_semaphore(%run_scoped3A : memref<!tpu.dma_semaphore, #tpu.memory_space<semaphore_mem>>)
      %dma_wait3A = arith.constant 0 : i32
      %dma_wait3A_30 = arith.constant 0 : i32
      %dma_wait3A_31 = tpu.memref_slice %arg3[%add3A, %dma_wait3A, %dma_wait3A_30] : memref<32x125x80xi32, #tpu.memory_space<hbm>> -> memref<1x125x80xi32, #tpu.memory_space<hbm>>
      %dma_wait3A_32 = tpu.memref_squeeze %dma_wait3A_31 : memref<1x125x80xi32, #tpu.memory_space<hbm>> -> memref<125x80xi32, #tpu.memory_space<hbm>>
      %dma_wait3A_33 = arith.constant 0 : i32
      %dma_wait3A_34 = arith.constant 0 : i32
      %dma_wait3A_35 = tpu.memref_slice %arg3[%add3A, %dma_wait3A_33, %dma_wait3A_34] : memref<32x125x80xi32, #tpu.memory_space<hbm>> -> memref<1x125x80xi32, #tpu.memory_space<hbm>>
      %dma_wait3A_36 = tpu.memref_squeeze %dma_wait3A_35 : memref<1x125x80xi32, #tpu.memory_space<hbm>> -> memref<125x80xi32, #tpu.memory_space<hbm>>
      tpu.wait_dma2 semaphore(%run_scoped3A : memref<!tpu.dma_semaphore, #tpu.memory_space<semaphore_mem>>) src(%dma_wait3A_36 : memref<125x80xi32, #tpu.memory_space<hbm>>) dst(%arg6 : memref<125x80xi32, #tpu.memory_space<vmem>>)
      tpu.yield
    }) : () -> ()
    %eq3A = arith.constant 0 : i32
    %eq3A_5 = arith.cmpi eq, %arg1, %eq3A : i32
    %convert_element_type3A = arith.extui %eq3A_5 : i1 to i32
    %cond3A = arith.constant 0 : i32
    %cond3A_6 = arith.cmpi ne, %convert_element_type3A, %cond3A : i32
    scf.if %cond3A_6 {
      "tpu.region"() ({
        %run_scoped3A = tpu.sem_alloc : memref<!tpu.dma_semaphore, #tpu.memory_space<semaphore_mem>>
        tpu.enqueue_dma source(%arg4 : memref<10000x128xf32, #tpu.memory_space<hbm>>) target(%arg8 : memref<10000x128xf32, #tpu.memory_space<vmem_shared>>) target_semaphore(%run_scoped3A : memref<!tpu.dma_semaphore, #tpu.memory_space<semaphore_mem>>)
        tpu.wait_dma2 semaphore(%run_scoped3A : memref<!tpu.dma_semaphore, #tpu.memory_space<semaphore_mem>>) src(%arg4 : memref<10000x128xf32, #tpu.memory_space<hbm>>) dst(%arg8 : memref<10000x128xf32, #tpu.memory_space<vmem_shared>>)
        tpu.yield
      }) : () -> ()
    } else {
    }
    %barrier3A = arith.constant 0 : index
    tpu.barrier barrier_id(%barrier3A)
    %scan3A = arith.constant 0 : i32
    %scan3A_7 = arith.constant 125 : i32
    %scan3A_8 = arith.addi %scan3A, %scan3A_7 : i32
    %scan3A_9 = arith.constant 1 : i32
    scf.for %scan3A_23 = %scan3A to %scan3A_8 step %scan3A_9  : i32 {
      %mul3A_24 = arith.constant 80 : i32
      %mul3A_25 = arith.muli %scan3A_23, %mul3A_24 : i32
      %add3A_26 = arith.addi %mul3A_4, %mul3A_25 : i32
      "tpu.region"() ({
        %run_scoped3A = tpu.sem_alloc : memref<!tpu.dma_semaphore, #tpu.memory_space<semaphore_mem>>
        %dma_start3A = arith.constant 0 : i32
        %dma_start3A_27 = tpu.memref_slice %arg2[%add3A_26, %dma_start3A] : memref<320000x128xf32, #tpu.memory_space<hbm>> -> memref<80x128xf32, #tpu.memory_space<hbm>>
        %dma_start3A_28 = arith.constant 0 : i32
        %dma_start3A_29 = tpu.memref_slice %arg2[%add3A_26, %dma_start3A_28] : memref<320000x128xf32, #tpu.memory_space<hbm>> -> memref<80x128xf32, #tpu.memory_space<hbm>>
        tpu.enqueue_dma source(%dma_start3A_29 : memref<80x128xf32, #tpu.memory_space<hbm>>) target(%arg7 : memref<80x128xf32, #tpu.memory_space<vmem>>) target_semaphore(%run_scoped3A : memref<!tpu.dma_semaphore, #tpu.memory_space<semaphore_mem>>)
        %dma_wait3A = arith.constant 0 : i32
        %dma_wait3A_30 = tpu.memref_slice %arg2[%add3A_26, %dma_wait3A] : memref<320000x128xf32, #tpu.memory_space<hbm>> -> memref<80x128xf32, #tpu.memory_space<hbm>>
        %dma_wait3A_31 = arith.constant 0 : i32
        %dma_wait3A_32 = tpu.memref_slice %arg2[%add3A_26, %dma_wait3A_31] : memref<320000x128xf32, #tpu.memory_space<hbm>> -> memref<80x128xf32, #tpu.memory_space<hbm>>
        tpu.wait_dma2 semaphore(%run_scoped3A : memref<!tpu.dma_semaphore, #tpu.memory_space<semaphore_mem>>) src(%dma_wait3A_32 : memref<80x128xf32, #tpu.memory_space<hbm>>) dst(%arg7 : memref<80x128xf32, #tpu.memory_space<vmem>>)
        tpu.yield
      }) : () -> ()
      "tpu.region"() ({
        %run_scoped3A = tpu.sem_alloc : memref<!tpu.dma_semaphore, #tpu.memory_space<semaphore_mem>>
        %dma_start3A = arith.constant 0 : i32
        %dma_start3A_27 = tpu.memref_slice %arg6[%scan3A_23, %dma_start3A] : memref<125x80xi32, #tpu.memory_space<vmem>> -> memref<1x80xi32, #tpu.memory_space<vmem>>
        %dma_start3A_28 = tpu.memref_squeeze %dma_start3A_27 : memref<1x80xi32, #tpu.memory_space<vmem>> -> memref<80xi32, #tpu.memory_space<vmem>>
        %dma_start3A_29 = arith.constant 0 : i32
        %dma_start3A_30 = arith.constant 0 : i32
        %dma_start3A_31 = tpu.memref_slice %arg8[%dma_start3A_29, %dma_start3A_30] : memref<10000x128xf32, #tpu.memory_space<vmem_shared>> -> memref<10000x128xf32, #tpu.memory_space<vmem_shared>>
        tpu.enqueue_indirect_dma source(%arg7 : memref<80x128xf32, #tpu.memory_space<vmem>>) target(%dma_start3A_31 : memref<10000x128xf32, #tpu.memory_space<vmem_shared>>) offsets(%dma_start3A_28 : memref<80xi32, #tpu.memory_space<vmem>>) semaphore(%run_scoped3A : memref<!tpu.dma_semaphore, #tpu.memory_space<semaphore_mem>>) {add = true}
        %dma_wait3A = arith.constant 0 : i32
        %dma_wait3A_32 = tpu.memref_slice %arg6[%scan3A_23, %dma_wait3A] : memref<125x80xi32, #tpu.memory_space<vmem>> -> memref<1x80xi32, #tpu.memory_space<vmem>>
        %dma_wait3A_33 = tpu.memref_squeeze %dma_wait3A_32 : memref<1x80xi32, #tpu.memory_space<vmem>> -> memref<80xi32, #tpu.memory_space<vmem>>
        %dma_wait3A_34 = arith.constant 0 : i32
        %dma_wait3A_35 = arith.constant 0 : i32
        %dma_wait3A_36 = tpu.memref_slice %arg8[%dma_wait3A_34, %dma_wait3A_35] : memref<10000x128xf32, #tpu.memory_space<vmem_shared>> -> memref<10000x128xf32, #tpu.memory_space<vmem_shared>>
        tpu.wait_indirect_dma semaphore(%run_scoped3A : memref<!tpu.dma_semaphore, #tpu.memory_space<semaphore_mem>>) src(%arg7 : memref<80x128xf32, #tpu.memory_space<vmem>>) dst(%dma_wait3A_36 : memref<10000x128xf32, #tpu.memory_space<vmem_shared>>)
        tpu.yield
      }) : () -> ()
    }
    %scan3A_10 = arith.constant 125 : i32
    %barrier3A_11 = arith.constant 0 : index
    tpu.barrier barrier_id(%barrier3A_11)
    %mul3A_12 = arith.constant 624 : i32
    %mul3A_13 = arith.muli %arg1, %mul3A_12 : i32
    %lt3A = arith.constant 15 : i32
    %lt3A_14 = arith.cmpi slt, %arg1, %lt3A : i32
    %convert_element_type3A_15 = arith.extui %lt3A_14 : i1 to i32
    %cond3A_16 = arith.constant 0 : i32
    %cond3A_17 = arith.cmpi ne, %convert_element_type3A_15, %cond3A_16 : i32
    scf.if %cond3A_17 {
      "tpu.region"() ({
        %run_scoped3A = tpu.sem_alloc : memref<!tpu.dma_semaphore, #tpu.memory_space<semaphore_mem>>
        %dma_start3A = arith.constant 0 : i32
        %dma_start3A_23 = tpu.memref_slice %arg5[%arg0, %mul3A_13, %dma_start3A] : memref<2x10000x128xf32, #tpu.memory_space<hbm>> -> memref<1x624x128xf32, #tpu.memory_space<hbm>>
        %dma_start3A_24 = tpu.memref_squeeze %dma_start3A_23 : memref<1x624x128xf32, #tpu.memory_space<hbm>> -> memref<624x128xf32, #tpu.memory_space<hbm>>
        %dma_start3A_25 = arith.constant 0 : i32
        %dma_start3A_26 = tpu.memref_slice %arg8[%mul3A_13, %dma_start3A_25] : memref<10000x128xf32, #tpu.memory_space<vmem_shared>> -> memref<624x128xf32, #tpu.memory_space<vmem_shared>>
        tpu.enqueue_dma source(%dma_start3A_26 : memref<624x128xf32, #tpu.memory_space<vmem_shared>>) target(%dma_start3A_24 : memref<624x128xf32, #tpu.memory_space<hbm>>) target_semaphore(%run_scoped3A : memref<!tpu.dma_semaphore, #tpu.memory_space<semaphore_mem>>)
        %dma_wait3A = arith.constant 0 : i32
        %dma_wait3A_27 = tpu.memref_slice %arg5[%arg0, %mul3A_13, %dma_wait3A] : memref<2x10000x128xf32, #tpu.memory_space<hbm>> -> memref<1x624x128xf32, #tpu.memory_space<hbm>>
        %dma_wait3A_28 = tpu.memref_squeeze %dma_wait3A_27 : memref<1x624x128xf32, #tpu.memory_space<hbm>> -> memref<624x128xf32, #tpu.memory_space<hbm>>
        %dma_wait3A_29 = arith.constant 0 : i32
        %dma_wait3A_30 = tpu.memref_slice %arg8[%mul3A_13, %dma_wait3A_29] : memref<10000x128xf32, #tpu.memory_space<vmem_shared>> -> memref<624x128xf32, #tpu.memory_space<vmem_shared>>
        tpu.wait_dma2 semaphore(%run_scoped3A : memref<!tpu.dma_semaphore, #tpu.memory_space<semaphore_mem>>) src(%dma_wait3A_30 : memref<624x128xf32, #tpu.memory_space<vmem_shared>>) dst(%dma_wait3A_28 : memref<624x128xf32, #tpu.memory_space<hbm>>)
        tpu.yield
      }) : () -> ()
    } else {
    }
    %eq3A_18 = arith.constant 15 : i32
    %eq3A_19 = arith.cmpi eq, %arg1, %eq3A_18 : i32
    %convert_element_type3A_20 = arith.extui %eq3A_19 : i1 to i32
    %cond3A_21 = arith.constant 0 : i32
    %cond3A_22 = arith.cmpi ne, %convert_element_type3A_20, %cond3A_21 : i32
    scf.if %cond3A_22 {
      "tpu.region"() ({
        %run_scoped3A = tpu.sem_alloc : memref<!tpu.dma_semaphore, #tpu.memory_space<semaphore_mem>>
        %dma_start3A = arith.constant 9360 : i32
        %dma_start3A_23 = arith.constant 0 : i32
        %dma_start3A_24 = tpu.memref_slice %arg5[%arg0, %dma_start3A, %dma_start3A_23] : memref<2x10000x128xf32, #tpu.memory_space<hbm>> -> memref<1x640x128xf32, #tpu.memory_space<hbm>>
        %dma_start3A_25 = tpu.memref_squeeze %dma_start3A_24 : memref<1x640x128xf32, #tpu.memory_space<hbm>> -> memref<640x128xf32, #tpu.memory_space<hbm>>
        %dma_start3A_26 = arith.constant 9360 : i32
        %dma_start3A_27 = arith.constant 0 : i32
        %dma_start3A_28 = tpu.memref_slice %arg8[%dma_start3A_26, %dma_start3A_27] : memref<10000x128xf32, #tpu.memory_space<vmem_shared>> -> memref<640x128xf32, #tpu.memory_space<vmem_shared>>
        tpu.enqueue_dma source(%dma_start3A_28 : memref<640x128xf32, #tpu.memory_space<vmem_shared>>) target(%dma_start3A_25 : memref<640x128xf32, #tpu.memory_space<hbm>>) target_semaphore(%run_scoped3A : memref<!tpu.dma_semaphore, #tpu.memory_space<semaphore_mem>>)
        %dma_wait3A = arith.constant 9360 : i32
        %dma_wait3A_29 = arith.constant 0 : i32
        %dma_wait3A_30 = tpu.memref_slice %arg5[%arg0, %dma_wait3A, %dma_wait3A_29] : memref<2x10000x128xf32, #tpu.memory_space<hbm>> -> memref<1x640x128xf32, #tpu.memory_space<hbm>>
        %dma_wait3A_31 = tpu.memref_squeeze %dma_wait3A_30 : memref<1x640x128xf32, #tpu.memory_space<hbm>> -> memref<640x128xf32, #tpu.memory_space<hbm>>
        %dma_wait3A_32 = arith.constant 9360 : i32
        %dma_wait3A_33 = arith.constant 0 : i32
        %dma_wait3A_34 = tpu.memref_slice %arg8[%dma_wait3A_32, %dma_wait3A_33] : memref<10000x128xf32, #tpu.memory_space<vmem_shared>> -> memref<640x128xf32, #tpu.memory_space<vmem_shared>>
        tpu.wait_dma2 semaphore(%run_scoped3A : memref<!tpu.dma_semaphore, #tpu.memory_space<semaphore_mem>>) src(%dma_wait3A_34 : memref<640x128xf32, #tpu.memory_space<vmem_shared>>) dst(%dma_wait3A_31 : memref<640x128xf32, #tpu.memory_space<hbm>>)
        tpu.yield
      }) : () -> ()
    } else {
    }
    return
  }
}

#map = affine_map<(d0, d1) -> (0, 0)>
#map1 = affine_map<(d0, d1) -> (0, 0, 0)>
module attributes {stable_mosaic.version = 14 : i64} {
  func.func @_scatter_body(%arg0: i32, %arg1: i32, %arg2: memref<320000x128xf32, #tpu.memory_space<hbm>>, %arg3: memref<32x125x80xi32, #tpu.memory_space<hbm>>, %arg4: memref<10000x128xf32, #tpu.memory_space<hbm>>, %arg5: memref<2x10000x128xf32, #tpu.memory_space<hbm>>, %arg6: memref<125x80xi32, #tpu.memory_space<vmem>>, %arg7: memref<80x128xf32, #tpu.memory_space<vmem>>, %arg8: memref<10000x128xf32, #tpu.memory_space<vmem_shared>>) attributes {dimension_semantics = [#tpu.dimension_semantics<core_parallel>, #tpu.dimension_semantics<subcore_parallel>], iteration_bounds = array<i64: 2, 16>, scalar_prefetch = 0 : i64, scratch_operands = 3 : i64, tpu.core_type = #tpu.core_type<sc_vector_subcore>, window_params = [{transform_indices = #map}, {transform_indices = #map1}, {transform_indices = #map}, {transform_indices = #map1}]} {
    %mul3A = arith.constant 2 : i32
    %mul3A_0 = arith.muli %arg1, %mul3A : i32
    %add3A = arith.addi %mul3A_0, %arg0 : i32
    %mul3A_1 = arith.constant 125 : i32
    %mul3A_2 = arith.muli %add3A, %mul3A_1 : i32
    %mul3A_3 = arith.constant 80 : i32
    %mul3A_4 = arith.muli %mul3A_2, %mul3A_3 : i32
    "tpu.region"() ({
      %run_scoped3A = tpu.sem_alloc : memref<!tpu.dma_semaphore, #tpu.memory_space<semaphore_mem>>
      %dma_start3A = arith.constant 0 : i32
      %dma_start3A_23 = arith.constant 0 : i32
      %dma_start3A_24 = tpu.memref_slice %arg3[%add3A, %dma_start3A, %dma_start3A_23] : memref<32x125x80xi32, #tpu.memory_space<hbm>> -> memref<1x125x80xi32, #tpu.memory_space<hbm>>
      %dma_start3A_25 = tpu.memref_squeeze %dma_start3A_24 : memref<1x125x80xi32, #tpu.memory_space<hbm>> -> memref<125x80xi32, #tpu.memory_space<hbm>>
      %dma_start3A_26 = arith.constant 0 : i32
      %dma_start3A_27 = arith.constant 0 : i32
      %dma_start3A_28 = tpu.memref_slice %arg3[%add3A, %dma_start3A_26, %dma_start3A_27] : memref<32x125x80xi32, #tpu.memory_space<hbm>> -> memref<1x125x80xi32, #tpu.memory_space<hbm>>
      %dma_start3A_29 = tpu.memref_squeeze %dma_start3A_28 : memref<1x125x80xi32, #tpu.memory_space<hbm>> -> memref<125x80xi32, #tpu.memory_space<hbm>>
      tpu.enqueue_dma source(%dma_start3A_29 : memref<125x80xi32, #tpu.memory_space<hbm>>) target(%arg6 : memref<125x80xi32, #tpu.memory_space<vmem>>) target_semaphore(%run_scoped3A : memref<!tpu.dma_semaphore, #tpu.memory_space<semaphore_mem>>)
      %dma_wait3A = arith.constant 0 : i32
      %dma_wait3A_30 = arith.constant 0 : i32
      %dma_wait3A_31 = tpu.memref_slice %arg3[%add3A, %dma_wait3A, %dma_wait3A_30] : memref<32x125x80xi32, #tpu.memory_space<hbm>> -> memref<1x125x80xi32, #tpu.memory_space<hbm>>
      %dma_wait3A_32 = tpu.memref_squeeze %dma_wait3A_31 : memref<1x125x80xi32, #tpu.memory_space<hbm>> -> memref<125x80xi32, #tpu.memory_space<hbm>>
      %dma_wait3A_33 = arith.constant 0 : i32
      %dma_wait3A_34 = arith.constant 0 : i32
      %dma_wait3A_35 = tpu.memref_slice %arg3[%add3A, %dma_wait3A_33, %dma_wait3A_34] : memref<32x125x80xi32, #tpu.memory_space<hbm>> -> memref<1x125x80xi32, #tpu.memory_space<hbm>>
      %dma_wait3A_36 = tpu.memref_squeeze %dma_wait3A_35 : memref<1x125x80xi32, #tpu.memory_space<hbm>> -> memref<125x80xi32, #tpu.memory_space<hbm>>
      tpu.wait_dma2 semaphore(%run_scoped3A : memref<!tpu.dma_semaphore, #tpu.memory_space<semaphore_mem>>) src(%dma_wait3A_36 : memref<125x80xi32, #tpu.memory_space<hbm>>) dst(%arg6 : memref<125x80xi32, #tpu.memory_space<vmem>>)
      tpu.yield
    }) : () -> ()
    %eq3A = arith.constant 0 : i32
    %eq3A_5 = arith.cmpi eq, %arg1, %eq3A : i32
    %convert_element_type3A = arith.extui %eq3A_5 : i1 to i32
    %cond3A = arith.constant 0 : i32
    %cond3A_6 = arith.cmpi ne, %convert_element_type3A, %cond3A : i32
    scf.if %cond3A_6 {
      "tpu.region"() ({
        %run_scoped3A = tpu.sem_alloc : memref<!tpu.dma_semaphore, #tpu.memory_space<semaphore_mem>>
        tpu.enqueue_dma source(%arg4 : memref<10000x128xf32, #tpu.memory_space<hbm>>) target(%arg8 : memref<10000x128xf32, #tpu.memory_space<vmem_shared>>) target_semaphore(%run_scoped3A : memref<!tpu.dma_semaphore, #tpu.memory_space<semaphore_mem>>)
        tpu.wait_dma2 semaphore(%run_scoped3A : memref<!tpu.dma_semaphore, #tpu.memory_space<semaphore_mem>>) src(%arg4 : memref<10000x128xf32, #tpu.memory_space<hbm>>) dst(%arg8 : memref<10000x128xf32, #tpu.memory_space<vmem_shared>>)
        tpu.yield
      }) : () -> ()
    } else {
    }
    %barrier3A = arith.constant 0 : index
    tpu.barrier barrier_id(%barrier3A)
    %scan3A = arith.constant 0 : i32
    %scan3A_7 = arith.constant 125 : i32
    %scan3A_8 = arith.addi %scan3A, %scan3A_7 : i32
    %scan3A_9 = arith.constant 1 : i32
    scf.for %scan3A_23 = %scan3A to %scan3A_8 step %scan3A_9  : i32 {
      %mul3A_24 = arith.constant 80 : i32
      %mul3A_25 = arith.muli %scan3A_23, %mul3A_24 : i32
      %add3A_26 = arith.addi %mul3A_4, %mul3A_25 : i32
      "tpu.region"() ({
        %run_scoped3A = tpu.sem_alloc : memref<!tpu.dma_semaphore, #tpu.memory_space<semaphore_mem>>
        %dma_start3A = arith.constant 0 : i32
        %dma_start3A_27 = tpu.memref_slice %arg2[%add3A_26, %dma_start3A] : memref<320000x128xf32, #tpu.memory_space<hbm>> -> memref<80x128xf32, #tpu.memory_space<hbm>>
        %dma_start3A_28 = arith.constant 0 : i32
        %dma_start3A_29 = tpu.memref_slice %arg2[%add3A_26, %dma_start3A_28] : memref<320000x128xf32, #tpu.memory_space<hbm>> -> memref<80x128xf32, #tpu.memory_space<hbm>>
        tpu.enqueue_dma source(%dma_start3A_29 : memref<80x128xf32, #tpu.memory_space<hbm>>) target(%arg7 : memref<80x128xf32, #tpu.memory_space<vmem>>) target_semaphore(%run_scoped3A : memref<!tpu.dma_semaphore, #tpu.memory_space<semaphore_mem>>)
        %dma_wait3A = arith.constant 0 : i32
        %dma_wait3A_30 = tpu.memref_slice %arg2[%add3A_26, %dma_wait3A] : memref<320000x128xf32, #tpu.memory_space<hbm>> -> memref<80x128xf32, #tpu.memory_space<hbm>>
        %dma_wait3A_31 = arith.constant 0 : i32
        %dma_wait3A_32 = tpu.memref_slice %arg2[%add3A_26, %dma_wait3A_31] : memref<320000x128xf32, #tpu.memory_space<hbm>> -> memref<80x128xf32, #tpu.memory_space<hbm>>
        tpu.wait_dma2 semaphore(%run_scoped3A : memref<!tpu.dma_semaphore, #tpu.memory_space<semaphore_mem>>) src(%dma_wait3A_32 : memref<80x128xf32, #tpu.memory_space<hbm>>) dst(%arg7 : memref<80x128xf32, #tpu.memory_space<vmem>>)
        tpu.yield
      }) : () -> ()
      "tpu.region"() ({
        %run_scoped3A = tpu.sem_alloc : memref<!tpu.dma_semaphore, #tpu.memory_space<semaphore_mem>>
        %dma_start3A = arith.constant 0 : i32
        %dma_start3A_27 = tpu.memref_slice %arg6[%scan3A_23, %dma_start3A] : memref<125x80xi32, #tpu.memory_space<vmem>> -> memref<1x80xi32, #tpu.memory_space<vmem>>
        %dma_start3A_28 = tpu.memref_squeeze %dma_start3A_27 : memref<1x80xi32, #tpu.memory_space<vmem>> -> memref<80xi32, #tpu.memory_space<vmem>>
        %dma_start3A_29 = arith.constant 0 : i32
        %dma_start3A_30 = arith.constant 0 : i32
        %dma_start3A_31 = tpu.memref_slice %arg8[%dma_start3A_29, %dma_start3A_30] : memref<10000x128xf32, #tpu.memory_space<vmem_shared>> -> memref<10000x128xf32, #tpu.memory_space<vmem_shared>>
        tpu.enqueue_indirect_dma source(%arg7 : memref<80x128xf32, #tpu.memory_space<vmem>>) target(%dma_start3A_31 : memref<10000x128xf32, #tpu.memory_space<vmem_shared>>) offsets(%dma_start3A_28 : memref<80xi32, #tpu.memory_space<vmem>>) semaphore(%run_scoped3A : memref<!tpu.dma_semaphore, #tpu.memory_space<semaphore_mem>>) {add = true}
        %dma_wait3A = arith.constant 0 : i32
        %dma_wait3A_32 = tpu.memref_slice %arg6[%scan3A_23, %dma_wait3A] : memref<125x80xi32, #tpu.memory_space<vmem>> -> memref<1x80xi32, #tpu.memory_space<vmem>>
        %dma_wait3A_33 = tpu.memref_squeeze %dma_wait3A_32 : memref<1x80xi32, #tpu.memory_space<vmem>> -> memref<80xi32, #tpu.memory_space<vmem>>
        %dma_wait3A_34 = arith.constant 0 : i32
        %dma_wait3A_35 = arith.constant 0 : i32
        %dma_wait3A_36 = tpu.memref_slice %arg8[%dma_wait3A_34, %dma_wait3A_35] : memref<10000x128xf32, #tpu.memory_space<vmem_shared>> -> memref<10000x128xf32, #tpu.memory_space<vmem_shared>>
        tpu.wait_indirect_dma semaphore(%run_scoped3A : memref<!tpu.dma_semaphore, #tpu.memory_space<semaphore_mem>>) src(%arg7 : memref<80x128xf32, #tpu.memory_space<vmem>>) dst(%dma_wait3A_36 : memref<10000x128xf32, #tpu.memory_space<vmem_shared>>)
        tpu.yield
      }) : () -> ()
    }
    %scan3A_10 = arith.constant 125 : i32
    %barrier3A_11 = arith.constant 0 : index
    tpu.barrier barrier_id(%barrier3A_11)
    %mul3A_12 = arith.constant 624 : i32
    %mul3A_13 = arith.muli %arg1, %mul3A_12 : i32
    %lt3A = arith.constant 15 : i32
    %lt3A_14 = arith.cmpi slt, %arg1, %lt3A : i32
    %convert_element_type3A_15 = arith.extui %lt3A_14 : i1 to i32
    %cond3A_16 = arith.constant 0 : i32
    %cond3A_17 = arith.cmpi ne, %convert_element_type3A_15, %cond3A_16 : i32
    scf.if %cond3A_17 {
      "tpu.region"() ({
        %run_scoped3A = tpu.sem_alloc : memref<!tpu.dma_semaphore, #tpu.memory_space<semaphore_mem>>
        %dma_start3A = arith.constant 0 : i32
        %dma_start3A_23 = tpu.memref_slice %arg5[%arg0, %mul3A_13, %dma_start3A] : memref<2x10000x128xf32, #tpu.memory_space<hbm>> -> memref<1x624x128xf32, #tpu.memory_space<hbm>>
        %dma_start3A_24 = tpu.memref_squeeze %dma_start3A_23 : memref<1x624x128xf32, #tpu.memory_space<hbm>> -> memref<624x128xf32, #tpu.memory_space<hbm>>
        %dma_start3A_25 = arith.constant 0 : i32
        %dma_start3A_26 = tpu.memref_slice %arg8[%mul3A_13, %dma_start3A_25] : memref<10000x128xf32, #tpu.memory_space<vmem_shared>> -> memref<624x128xf32, #tpu.memory_space<vmem_shared>>
        tpu.enqueue_dma source(%dma_start3A_26 : memref<624x128xf32, #tpu.memory_space<vmem_shared>>) target(%dma_start3A_24 : memref<624x128xf32, #tpu.memory_space<hbm>>) target_semaphore(%run_scoped3A : memref<!tpu.dma_semaphore, #tpu.memory_space<semaphore_mem>>)
        %dma_wait3A = arith.constant 0 : i32
        %dma_wait3A_27 = tpu.memref_slice %arg5[%arg0, %mul3A_13, %dma_wait3A] : memref<2x10000x128xf32, #tpu.memory_space<hbm>> -> memref<1x624x128xf32, #tpu.memory_space<hbm>>
        %dma_wait3A_28 = tpu.memref_squeeze %dma_wait3A_27 : memref<1x624x128xf32, #tpu.memory_space<hbm>> -> memref<624x128xf32, #tpu.memory_space<hbm>>
        %dma_wait3A_29 = arith.constant 0 : i32
        %dma_wait3A_30 = tpu.memref_slice %arg8[%mul3A_13, %dma_wait3A_29] : memref<10000x128xf32, #tpu.memory_space<vmem_shared>> -> memref<624x128xf32, #tpu.memory_space<vmem_shared>>
        tpu.wait_dma2 semaphore(%run_scoped3A : memref<!tpu.dma_semaphore, #tpu.memory_space<semaphore_mem>>) src(%dma_wait3A_30 : memref<624x128xf32, #tpu.memory_space<vmem_shared>>) dst(%dma_wait3A_28 : memref<624x128xf32, #tpu.memory_space<hbm>>)
        tpu.yield
      }) : () -> ()
    } else {
    }
    %eq3A_18 = arith.constant 15 : i32
    %eq3A_19 = arith.cmpi eq, %arg1, %eq3A_18 : i32
    %convert_element_type3A_20 = arith.extui %eq3A_19 : i1 to i32
    %cond3A_21 = arith.constant 0 : i32
    %cond3A_22 = arith.cmpi ne, %convert_element_type3A_20, %cond3A_21 : i32
    scf.if %cond3A_22 {
      "tpu.region"() ({
        %run_scoped3A = tpu.sem_alloc : memref<!tpu.dma_semaphore, #tpu.memory_space<semaphore_mem>>
        %dma_start3A = arith.constant 9360 : i32
        %dma_start3A_23 = arith.constant 0 : i32
        %dma_start3A_24 = tpu.memref_slice %arg5[%arg0, %dma_start3A, %dma_start3A_23] : memref<2x10000x128xf32, #tpu.memory_space<hbm>> -> memref<1x640x128xf32, #tpu.memory_space<hbm>>
        %dma_start3A_25 = tpu.memref_squeeze %dma_start3A_24 : memref<1x640x128xf32, #tpu.memory_space<hbm>> -> memref<640x128xf32, #tpu.memory_space<hbm>>
        %dma_start3A_26 = arith.constant 9360 : i32
        %dma_start3A_27 = arith.constant 0 : i32
        %dma_start3A_28 = tpu.memref_slice %arg8[%dma_start3A_26, %dma_start3A_27] : memref<10000x128xf32, #tpu.memory_space<vmem_shared>> -> memref<640x128xf32, #tpu.memory_space<vmem_shared>>
        tpu.enqueue_dma source(%dma_start3A_28 : memref<640x128xf32, #tpu.memory_space<vmem_shared>>) target(%dma_start3A_25 : memref<640x128xf32, #tpu.memory_space<hbm>>) target_semaphore(%run_scoped3A : memref<!tpu.dma_semaphore, #tpu.memory_space<semaphore_mem>>)
        %dma_wait3A = arith.constant 9360 : i32
        %dma_wait3A_29 = arith.constant 0 : i32
        %dma_wait3A_30 = tpu.memref_slice %arg5[%arg0, %dma_wait3A, %dma_wait3A_29] : memref<2x10000x128xf32, #tpu.memory_space<hbm>> -> memref<1x640x128xf32, #tpu.memory_space<hbm>>
        %dma_wait3A_31 = tpu.memref_squeeze %dma_wait3A_30 : memref<1x640x128xf32, #tpu.memory_space<hbm>> -> memref<640x128xf32, #tpu.memory_space<hbm>>
        %dma_wait3A_32 = arith.constant 9360 : i32
        %dma_wait3A_33 = arith.constant 0 : i32
        %dma_wait3A_34 = tpu.memref_slice %arg8[%dma_wait3A_32, %dma_wait3A_33] : memref<10000x128xf32, #tpu.memory_space<vmem_shared>> -> memref<640x128xf32, #tpu.memory_space<vmem_shared>>
        tpu.wait_dma2 semaphore(%run_scoped3A : memref<!tpu.dma_semaphore, #tpu.memory_space<semaphore_mem>>) src(%dma_wait3A_34 : memref<640x128xf32, #tpu.memory_space<vmem_shared>>) dst(%dma_wait3A_31 : memref<640x128xf32, #tpu.memory_space<hbm>>)
        tpu.yield
      }) : () -> ()
    } else {
    }
    return
  }
}

module attributes {stable_mosaic.version = 14 : i64} {
  func.func @_pre_body(%arg0: i32, %arg1: memref<1000x128xf32, #tpu.memory_space<vmem>>, %arg2: memref<128x128xf32, #tpu.memory_space<vmem>>, %arg3: memref<128x128xf32, #tpu.memory_space<vmem>>, %arg4: memref<1000x128xf32, #tpu.memory_space<vmem>>, %arg5: memref<1000x128xf32, #tpu.memory_space<vmem>>) attributes {dimension_semantics = [#tpu.dimension_semantics<arbitrary>], iteration_bounds = array<i64: 10>, scalar_prefetch = 0 : i64, scratch_operands = 0 : i64, tpu.core_type = #tpu.core_type<tc>, window_params = [{transform_indices = @transform_0, window_bounds = array<i64: 1000, 128>}, {pipeline_mode = #tpu.pipeline_mode<synchronous>, transform_indices = @transform_1, window_bounds = array<i64: 128, 128>}, {pipeline_mode = #tpu.pipeline_mode<synchronous>, transform_indices = @transform_2, window_bounds = array<i64: 128, 128>}, {transform_indices = @transform_3, window_bounds = array<i64: 1000, 128>}, {transform_indices = @transform_4, window_bounds = array<i64: 1000, 128>}]} {
    %get3A = arith.constant 0 : index
    %get3A_0 = arith.constant 0 : index
    %get3A_1 = vector.load %arg1[%get3A, %get3A_0] : memref<1000x128xf32, #tpu.memory_space<vmem>>, vector<1000x128xf32>
    %get3A_2 = arith.constant 0 : index
    %get3A_3 = arith.constant 0 : index
    %get3A_4 = vector.load %arg2[%get3A_2, %get3A_3] : memref<128x128xf32, #tpu.memory_space<vmem>>, vector<128x128xf32>
    %dot_general3A = arith.constant dense<0.000000e+00> : vector<1000x128xf32>
    %dot_general3A_5 = tpu.matmul %get3A_1, %get3A_4, %dot_general3A {dimension_numbers = #tpu.dot_dimension_numbers<[1], [0], [0], [1], [0, 0, 1, 1], [], []>, transpose_lhs_hint = false} : vector<1000x128xf32>, vector<128x128xf32>, vector<1000x128xf32> -> vector<1000x128xf32>
    %swap3A = arith.constant 0 : index
    %swap3A_6 = arith.constant 0 : index
    %swap3A_7 = vector.load %arg4[%swap3A, %swap3A_6] : memref<1000x128xf32, #tpu.memory_space<vmem>>, vector<1000x128xf32>
    tpu.vector_store %arg4[%swap3A, %swap3A_6], %dot_general3A_5 {strides = array<i32>} : memref<1000x128xf32, #tpu.memory_space<vmem>>, vector<1000x128xf32>,
    %get3A_8 = arith.constant 0 : index
    %get3A_9 = arith.constant 0 : index
    %get3A_10 = vector.load %arg3[%get3A_8, %get3A_9] : memref<128x128xf32, #tpu.memory_space<vmem>>, vector<128x128xf32>
    %dot_general3A_11 = arith.constant dense<0.000000e+00> : vector<1000x128xf32>
    %dot_general3A_12 = tpu.matmul %get3A_1, %get3A_10, %dot_general3A_11 {dimension_numbers = #tpu.dot_dimension_numbers<[1], [0], [0], [1], [0, 0, 1, 1], [], []>, transpose_lhs_hint = false} : vector<1000x128xf32>, vector<128x128xf32>, vector<1000x128xf32> -> vector<1000x128xf32>
    %swap3A_13 = arith.constant 0 : index
    %swap3A_14 = arith.constant 0 : index
    %swap3A_15 = vector.load %arg5[%swap3A_13, %swap3A_14] : memref<1000x128xf32, #tpu.memory_space<vmem>>, vector<1000x128xf32>
    tpu.vector_store %arg5[%swap3A_13, %swap3A_14], %dot_general3A_12 {strides = array<i32>} : memref<1000x128xf32, #tpu.memory_space<vmem>>, vector<1000x128xf32>,
    return
  }
  func.func @transform_0(%arg0: i32) -> (i32, i32) {
    %c0_i32 = arith.constant 0 : i32
    %c0_i32_0 = arith.constant 0 : i32
    return %arg0, %c0_i32 : i32, i32
  }
  func.func @transform_1(%arg0: i32) -> (i32, i32) {
    %c0_i32 = arith.constant 0 : i32
    %c0_i32_0 = arith.constant 0 : i32
    %c0_i32_1 = arith.constant 0 : i32
    return %c0_i32, %c0_i32_0 : i32, i32
  }
  func.func @transform_2(%arg0: i32) -> (i32, i32) {
    %c0_i32 = arith.constant 0 : i32
    %c0_i32_0 = arith.constant 0 : i32
    %c0_i32_1 = arith.constant 0 : i32
    return %c0_i32, %c0_i32_0 : i32, i32
  }
  func.func @transform_3(%arg0: i32) -> (i32, i32) {
    %c0_i32 = arith.constant 0 : i32
    %c0_i32_0 = arith.constant 0 : i32
    return %arg0, %c0_i32 : i32, i32
  }
  func.func @transform_4(%arg0: i32) -> (i32, i32) {
    %c0_i32 = arith.constant 0 : i32
    %c0_i32_0 = arith.constant 0 : i32
    return %arg0, %c0_i32 : i32, i32
  }
}

module attributes {stable_mosaic.version = 14 : i64} {
  func.func @_edge_body(%arg0: i32, %arg1: memref<512x128xf32, #tpu.memory_space<vmem>>, %arg2: memref<512x128xf32, #tpu.memory_space<vmem>>, %arg3: memref<512x128xf32, #tpu.memory_space<vmem>>, %arg4: memref<512x128xf32, #tpu.memory_space<vmem>>, %arg5: memref<1x128xf32, #tpu.memory_space<vmem>>, %arg6: memref<1x128xf32, #tpu.memory_space<vmem>>, %arg7: memref<128x128xf32, #tpu.memory_space<vmem>>, %arg8: memref<1x128xf32, #tpu.memory_space<vmem>>, %arg9: memref<128x128xf32, #tpu.memory_space<vmem>>, %arg10: memref<1x128xf32, #tpu.memory_space<vmem>>, %arg11: memref<128x1xf32, #tpu.memory_space<vmem>>, %arg12: memref<512x128xf32, #tpu.memory_space<vmem>>, %arg13: memref<512x128xf32, #tpu.memory_space<vmem>>) attributes {dimension_semantics = [#tpu.dimension_semantics<arbitrary>], iteration_bounds = array<i64: 625>, scalar_prefetch = 0 : i64, scratch_operands = 0 : i64, tpu.core_type = #tpu.core_type<tc>, window_params = [{transform_indices = @transform_0, window_bounds = array<i64: 512, 128>}, {transform_indices = @transform_1, window_bounds = array<i64: 512, 128>}, {transform_indices = @transform_2, window_bounds = array<i64: 512, 128>}, {transform_indices = @transform_3, window_bounds = array<i64: 512, 128>}, {pipeline_mode = #tpu.pipeline_mode<synchronous>, transform_indices = @transform_4, window_bounds = array<i64: 1, 128>}, {pipeline_mode = #tpu.pipeline_mode<synchronous>, transform_indices = @transform_5, window_bounds = array<i64: 1, 128>}, {pipeline_mode = #tpu.pipeline_mode<synchronous>, transform_indices = @transform_6, window_bounds = array<i64: 128, 128>}, {pipeline_mode = #tpu.pipeline_mode<synchronous>, transform_indices = @transform_7, window_bounds = array<i64: 1, 128>}, {pipeline_mode = #tpu.pipeline_mode<synchronous>, transform_indices = @transform_8, window_bounds = array<i64: 128, 128>}, {pipeline_mode = #tpu.pipeline_mode<synchronous>, transform_indices = @transform_9, window_bounds = array<i64: 1, 128>}, {pipeline_mode = #tpu.pipeline_mode<synchronous>, transform_indices = @transform_10, window_bounds = array<i64: 128, 1>}, {transform_indices = @transform_11, window_bounds = array<i64: 512, 128>}, {transform_indices = @transform_12, window_bounds = array<i64: 512, 128>}]} {
    %get3A = arith.constant 0 : index
    %get3A_0 = arith.constant 0 : index
    %get3A_1 = vector.load %arg3[%get3A, %get3A_0] : memref<512x128xf32, #tpu.memory_space<vmem>>, vector<512x128xf32>
    %get3A_2 = arith.constant 0 : index
    %get3A_3 = arith.constant 0 : index
    %get3A_4 = vector.load %arg4[%get3A_2, %get3A_3] : memref<512x128xf32, #tpu.memory_space<vmem>>, vector<512x128xf32>
    %sub3A = arith.subf %get3A_1, %get3A_4 : vector<512x128xf32>
    %mul3A = arith.mulf %sub3A, %sub3A : vector<512x128xf32>
    %reduce_sum3A = arith.constant dense<0.000000e+00> : vector<512xf32>
    %reduce_sum3A_5 = vector.multi_reduction <add>, %mul3A, %reduce_sum3A [1] : vector<512x128xf32> to vector<512xf32>
    %broadcast_in_dim3A = vector.shape_cast %reduce_sum3A_5 : vector<512xf32> to vector<512x1xf32>
    %convert_element_type3A = arith.truncf %broadcast_in_dim3A : vector<512x1xf32> to vector<512x1xbf16>
    %convert_element_type3A_6 = arith.extf %convert_element_type3A : vector<512x1xbf16> to vector<512x1xf32>
    %get3A_7 = arith.constant 0 : index
    %get3A_8 = arith.constant 0 : index
    %get3A_9 = vector.load %arg5[%get3A_7, %get3A_8] : memref<1x128xf32, #tpu.memory_space<vmem>>, vector<1x128xf32>
    %convert_element_type3A_10 = arith.truncf %get3A_9 : vector<1x128xf32> to vector<1x128xbf16>
    %convert_element_type3A_11 = arith.extf %convert_element_type3A_10 : vector<1x128xbf16> to vector<1x128xf32>
    %get3A_12 = arith.constant 0 : index
    %get3A_13 = arith.constant 0 : index
    %get3A_14 = vector.load %arg1[%get3A_12, %get3A_13] : memref<512x128xf32, #tpu.memory_space<vmem>>, vector<512x128xf32>
    %get3A_15 = arith.constant 0 : index
    %get3A_16 = arith.constant 0 : index
    %get3A_17 = vector.load %arg2[%get3A_15, %get3A_16] : memref<512x128xf32, #tpu.memory_space<vmem>>, vector<512x128xf32>
    %add3A = arith.addf %get3A_14, %get3A_17 : vector<512x128xf32>
    %mul3A_18 = vector.broadcast %convert_element_type3A_6 : vector<512x1xf32> to vector<512x128xf32>
    %mul3A_19 = vector.broadcast %convert_element_type3A_11 : vector<1x128xf32> to vector<512x128xf32>
    %mul3A_20 = arith.mulf %mul3A_18, %mul3A_19 : vector<512x128xf32>
    %add3A_21 = arith.addf %add3A, %mul3A_20 : vector<512x128xf32>
    %get3A_22 = arith.constant 0 : index
    %get3A_23 = arith.constant 0 : index
    %get3A_24 = vector.load %arg6[%get3A_22, %get3A_23] : memref<1x128xf32, #tpu.memory_space<vmem>>, vector<1x128xf32>
    %add3A_25 = vector.broadcast %get3A_24 : vector<1x128xf32> to vector<512x128xf32>
    %add3A_26 = arith.addf %add3A_21, %add3A_25 : vector<512x128xf32>
    %logistic3A = arith.negf %add3A_26 : vector<512x128xf32>
    %logistic3A_27 = math.exp %logistic3A : vector<512x128xf32>
    %logistic3A_28 = arith.constant 1.000000e+00 : f32
    %logistic3A_29 = vector.broadcast %logistic3A_28 : f32 to vector<512x128xf32>
    %logistic3A_30 = arith.addf %logistic3A_29, %logistic3A_27 : vector<512x128xf32>
    %logistic3A_31 = arith.divf %logistic3A_29, %logistic3A_30 : vector<512x128xf32>
    %mul3A_32 = arith.mulf %add3A_26, %logistic3A_31 : vector<512x128xf32>
    %get3A_33 = arith.constant 0 : index
    %get3A_34 = arith.constant 0 : index
    %get3A_35 = vector.load %arg7[%get3A_33, %get3A_34] : memref<128x128xf32, #tpu.memory_space<vmem>>, vector<128x128xf32>
    %dot_general3A = arith.constant dense<0.000000e+00> : vector<512x128xf32>
    %dot_general3A_36 = tpu.matmul %mul3A_32, %get3A_35, %dot_general3A {dimension_numbers = #tpu.dot_dimension_numbers<[1], [0], [0], [1], [0, 0, 1, 1], [], []>, transpose_lhs_hint = false} : vector<512x128xf32>, vector<128x128xf32>, vector<512x128xf32> -> vector<512x128xf32>
    %get3A_37 = arith.constant 0 : index
    %get3A_38 = arith.constant 0 : index
    %get3A_39 = vector.load %arg8[%get3A_37, %get3A_38] : memref<1x128xf32, #tpu.memory_space<vmem>>, vector<1x128xf32>
    %add3A_40 = vector.broadcast %get3A_39 : vector<1x128xf32> to vector<512x128xf32>
    %add3A_41 = arith.addf %dot_general3A_36, %add3A_40 : vector<512x128xf32>
    %logistic3A_42 = arith.negf %add3A_41 : vector<512x128xf32>
    %logistic3A_43 = math.exp %logistic3A_42 : vector<512x128xf32>
    %logistic3A_44 = arith.constant 1.000000e+00 : f32
    %logistic3A_45 = vector.broadcast %logistic3A_44 : f32 to vector<512x128xf32>
    %logistic3A_46 = arith.addf %logistic3A_45, %logistic3A_43 : vector<512x128xf32>
    %logistic3A_47 = arith.divf %logistic3A_45, %logistic3A_46 : vector<512x128xf32>
    %mul3A_48 = arith.mulf %add3A_41, %logistic3A_47 : vector<512x128xf32>
    %get3A_49 = arith.constant 0 : index
    %get3A_50 = arith.constant 0 : index
    %get3A_51 = vector.load %arg9[%get3A_49, %get3A_50] : memref<128x128xf32, #tpu.memory_space<vmem>>, vector<128x128xf32>
    %dot_general3A_52 = arith.constant dense<0.000000e+00> : vector<512x128xf32>
    %dot_general3A_53 = tpu.matmul %mul3A_48, %get3A_51, %dot_general3A_52 {dimension_numbers = #tpu.dot_dimension_numbers<[1], [0], [0], [1], [0, 0, 1, 1], [], []>, transpose_lhs_hint = false} : vector<512x128xf32>, vector<128x128xf32>, vector<512x128xf32> -> vector<512x128xf32>
    %get3A_54 = arith.constant 0 : index
    %get3A_55 = arith.constant 0 : index
    %get3A_56 = vector.load %arg10[%get3A_54, %get3A_55] : memref<1x128xf32, #tpu.memory_space<vmem>>, vector<1x128xf32>
    %add3A_57 = vector.broadcast %get3A_56 : vector<1x128xf32> to vector<512x128xf32>
    %add3A_58 = arith.addf %dot_general3A_53, %add3A_57 : vector<512x128xf32>
    %logistic3A_59 = arith.negf %add3A_58 : vector<512x128xf32>
    %logistic3A_60 = math.exp %logistic3A_59 : vector<512x128xf32>
    %logistic3A_61 = arith.constant 1.000000e+00 : f32
    %logistic3A_62 = vector.broadcast %logistic3A_61 : f32 to vector<512x128xf32>
    %logistic3A_63 = arith.addf %logistic3A_62, %logistic3A_60 : vector<512x128xf32>
    %logistic3A_64 = arith.divf %logistic3A_62, %logistic3A_63 : vector<512x128xf32>
    %mul3A_65 = arith.mulf %add3A_58, %logistic3A_64 : vector<512x128xf32>
    %get3A_66 = arith.constant 0 : index
    %get3A_67 = arith.constant 0 : index
    %get3A_68 = vector.load %arg11[%get3A_66, %get3A_67] : memref<128x1xf32, #tpu.memory_space<vmem>>, vector<128x1xf32>
    %dot_general3A_69 = arith.constant dense<0.000000e+00> : vector<512x1xf32>
    %dot_general3A_70 = tpu.matmul %mul3A_65, %get3A_68, %dot_general3A_69 {dimension_numbers = #tpu.dot_dimension_numbers<[1], [0], [0], [1], [0, 0, 1, 1], [], []>, transpose_lhs_hint = false} : vector<512x128xf32>, vector<128x1xf32>, vector<512x1xf32> -> vector<512x1xf32>
    %iota3A = tpu.iota {dimensions = array<i32: 1>} : vector<512x128xi32>
    %mul3A_71 = vector.broadcast %dot_general3A_70 : vector<512x1xf32> to vector<512x128xf32>
    %mul3A_72 = arith.mulf %sub3A, %mul3A_71 : vector<512x128xf32>
    %eq3A = arith.constant 3 : i32
    %eq3A_73 = vector.broadcast %eq3A : i32 to vector<512x128xi32>
    %eq3A_74 = arith.cmpi eq, %iota3A, %eq3A_73 : vector<512x128xi32>
    %jit3A = arith.constant 1.000000e+00 : f32
    %jit3A_75 = arith.constant 0.000000e+00 : f32
    %broadcast_in_dim3A_76 = vector.broadcast %jit3A : f32 to vector<512x128xf32>
    %broadcast_in_dim3A_77 = vector.broadcast %jit3A_75 : f32 to vector<512x128xf32>
    %select_n3A = arith.select %eq3A_74, %broadcast_in_dim3A_76, %broadcast_in_dim3A_77 : vector<512x128xi1>, vector<512x128xf32>
    %add3A_78 = arith.addf %mul3A_72, %select_n3A : vector<512x128xf32>
    %swap3A = arith.constant 0 : index
    %swap3A_79 = arith.constant 0 : index
    %swap3A_80 = vector.load %arg13[%swap3A, %swap3A_79] : memref<512x128xf32, #tpu.memory_space<vmem>>, vector<512x128xf32>
    tpu.vector_store %arg13[%swap3A, %swap3A_79], %add3A_78 {strides = array<i32>} : memref<512x128xf32, #tpu.memory_space<vmem>>, vector<512x128xf32>,
    %swap3A_81 = arith.constant 0 : index
    %swap3A_82 = arith.constant 0 : index
    %swap3A_83 = vector.load %arg12[%swap3A_81, %swap3A_82] : memref<512x128xf32, #tpu.memory_space<vmem>>, vector<512x128xf32>
    tpu.vector_store %arg12[%swap3A_81, %swap3A_82], %mul3A_48 {strides = array<i32>} : memref<512x128xf32, #tpu.memory_space<vmem>>, vector<512x128xf32>,
    return
  }
  func.func @transform_0(%arg0: i32) -> (i32, i32) {
    %c0_i32 = arith.constant 0 : i32
    %c0_i32_0 = arith.constant 0 : i32
    return %arg0, %c0_i32 : i32, i32
  }
  func.func @transform_1(%arg0: i32) -> (i32, i32) {
    %c0_i32 = arith.constant 0 : i32
    %c0_i32_0 = arith.constant 0 : i32
    return %arg0, %c0_i32 : i32, i32
  }
  func.func @transform_2(%arg0: i32) -> (i32, i32) {
    %c0_i32 = arith.constant 0 : i32
    %c0_i32_0 = arith.constant 0 : i32
    return %arg0, %c0_i32 : i32, i32
  }
  func.func @transform_3(%arg0: i32) -> (i32, i32) {
    %c0_i32 = arith.constant 0 : i32
    %c0_i32_0 = arith.constant 0 : i32
    return %arg0, %c0_i32 : i32, i32
  }
  func.func @transform_4(%arg0: i32) -> (i32, i32) {
    %c0_i32 = arith.constant 0 : i32
    %c0_i32_0 = arith.constant 0 : i32
    %c0_i32_1 = arith.constant 0 : i32
    return %c0_i32, %c0_i32_0 : i32, i32
  }
  func.func @transform_5(%arg0: i32) -> (i32, i32) {
    %c0_i32 = arith.constant 0 : i32
    %c0_i32_0 = arith.constant 0 : i32
    %c0_i32_1 = arith.constant 0 : i32
    return %c0_i32, %c0_i32_0 : i32, i32
  }
  func.func @transform_6(%arg0: i32) -> (i32, i32) {
    %c0_i32 = arith.constant 0 : i32
    %c0_i32_0 = arith.constant 0 : i32
    %c0_i32_1 = arith.constant 0 : i32
    return %c0_i32, %c0_i32_0 : i32, i32
  }
  func.func @transform_7(%arg0: i32) -> (i32, i32) {
    %c0_i32 = arith.constant 0 : i32
    %c0_i32_0 = arith.constant 0 : i32
    %c0_i32_1 = arith.constant 0 : i32
    return %c0_i32, %c0_i32_0 : i32, i32
  }
  func.func @transform_8(%arg0: i32) -> (i32, i32) {
    %c0_i32 = arith.constant 0 : i32
    %c0_i32_0 = arith.constant 0 : i32
    %c0_i32_1 = arith.constant 0 : i32
    return %c0_i32, %c0_i32_0 : i32, i32
  }
  func.func @transform_9(%arg0: i32) -> (i32, i32) {
    %c0_i32 = arith.constant 0 : i32
    %c0_i32_0 = arith.constant 0 : i32
    %c0_i32_1 = arith.constant 0 : i32
    return %c0_i32, %c0_i32_0 : i32, i32
  }
  func.func @transform_10(%arg0: i32) -> (i32, i32) {
    %c0_i32 = arith.constant 0 : i32
    %c0_i32_0 = arith.constant 0 : i32
    %c0_i32_1 = arith.constant 0 : i32
    return %c0_i32, %c0_i32_0 : i32, i32
  }
  func.func @transform_11(%arg0: i32) -> (i32, i32) {
    %c0_i32 = arith.constant 0 : i32
    %c0_i32_0 = arith.constant 0 : i32
    return %arg0, %c0_i32 : i32, i32
  }
  func.func @transform_12(%arg0: i32) -> (i32, i32) {
    %c0_i32 = arith.constant 0 : i32
    %c0_i32_0 = arith.constant 0 : i32
    return %arg0, %c0_i32 : i32, i32
  }
}

module attributes {stable_mosaic.version = 14 : i64} {
  func.func @_node_body(%arg0: i32, %arg1: memref<1000x128xf32, #tpu.memory_space<vmem>>, %arg2: memref<1000x128xf32, #tpu.memory_space<vmem>>, %arg3: memref<1000x128xf32, #tpu.memory_space<vmem>>, %arg4: memref<1000x128xf32, #tpu.memory_space<vmem>>, %arg5: memref<2x1000x128xf32, #tpu.memory_space<vmem>>, %arg6: memref<2x1000x128xf32, #tpu.memory_space<vmem>>, %arg7: memref<128x128xf32, #tpu.memory_space<vmem>>, %arg8: memref<128x128xf32, #tpu.memory_space<vmem>>, %arg9: memref<1x128xf32, #tpu.memory_space<vmem>>, %arg10: memref<128x128xf32, #tpu.memory_space<vmem>>, %arg11: memref<1x128xf32, #tpu.memory_space<vmem>>, %arg12: memref<128x128xf32, #tpu.memory_space<vmem>>, %arg13: memref<1x128xf32, #tpu.memory_space<vmem>>, %arg14: memref<128x1xf32, #tpu.memory_space<vmem>>, %arg15: memref<1x1xf32, #tpu.memory_space<vmem>>, %arg16: memref<128x128xf32, #tpu.memory_space<vmem>>, %arg17: memref<128x128xf32, #tpu.memory_space<vmem>>, %arg18: memref<1000x128xf32, #tpu.memory_space<vmem>>, %arg19: memref<1000x128xf32, #tpu.memory_space<vmem>>, %arg20: memref<1000x128xf32, #tpu.memory_space<vmem>>, %arg21: memref<1000x128xf32, #tpu.memory_space<vmem>>, %arg22: memref<1000x128xf32, #tpu.memory_space<vmem>>, %arg23: memref<1000x128xf32, #tpu.memory_space<vmem>>, %arg24: memref<1x1xf32, #tpu.memory_space<vmem>>) attributes {dimension_semantics = [#tpu.dimension_semantics<arbitrary>], iteration_bounds = array<i64: 10>, scalar_prefetch = 0 : i64, scratch_operands = 0 : i64, tpu.core_type = #tpu.core_type<tc>, window_params = [{transform_indices = @transform_0, window_bounds = array<i64: 1000, 128>}, {transform_indices = @transform_1, window_bounds = array<i64: 1000, 128>}, {transform_indices = @transform_2, window_bounds = array<i64: 1000, 128>}, {transform_indices = @transform_3, window_bounds = array<i64: 1000, 128>}, {transform_indices = @transform_4, window_bounds = array<i64: 2, 1000, 128>}, {transform_indices = @transform_5, window_bounds = array<i64: 2, 1000, 128>}, {pipeline_mode = #tpu.pipeline_mode<synchronous>, transform_indices = @transform_6, window_bounds = array<i64: 128, 128>}, {pipeline_mode = #tpu.pipeline_mode<synchronous>, transform_indices = @transform_7, window_bounds = array<i64: 128, 128>}, {pipeline_mode = #tpu.pipeline_mode<synchronous>, transform_indices = @transform_8, window_bounds = array<i64: 1, 128>}, {pipeline_mode = #tpu.pipeline_mode<synchronous>, transform_indices = @transform_9, window_bounds = array<i64: 128, 128>}, {pipeline_mode = #tpu.pipeline_mode<synchronous>, transform_indices = @transform_10, window_bounds = array<i64: 1, 128>}, {pipeline_mode = #tpu.pipeline_mode<synchronous>, transform_indices = @transform_11, window_bounds = array<i64: 128, 128>}, {pipeline_mode = #tpu.pipeline_mode<synchronous>, transform_indices = @transform_12, window_bounds = array<i64: 1, 128>}, {pipeline_mode = #tpu.pipeline_mode<synchronous>, transform_indices = @transform_13, window_bounds = array<i64: 128, 1>}, {pipeline_mode = #tpu.pipeline_mode<synchronous>, transform_indices = @transform_14, window_bounds = array<i64: 1, 1>}, {pipeline_mode = #tpu.pipeline_mode<synchronous>, transform_indices = @transform_15, window_bounds = array<i64: 128, 128>}, {pipeline_mode = #tpu.pipeline_mode<synchronous>, transform_indices = @transform_16, window_bounds = array<i64: 128, 128>}, {transform_indices = @transform_17, window_bounds = array<i64: 1000, 128>}, {transform_indices = @transform_18, window_bounds = array<i64: 1000, 128>}, {transform_indices = @transform_19, window_bounds = array<i64: 1000, 128>}, {transform_indices = @transform_20, window_bounds = array<i64: 1000, 128>}, {transform_indices = @transform_21, window_bounds = array<i64: 1000, 128>}, {transform_indices = @transform_22, window_bounds = array<i64: 1000, 128>}, {pipeline_mode = #tpu.pipeline_mode<synchronous>, transform_indices = @transform_23, window_bounds = array<i64: 1, 1>}]} {
    %get3A = arith.constant 0 : index
    %get3A_0 = arith.constant 0 : index
    %get3A_1 = arith.constant 0 : index
    %get3A_2 = vector.load %arg5[%get3A, %get3A_0, %get3A_1] : memref<2x1000x128xf32, #tpu.memory_space<vmem>>, vector<1x1000x128xf32>
    %get3A_3 = vector.shape_cast %get3A_2 : vector<1x1000x128xf32> to vector<1000x128xf32>
    %get3A_4 = arith.constant 1 : index
    %get3A_5 = arith.constant 0 : index
    %get3A_6 = arith.constant 0 : index
    %get3A_7 = vector.load %arg5[%get3A_4, %get3A_5, %get3A_6] : memref<2x1000x128xf32, #tpu.memory_space<vmem>>, vector<1x1000x128xf32>
    %get3A_8 = vector.shape_cast %get3A_7 : vector<1x1000x128xf32> to vector<1000x128xf32>
    %add3A = arith.addf %get3A_3, %get3A_8 : vector<1000x128xf32>
    %get3A_9 = arith.constant 0 : index
    %get3A_10 = arith.constant 0 : index
    %get3A_11 = arith.constant 0 : index
    %get3A_12 = vector.load %arg6[%get3A_9, %get3A_10, %get3A_11] : memref<2x1000x128xf32, #tpu.memory_space<vmem>>, vector<1x1000x128xf32>
    %get3A_13 = vector.shape_cast %get3A_12 : vector<1x1000x128xf32> to vector<1000x128xf32>
    %get3A_14 = arith.constant 1 : index
    %get3A_15 = arith.constant 0 : index
    %get3A_16 = arith.constant 0 : index
    %get3A_17 = vector.load %arg6[%get3A_14, %get3A_15, %get3A_16] : memref<2x1000x128xf32, #tpu.memory_space<vmem>>, vector<1x1000x128xf32>
    %get3A_18 = vector.shape_cast %get3A_17 : vector<1x1000x128xf32> to vector<1000x128xf32>
    %add3A_19 = arith.addf %get3A_13, %get3A_18 : vector<1000x128xf32>
    %slice3A = vector.extract_strided_slice %add3A_19 {offsets = [0, 3], sizes = [1000, 1], strides = [1, 1]} : vector<1000x128xf32> to vector<1000x1xf32>
    %max3A = arith.constant 1.000000e+00 : f32
    %max3A_20 = vector.broadcast %max3A : f32 to vector<1000x1xf32>
    %max3A_21 = arith.maximumf %slice3A, %max3A_20 : vector<1000x1xf32>
    %iota3A = tpu.iota {dimensions = array<i32: 1>} : vector<1000x128xi32>
    %lt3A = arith.constant 3 : i32
    %lt3A_22 = vector.broadcast %lt3A : i32 to vector<1000x128xi32>
    %lt3A_23 = arith.cmpi slt, %iota3A, %lt3A_22 : vector<1000x128xi32>
    %jit3A = arith.constant 0.000000e+00 : f32
    %broadcast_in_dim3A = vector.broadcast %jit3A : f32 to vector<1000x128xf32>
    %select_n3A = arith.select %lt3A_23, %add3A_19, %broadcast_in_dim3A : vector<1000x128xi1>, vector<1000x128xf32>
    %div3A = vector.broadcast %max3A_21 : vector<1000x1xf32> to vector<1000x128xf32>
    %div3A_24 = arith.divf %select_n3A, %div3A : vector<1000x128xf32>
    %mul3A = arith.constant 1.000000e+00 : f32
    %mul3A_25 = vector.broadcast %mul3A : f32 to vector<1000x128xf32>
    %mul3A_26 = arith.mulf %div3A_24, %mul3A_25 : vector<1000x128xf32>
    %get3A_27 = arith.constant 0 : index
    %get3A_28 = arith.constant 0 : index
    %get3A_29 = vector.load %arg1[%get3A_27, %get3A_28] : memref<1000x128xf32, #tpu.memory_space<vmem>>, vector<1000x128xf32>
    %get3A_30 = arith.constant 0 : index
    %get3A_31 = arith.constant 0 : index
    %get3A_32 = vector.load %arg7[%get3A_30, %get3A_31] : memref<128x128xf32, #tpu.memory_space<vmem>>, vector<128x128xf32>
    %dot_general3A = arith.constant dense<0.000000e+00> : vector<1000x128xf32>
    %dot_general3A_33 = tpu.matmul %get3A_29, %get3A_32, %dot_general3A {dimension_numbers = #tpu.dot_dimension_numbers<[1], [0], [0], [1], [0, 0, 1, 1], [], []>, transpose_lhs_hint = false} : vector<1000x128xf32>, vector<128x128xf32>, vector<1000x128xf32> -> vector<1000x128xf32>
    %get3A_34 = arith.constant 0 : index
    %get3A_35 = arith.constant 0 : index
    %get3A_36 = vector.load %arg8[%get3A_34, %get3A_35] : memref<128x128xf32, #tpu.memory_space<vmem>>, vector<128x128xf32>
    %dot_general3A_37 = arith.constant dense<0.000000e+00> : vector<1000x128xf32>
    %dot_general3A_38 = tpu.matmul %add3A, %get3A_36, %dot_general3A_37 {dimension_numbers = #tpu.dot_dimension_numbers<[1], [0], [0], [1], [0, 0, 1, 1], [], []>, transpose_lhs_hint = false} : vector<1000x128xf32>, vector<128x128xf32>, vector<1000x128xf32> -> vector<1000x128xf32>
    %add3A_39 = arith.addf %dot_general3A_33, %dot_general3A_38 : vector<1000x128xf32>
    %get3A_40 = arith.constant 0 : index
    %get3A_41 = arith.constant 0 : index
    %get3A_42 = vector.load %arg9[%get3A_40, %get3A_41] : memref<1x128xf32, #tpu.memory_space<vmem>>, vector<1x128xf32>
    %add3A_43 = vector.broadcast %get3A_42 : vector<1x128xf32> to vector<1000x128xf32>
    %add3A_44 = arith.addf %add3A_39, %add3A_43 : vector<1000x128xf32>
    %logistic3A = arith.negf %add3A_44 : vector<1000x128xf32>
    %logistic3A_45 = math.exp %logistic3A : vector<1000x128xf32>
    %logistic3A_46 = arith.constant 1.000000e+00 : f32
    %logistic3A_47 = vector.broadcast %logistic3A_46 : f32 to vector<1000x128xf32>
    %logistic3A_48 = arith.addf %logistic3A_47, %logistic3A_45 : vector<1000x128xf32>
    %logistic3A_49 = arith.divf %logistic3A_47, %logistic3A_48 : vector<1000x128xf32>
    %mul3A_50 = arith.mulf %add3A_44, %logistic3A_49 : vector<1000x128xf32>
    %get3A_51 = arith.constant 0 : index
    %get3A_52 = arith.constant 0 : index
    %get3A_53 = vector.load %arg10[%get3A_51, %get3A_52] : memref<128x128xf32, #tpu.memory_space<vmem>>, vector<128x128xf32>
    %dot_general3A_54 = arith.constant dense<0.000000e+00> : vector<1000x128xf32>
    %dot_general3A_55 = tpu.matmul %mul3A_50, %get3A_53, %dot_general3A_54 {dimension_numbers = #tpu.dot_dimension_numbers<[1], [0], [0], [1], [0, 0, 1, 1], [], []>, transpose_lhs_hint = false} : vector<1000x128xf32>, vector<128x128xf32>, vector<1000x128xf32> -> vector<1000x128xf32>
    %get3A_56 = arith.constant 0 : index
    %get3A_57 = arith.constant 0 : index
    %get3A_58 = vector.load %arg11[%get3A_56, %get3A_57] : memref<1x128xf32, #tpu.memory_space<vmem>>, vector<1x128xf32>
    %add3A_59 = vector.broadcast %get3A_58 : vector<1x128xf32> to vector<1000x128xf32>
    %add3A_60 = arith.addf %dot_general3A_55, %add3A_59 : vector<1000x128xf32>
    %get3A_61 = arith.constant 0 : index
    %get3A_62 = arith.constant 0 : index
    %get3A_63 = vector.load %arg12[%get3A_61, %get3A_62] : memref<128x128xf32, #tpu.memory_space<vmem>>, vector<128x128xf32>
    %dot_general3A_64 = arith.constant dense<0.000000e+00> : vector<1000x128xf32>
    %dot_general3A_65 = tpu.matmul %add3A, %get3A_63, %dot_general3A_64 {dimension_numbers = #tpu.dot_dimension_numbers<[1], [0], [0], [1], [0, 0, 1, 1], [], []>, transpose_lhs_hint = false} : vector<1000x128xf32>, vector<128x128xf32>, vector<1000x128xf32> -> vector<1000x128xf32>
    %get3A_66 = arith.constant 0 : index
    %get3A_67 = arith.constant 0 : index
    %get3A_68 = vector.load %arg13[%get3A_66, %get3A_67] : memref<1x128xf32, #tpu.memory_space<vmem>>, vector<1x128xf32>
    %add3A_69 = vector.broadcast %get3A_68 : vector<1x128xf32> to vector<1000x128xf32>
    %add3A_70 = arith.addf %dot_general3A_65, %add3A_69 : vector<1000x128xf32>
    %logistic3A_71 = arith.negf %add3A_70 : vector<1000x128xf32>
    %logistic3A_72 = math.exp %logistic3A_71 : vector<1000x128xf32>
    %logistic3A_73 = arith.constant 1.000000e+00 : f32
    %logistic3A_74 = vector.broadcast %logistic3A_73 : f32 to vector<1000x128xf32>
    %logistic3A_75 = arith.addf %logistic3A_74, %logistic3A_72 : vector<1000x128xf32>
    %logistic3A_76 = arith.divf %logistic3A_74, %logistic3A_75 : vector<1000x128xf32>
    %mul3A_77 = arith.mulf %add3A_70, %logistic3A_76 : vector<1000x128xf32>
    %get3A_78 = arith.constant 0 : index
    %get3A_79 = arith.constant 0 : index
    %get3A_80 = vector.load %arg14[%get3A_78, %get3A_79] : memref<128x1xf32, #tpu.memory_space<vmem>>, vector<128x1xf32>
    %dot_general3A_81 = arith.constant dense<0.000000e+00> : vector<1000x1xf32>
    %dot_general3A_82 = tpu.matmul %mul3A_77, %get3A_80, %dot_general3A_81 {dimension_numbers = #tpu.dot_dimension_numbers<[1], [0], [0], [1], [0, 0, 1, 1], [], []>, transpose_lhs_hint = false} : vector<1000x128xf32>, vector<128x1xf32>, vector<1000x1xf32> -> vector<1000x1xf32>
    %get3A_83 = arith.constant 0 : index
    %get3A_84 = arith.constant 0 : index
    %get3A_85 = vector.load %arg15[%get3A_83, %get3A_84] : memref<1x1xf32, #tpu.memory_space<vmem>>, vector<1x1xf32>
    %add3A_86 = vector.broadcast %get3A_85 : vector<1x1xf32> to vector<1000x1xf32>
    %add3A_87 = arith.addf %dot_general3A_82, %add3A_86 : vector<1000x1xf32>
    %tanh3A = math.tanh %add3A_87 : vector<1000x1xf32>
    %exp3A = math.exp %tanh3A : vector<1000x1xf32>
    %get3A_88 = arith.constant 0 : index
    %get3A_89 = arith.constant 0 : index
    %get3A_90 = vector.load %arg3[%get3A_88, %get3A_89] : memref<1000x128xf32, #tpu.memory_space<vmem>>, vector<1000x128xf32>
    %mul3A_91 = vector.broadcast %exp3A : vector<1000x1xf32> to vector<1000x128xf32>
    %mul3A_92 = arith.mulf %mul3A_91, %get3A_90 : vector<1000x128xf32>
    %mul3A_93 = arith.constant 0.00999999977 : f32
    %mul3A_94 = vector.broadcast %mul3A_93 : f32 to vector<1000x128xf32>
    %mul3A_95 = arith.mulf %mul3A_26, %mul3A_94 : vector<1000x128xf32>
    %add3A_96 = arith.addf %mul3A_92, %mul3A_95 : vector<1000x128xf32>
    %get3A_97 = arith.constant 0 : index
    %get3A_98 = arith.constant 0 : index
    %get3A_99 = vector.load %arg4[%get3A_97, %get3A_98] : memref<1000x128xf32, #tpu.memory_space<vmem>>, vector<1000x128xf32>
    %mul3A_100 = arith.constant 0.00999999977 : f32
    %mul3A_101 = vector.broadcast %mul3A_100 : f32 to vector<1000x128xf32>
    %mul3A_102 = arith.mulf %add3A_96, %mul3A_101 : vector<1000x128xf32>
    %add3A_103 = arith.addf %get3A_99, %mul3A_102 : vector<1000x128xf32>
    %get3A_104 = arith.constant 0 : index
    %get3A_105 = arith.constant 0 : index
    %get3A_106 = vector.load %arg2[%get3A_104, %get3A_105] : memref<1000x128xf32, #tpu.memory_space<vmem>>, vector<1000x128xf32>
    %add3A_107 = arith.addf %get3A_106, %add3A_60 : vector<1000x128xf32>
    %add3A_108 = arith.addf %get3A_29, %add3A_107 : vector<1000x128xf32>
    %swap3A = arith.constant 0 : index
    %swap3A_109 = arith.constant 0 : index
    %swap3A_110 = vector.load %arg18[%swap3A, %swap3A_109] : memref<1000x128xf32, #tpu.memory_space<vmem>>, vector<1000x128xf32>
    tpu.vector_store %arg18[%swap3A, %swap3A_109], %add3A_108 {strides = array<i32>} : memref<1000x128xf32, #tpu.memory_space<vmem>>, vector<1000x128xf32>,
    %swap3A_111 = arith.constant 0 : index
    %swap3A_112 = arith.constant 0 : index
    %swap3A_113 = vector.load %arg19[%swap3A_111, %swap3A_112] : memref<1000x128xf32, #tpu.memory_space<vmem>>, vector<1000x128xf32>
    tpu.vector_store %arg19[%swap3A_111, %swap3A_112], %add3A_107 {strides = array<i32>} : memref<1000x128xf32, #tpu.memory_space<vmem>>, vector<1000x128xf32>,
    %swap3A_114 = arith.constant 0 : index
    %swap3A_115 = arith.constant 0 : index
    %swap3A_116 = vector.load %arg20[%swap3A_114, %swap3A_115] : memref<1000x128xf32, #tpu.memory_space<vmem>>, vector<1000x128xf32>
    tpu.vector_store %arg20[%swap3A_114, %swap3A_115], %add3A_96 {strides = array<i32>} : memref<1000x128xf32, #tpu.memory_space<vmem>>, vector<1000x128xf32>,
    %swap3A_117 = arith.constant 0 : index
    %swap3A_118 = arith.constant 0 : index
    %swap3A_119 = vector.load %arg21[%swap3A_117, %swap3A_118] : memref<1000x128xf32, #tpu.memory_space<vmem>>, vector<1000x128xf32>
    tpu.vector_store %arg21[%swap3A_117, %swap3A_118], %add3A_103 {strides = array<i32>} : memref<1000x128xf32, #tpu.memory_space<vmem>>, vector<1000x128xf32>,
    %get3A_120 = arith.constant 0 : index
    %get3A_121 = arith.constant 0 : index
    %get3A_122 = vector.load %arg16[%get3A_120, %get3A_121] : memref<128x128xf32, #tpu.memory_space<vmem>>, vector<128x128xf32>
    %dot_general3A_123 = arith.constant dense<0.000000e+00> : vector<1000x128xf32>
    %dot_general3A_124 = tpu.matmul %add3A_108, %get3A_122, %dot_general3A_123 {dimension_numbers = #tpu.dot_dimension_numbers<[1], [0], [0], [1], [0, 0, 1, 1], [], []>, transpose_lhs_hint = false} : vector<1000x128xf32>, vector<128x128xf32>, vector<1000x128xf32> -> vector<1000x128xf32>
    %swap3A_125 = arith.constant 0 : index
    %swap3A_126 = arith.constant 0 : index
    %swap3A_127 = vector.load %arg22[%swap3A_125, %swap3A_126] : memref<1000x128xf32, #tpu.memory_space<vmem>>, vector<1000x128xf32>
    tpu.vector_store %arg22[%swap3A_125, %swap3A_126], %dot_general3A_124 {strides = array<i32>} : memref<1000x128xf32, #tpu.memory_space<vmem>>, vector<1000x128xf32>,
    %get3A_128 = arith.constant 0 : index
    %get3A_129 = arith.constant 0 : index
    %get3A_130 = vector.load %arg17[%get3A_128, %get3A_129] : memref<128x128xf32, #tpu.memory_space<vmem>>, vector<128x128xf32>
    %dot_general3A_131 = arith.constant dense<0.000000e+00> : vector<1000x128xf32>
    %dot_general3A_132 = tpu.matmul %add3A_108, %get3A_130, %dot_general3A_131 {dimension_numbers = #tpu.dot_dimension_numbers<[1], [0], [0], [1], [0, 0, 1, 1], [], []>, transpose_lhs_hint = false} : vector<1000x128xf32>, vector<128x128xf32>, vector<1000x128xf32> -> vector<1000x128xf32>
    %swap3A_133 = arith.constant 0 : index
    %swap3A_134 = arith.constant 0 : index
    %swap3A_135 = vector.load %arg23[%swap3A_133, %swap3A_134] : memref<1000x128xf32, #tpu.memory_space<vmem>>, vector<1000x128xf32>
    tpu.vector_store %arg23[%swap3A_133, %swap3A_134], %dot_general3A_132 {strides = array<i32>} : memref<1000x128xf32, #tpu.memory_space<vmem>>, vector<1000x128xf32>,
    %eq3A = arith.constant 0 : i32
    %eq3A_136 = arith.cmpi eq, %arg0, %eq3A : i32
    %convert_element_type3A = arith.extui %eq3A_136 : i1 to i32
    %cond3A = arith.constant 0 : i32
    %cond3A_137 = arith.cmpi ne, %convert_element_type3A, %cond3A : i32
    scf.if %cond3A_137 {
      %broadcast_in_dim3A_149 = arith.constant 0.000000e+00 : f32
      %broadcast_in_dim3A_150 = vector.broadcast %broadcast_in_dim3A_149 : f32 to vector<1x1xf32>
      %swap3A_151 = arith.constant 0 : index
      %swap3A_152 = arith.constant 0 : index
      %swap3A_153 = vector.load %arg24[%swap3A_151, %swap3A_152] : memref<1x1xf32, #tpu.memory_space<vmem>>, vector<1x1xf32>
      tpu.vector_store %arg24[%swap3A_151, %swap3A_152], %broadcast_in_dim3A_150 {strides = array<i32>} : memref<1x1xf32, #tpu.memory_space<vmem>>, vector<1x1xf32>,
    } else {
    }
    %get3A_138 = arith.constant 0 : index
    %get3A_139 = arith.constant 0 : index
    %get3A_140 = vector.load %arg24[%get3A_138, %get3A_139] : memref<1x1xf32, #tpu.memory_space<vmem>>, vector<1x1xf32>
    %reduce_sum3A = vector.shape_cast %tanh3A : vector<1000x1xf32> to vector<1x1000x1xf32>
    %reduce_sum3A_141 = arith.constant dense<0.000000e+00> : vector<1xf32>
    %reduce_sum3A_142 = vector.multi_reduction <add>, %reduce_sum3A, %reduce_sum3A_141 [1, 2] : vector<1x1000x1xf32> to vector<1xf32>
    %reduce_sum3A_143 = vector.shape_cast %reduce_sum3A_142 : vector<1xf32> to vector<1x1x1xf32>
    %reduce_sum3A_144 = vector.extract %reduce_sum3A_143[0, 0, 0] : f32 from vector<1x1x1xf32>
    %reshape3A = vector.broadcast %reduce_sum3A_144 : f32 to vector<1x1xf32>
    %add3A_145 = arith.addf %get3A_140, %reshape3A : vector<1x1xf32>
    %swap3A_146 = arith.constant 0 : index
    %swap3A_147 = arith.constant 0 : index
    %swap3A_148 = vector.load %arg24[%swap3A_146, %swap3A_147] : memref<1x1xf32, #tpu.memory_space<vmem>>, vector<1x1xf32>
    tpu.vector_store %arg24[%swap3A_146, %swap3A_147], %add3A_145 {strides = array<i32>} : memref<1x1xf32, #tpu.memory_space<vmem>>, vector<1x1xf32>,
    return
  }
  func.func @transform_0(%arg0: i32) -> (i32, i32) {
    %c0_i32 = arith.constant 0 : i32
    %c0_i32_0 = arith.constant 0 : i32
    return %arg0, %c0_i32 : i32, i32
  }
  func.func @transform_1(%arg0: i32) -> (i32, i32) {
    %c0_i32 = arith.constant 0 : i32
    %c0_i32_0 = arith.constant 0 : i32
    return %arg0, %c0_i32 : i32, i32
  }
  func.func @transform_2(%arg0: i32) -> (i32, i32) {
    %c0_i32 = arith.constant 0 : i32
    %c0_i32_0 = arith.constant 0 : i32
    return %arg0, %c0_i32 : i32, i32
  }
  func.func @transform_3(%arg0: i32) -> (i32, i32) {
    %c0_i32 = arith.constant 0 : i32
    %c0_i32_0 = arith.constant 0 : i32
    return %arg0, %c0_i32 : i32, i32
  }
  func.func @transform_4(%arg0: i32) -> (i32, i32, i32) {
    %c0_i32 = arith.constant 0 : i32
    %c0_i32_0 = arith.constant 0 : i32
    %c0_i32_1 = arith.constant 0 : i32
    return %c0_i32, %arg0, %c0_i32_0 : i32, i32, i32
  }
  func.func @transform_5(%arg0: i32) -> (i32, i32, i32) {
    %c0_i32 = arith.constant 0 : i32
    %c0_i32_0 = arith.constant 0 : i32
    %c0_i32_1 = arith.constant 0 : i32
    return %c0_i32, %arg0, %c0_i32_0 : i32, i32, i32
  }
  func.func @transform_6(%arg0: i32) -> (i32, i32) {
    %c0_i32 = arith.constant 0 : i32
    %c0_i32_0 = arith.constant 0 : i32
    %c0_i32_1 = arith.constant 0 : i32
    return %c0_i32, %c0_i32_0 : i32, i32
  }
  func.func @transform_7(%arg0: i32) -> (i32, i32) {
    %c0_i32 = arith.constant 0 : i32
    %c0_i32_0 = arith.constant 0 : i32
    %c0_i32_1 = arith.constant 0 : i32
    return %c0_i32, %c0_i32_0 : i32, i32
  }
  func.func @transform_8(%arg0: i32) -> (i32, i32) {
    %c0_i32 = arith.constant 0 : i32
    %c0_i32_0 = arith.constant 0 : i32
    %c0_i32_1 = arith.constant 0 : i32
    return %c0_i32, %c0_i32_0 : i32, i32
  }
  func.func @transform_9(%arg0: i32) -> (i32, i32) {
    %c0_i32 = arith.constant 0 : i32
    %c0_i32_0 = arith.constant 0 : i32
    %c0_i32_1 = arith.constant 0 : i32
    return %c0_i32, %c0_i32_0 : i32, i32
  }
  func.func @transform_10(%arg0: i32) -> (i32, i32) {
    %c0_i32 = arith.constant 0 : i32
    %c0_i32_0 = arith.constant 0 : i32
    %c0_i32_1 = arith.constant 0 : i32
    return %c0_i32, %c0_i32_0 : i32, i32
  }
  func.func @transform_11(%arg0: i32) -> (i32, i32) {
    %c0_i32 = arith.constant 0 : i32
    %c0_i32_0 = arith.constant 0 : i32
    %c0_i32_1 = arith.constant 0 : i32
    return %c0_i32, %c0_i32_0 : i32, i32
  }
  func.func @transform_12(%arg0: i32) -> (i32, i32) {
    %c0_i32 = arith.constant 0 : i32
    %c0_i32_0 = arith.constant 0 : i32
    %c0_i32_1 = arith.constant 0 : i32
    return %c0_i32, %c0_i32_0 : i32, i32
  }
  func.func @transform_13(%arg0: i32) -> (i32, i32) {
    %c0_i32 = arith.constant 0 : i32
    %c0_i32_0 = arith.constant 0 : i32
    %c0_i32_1 = arith.constant 0 : i32
    return %c0_i32, %c0_i32_0 : i32, i32
  }
  func.func @transform_14(%arg0: i32) -> (i32, i32) {
    %c0_i32 = arith.constant 0 : i32
    %c0_i32_0 = arith.constant 0 : i32
    %c0_i32_1 = arith.constant 0 : i32
    return %c0_i32, %c0_i32_0 : i32, i32
  }
  func.func @transform_15(%arg0: i32) -> (i32, i32) {
    %c0_i32 = arith.constant 0 : i32
    %c0_i32_0 = arith.constant 0 : i32
    %c0_i32_1 = arith.constant 0 : i32
    return %c0_i32, %c0_i32_0 : i32, i32
  }
  func.func @transform_16(%arg0: i32) -> (i32, i32) {
    %c0_i32 = arith.constant 0 : i32
    %c0_i32_0 = arith.constant 0 : i32
    %c0_i32_1 = arith.constant 0 : i32
    return %c0_i32, %c0_i32_0 : i32, i32
  }
  func.func @transform_17(%arg0: i32) -> (i32, i32) {
    %c0_i32 = arith.constant 0 : i32
    %c0_i32_0 = arith.constant 0 : i32
    return %arg0, %c0_i32 : i32, i32
  }
  func.func @transform_18(%arg0: i32) -> (i32, i32) {
    %c0_i32 = arith.constant 0 : i32
    %c0_i32_0 = arith.constant 0 : i32
    return %arg0, %c0_i32 : i32, i32
  }
  func.func @transform_19(%arg0: i32) -> (i32, i32) {
    %c0_i32 = arith.constant 0 : i32
    %c0_i32_0 = arith.constant 0 : i32
    return %arg0, %c0_i32 : i32, i32
  }
  func.func @transform_20(%arg0: i32) -> (i32, i32) {
    %c0_i32 = arith.constant 0 : i32
    %c0_i32_0 = arith.constant 0 : i32
    return %arg0, %c0_i32 : i32, i32
  }
  func.func @transform_21(%arg0: i32) -> (i32, i32) {
    %c0_i32 = arith.constant 0 : i32
    %c0_i32_0 = arith.constant 0 : i32
    return %arg0, %c0_i32 : i32, i32
  }
  func.func @transform_22(%arg0: i32) -> (i32, i32) {
    %c0_i32 = arith.constant 0 : i32
    %c0_i32_0 = arith.constant 0 : i32
    return %arg0, %c0_i32 : i32, i32
  }
  func.func @transform_23(%arg0: i32) -> (i32, i32) {
    %c0_i32 = arith.constant 0 : i32
    %c0_i32_0 = arith.constant 0 : i32
    %c0_i32_1 = arith.constant 0 : i32
    return %c0_i32, %c0_i32_0 : i32, i32
  }
}

module attributes {stable_mosaic.version = 14 : i64} {
  func.func @_node_body(%arg0: i32, %arg1: memref<1000x128xf32, #tpu.memory_space<vmem>>, %arg2: memref<1000x128xf32, #tpu.memory_space<vmem>>, %arg3: memref<1000x128xf32, #tpu.memory_space<vmem>>, %arg4: memref<1000x128xf32, #tpu.memory_space<vmem>>, %arg5: memref<2x1000x128xf32, #tpu.memory_space<vmem>>, %arg6: memref<2x1000x128xf32, #tpu.memory_space<vmem>>, %arg7: memref<128x128xf32, #tpu.memory_space<vmem>>, %arg8: memref<128x128xf32, #tpu.memory_space<vmem>>, %arg9: memref<1x128xf32, #tpu.memory_space<vmem>>, %arg10: memref<128x128xf32, #tpu.memory_space<vmem>>, %arg11: memref<1x128xf32, #tpu.memory_space<vmem>>, %arg12: memref<128x128xf32, #tpu.memory_space<vmem>>, %arg13: memref<1x128xf32, #tpu.memory_space<vmem>>, %arg14: memref<128x1xf32, #tpu.memory_space<vmem>>, %arg15: memref<1x1xf32, #tpu.memory_space<vmem>>, %arg16: memref<128x128xf32, #tpu.memory_space<vmem>>, %arg17: memref<128x128xf32, #tpu.memory_space<vmem>>, %arg18: memref<1000x128xf32, #tpu.memory_space<vmem>>, %arg19: memref<1000x128xf32, #tpu.memory_space<vmem>>, %arg20: memref<1000x128xf32, #tpu.memory_space<vmem>>, %arg21: memref<1000x128xf32, #tpu.memory_space<vmem>>, %arg22: memref<1000x128xf32, #tpu.memory_space<vmem>>, %arg23: memref<1000x128xf32, #tpu.memory_space<vmem>>, %arg24: memref<1x1xf32, #tpu.memory_space<vmem>>) attributes {dimension_semantics = [#tpu.dimension_semantics<arbitrary>], iteration_bounds = array<i64: 10>, scalar_prefetch = 0 : i64, scratch_operands = 0 : i64, tpu.core_type = #tpu.core_type<tc>, window_params = [{transform_indices = @transform_0, window_bounds = array<i64: 1000, 128>}, {transform_indices = @transform_1, window_bounds = array<i64: 1000, 128>}, {transform_indices = @transform_2, window_bounds = array<i64: 1000, 128>}, {transform_indices = @transform_3, window_bounds = array<i64: 1000, 128>}, {transform_indices = @transform_4, window_bounds = array<i64: 2, 1000, 128>}, {transform_indices = @transform_5, window_bounds = array<i64: 2, 1000, 128>}, {pipeline_mode = #tpu.pipeline_mode<synchronous>, transform_indices = @transform_6, window_bounds = array<i64: 128, 128>}, {pipeline_mode = #tpu.pipeline_mode<synchronous>, transform_indices = @transform_7, window_bounds = array<i64: 128, 128>}, {pipeline_mode = #tpu.pipeline_mode<synchronous>, transform_indices = @transform_8, window_bounds = array<i64: 1, 128>}, {pipeline_mode = #tpu.pipeline_mode<synchronous>, transform_indices = @transform_9, window_bounds = array<i64: 128, 128>}, {pipeline_mode = #tpu.pipeline_mode<synchronous>, transform_indices = @transform_10, window_bounds = array<i64: 1, 128>}, {pipeline_mode = #tpu.pipeline_mode<synchronous>, transform_indices = @transform_11, window_bounds = array<i64: 128, 128>}, {pipeline_mode = #tpu.pipeline_mode<synchronous>, transform_indices = @transform_12, window_bounds = array<i64: 1, 128>}, {pipeline_mode = #tpu.pipeline_mode<synchronous>, transform_indices = @transform_13, window_bounds = array<i64: 128, 1>}, {pipeline_mode = #tpu.pipeline_mode<synchronous>, transform_indices = @transform_14, window_bounds = array<i64: 1, 1>}, {pipeline_mode = #tpu.pipeline_mode<synchronous>, transform_indices = @transform_15, window_bounds = array<i64: 128, 128>}, {pipeline_mode = #tpu.pipeline_mode<synchronous>, transform_indices = @transform_16, window_bounds = array<i64: 128, 128>}, {transform_indices = @transform_17, window_bounds = array<i64: 1000, 128>}, {transform_indices = @transform_18, window_bounds = array<i64: 1000, 128>}, {transform_indices = @transform_19, window_bounds = array<i64: 1000, 128>}, {transform_indices = @transform_20, window_bounds = array<i64: 1000, 128>}, {transform_indices = @transform_21, window_bounds = array<i64: 1000, 128>}, {transform_indices = @transform_22, window_bounds = array<i64: 1000, 128>}, {pipeline_mode = #tpu.pipeline_mode<synchronous>, transform_indices = @transform_23, window_bounds = array<i64: 1, 1>}]} {
    %get3A = arith.constant 0 : index
    %get3A_0 = arith.constant 0 : index
    %get3A_1 = arith.constant 0 : index
    %get3A_2 = vector.load %arg5[%get3A, %get3A_0, %get3A_1] : memref<2x1000x128xf32, #tpu.memory_space<vmem>>, vector<1x1000x128xf32>
    %get3A_3 = vector.shape_cast %get3A_2 : vector<1x1000x128xf32> to vector<1000x128xf32>
    %get3A_4 = arith.constant 1 : index
    %get3A_5 = arith.constant 0 : index
    %get3A_6 = arith.constant 0 : index
    %get3A_7 = vector.load %arg5[%get3A_4, %get3A_5, %get3A_6] : memref<2x1000x128xf32, #tpu.memory_space<vmem>>, vector<1x1000x128xf32>
    %get3A_8 = vector.shape_cast %get3A_7 : vector<1x1000x128xf32> to vector<1000x128xf32>
    %add3A = arith.addf %get3A_3, %get3A_8 : vector<1000x128xf32>
    %get3A_9 = arith.constant 0 : index
    %get3A_10 = arith.constant 0 : index
    %get3A_11 = arith.constant 0 : index
    %get3A_12 = vector.load %arg6[%get3A_9, %get3A_10, %get3A_11] : memref<2x1000x128xf32, #tpu.memory_space<vmem>>, vector<1x1000x128xf32>
    %get3A_13 = vector.shape_cast %get3A_12 : vector<1x1000x128xf32> to vector<1000x128xf32>
    %get3A_14 = arith.constant 1 : index
    %get3A_15 = arith.constant 0 : index
    %get3A_16 = arith.constant 0 : index
    %get3A_17 = vector.load %arg6[%get3A_14, %get3A_15, %get3A_16] : memref<2x1000x128xf32, #tpu.memory_space<vmem>>, vector<1x1000x128xf32>
    %get3A_18 = vector.shape_cast %get3A_17 : vector<1x1000x128xf32> to vector<1000x128xf32>
    %add3A_19 = arith.addf %get3A_13, %get3A_18 : vector<1000x128xf32>
    %slice3A = vector.extract_strided_slice %add3A_19 {offsets = [0, 3], sizes = [1000, 1], strides = [1, 1]} : vector<1000x128xf32> to vector<1000x1xf32>
    %max3A = arith.constant 1.000000e+00 : f32
    %max3A_20 = vector.broadcast %max3A : f32 to vector<1000x1xf32>
    %max3A_21 = arith.maximumf %slice3A, %max3A_20 : vector<1000x1xf32>
    %iota3A = tpu.iota {dimensions = array<i32: 1>} : vector<1000x128xi32>
    %lt3A = arith.constant 3 : i32
    %lt3A_22 = vector.broadcast %lt3A : i32 to vector<1000x128xi32>
    %lt3A_23 = arith.cmpi slt, %iota3A, %lt3A_22 : vector<1000x128xi32>
    %jit3A = arith.constant 0.000000e+00 : f32
    %broadcast_in_dim3A = vector.broadcast %jit3A : f32 to vector<1000x128xf32>
    %select_n3A = arith.select %lt3A_23, %add3A_19, %broadcast_in_dim3A : vector<1000x128xi1>, vector<1000x128xf32>
    %div3A = vector.broadcast %max3A_21 : vector<1000x1xf32> to vector<1000x128xf32>
    %div3A_24 = arith.divf %select_n3A, %div3A : vector<1000x128xf32>
    %mul3A = arith.constant 1.000000e+00 : f32
    %mul3A_25 = vector.broadcast %mul3A : f32 to vector<1000x128xf32>
    %mul3A_26 = arith.mulf %div3A_24, %mul3A_25 : vector<1000x128xf32>
    %get3A_27 = arith.constant 0 : index
    %get3A_28 = arith.constant 0 : index
    %get3A_29 = vector.load %arg1[%get3A_27, %get3A_28] : memref<1000x128xf32, #tpu.memory_space<vmem>>, vector<1000x128xf32>
    %get3A_30 = arith.constant 0 : index
    %get3A_31 = arith.constant 0 : index
    %get3A_32 = vector.load %arg7[%get3A_30, %get3A_31] : memref<128x128xf32, #tpu.memory_space<vmem>>, vector<128x128xf32>
    %dot_general3A = arith.constant dense<0.000000e+00> : vector<1000x128xf32>
    %dot_general3A_33 = tpu.matmul %get3A_29, %get3A_32, %dot_general3A {dimension_numbers = #tpu.dot_dimension_numbers<[1], [0], [0], [1], [0, 0, 1, 1], [], []>, transpose_lhs_hint = false} : vector<1000x128xf32>, vector<128x128xf32>, vector<1000x128xf32> -> vector<1000x128xf32>
    %get3A_34 = arith.constant 0 : index
    %get3A_35 = arith.constant 0 : index
    %get3A_36 = vector.load %arg8[%get3A_34, %get3A_35] : memref<128x128xf32, #tpu.memory_space<vmem>>, vector<128x128xf32>
    %dot_general3A_37 = arith.constant dense<0.000000e+00> : vector<1000x128xf32>
    %dot_general3A_38 = tpu.matmul %add3A, %get3A_36, %dot_general3A_37 {dimension_numbers = #tpu.dot_dimension_numbers<[1], [0], [0], [1], [0, 0, 1, 1], [], []>, transpose_lhs_hint = false} : vector<1000x128xf32>, vector<128x128xf32>, vector<1000x128xf32> -> vector<1000x128xf32>
    %add3A_39 = arith.addf %dot_general3A_33, %dot_general3A_38 : vector<1000x128xf32>
    %get3A_40 = arith.constant 0 : index
    %get3A_41 = arith.constant 0 : index
    %get3A_42 = vector.load %arg9[%get3A_40, %get3A_41] : memref<1x128xf32, #tpu.memory_space<vmem>>, vector<1x128xf32>
    %add3A_43 = vector.broadcast %get3A_42 : vector<1x128xf32> to vector<1000x128xf32>
    %add3A_44 = arith.addf %add3A_39, %add3A_43 : vector<1000x128xf32>
    %logistic3A = arith.negf %add3A_44 : vector<1000x128xf32>
    %logistic3A_45 = math.exp %logistic3A : vector<1000x128xf32>
    %logistic3A_46 = arith.constant 1.000000e+00 : f32
    %logistic3A_47 = vector.broadcast %logistic3A_46 : f32 to vector<1000x128xf32>
    %logistic3A_48 = arith.addf %logistic3A_47, %logistic3A_45 : vector<1000x128xf32>
    %logistic3A_49 = arith.divf %logistic3A_47, %logistic3A_48 : vector<1000x128xf32>
    %mul3A_50 = arith.mulf %add3A_44, %logistic3A_49 : vector<1000x128xf32>
    %get3A_51 = arith.constant 0 : index
    %get3A_52 = arith.constant 0 : index
    %get3A_53 = vector.load %arg10[%get3A_51, %get3A_52] : memref<128x128xf32, #tpu.memory_space<vmem>>, vector<128x128xf32>
    %dot_general3A_54 = arith.constant dense<0.000000e+00> : vector<1000x128xf32>
    %dot_general3A_55 = tpu.matmul %mul3A_50, %get3A_53, %dot_general3A_54 {dimension_numbers = #tpu.dot_dimension_numbers<[1], [0], [0], [1], [0, 0, 1, 1], [], []>, transpose_lhs_hint = false} : vector<1000x128xf32>, vector<128x128xf32>, vector<1000x128xf32> -> vector<1000x128xf32>
    %get3A_56 = arith.constant 0 : index
    %get3A_57 = arith.constant 0 : index
    %get3A_58 = vector.load %arg11[%get3A_56, %get3A_57] : memref<1x128xf32, #tpu.memory_space<vmem>>, vector<1x128xf32>
    %add3A_59 = vector.broadcast %get3A_58 : vector<1x128xf32> to vector<1000x128xf32>
    %add3A_60 = arith.addf %dot_general3A_55, %add3A_59 : vector<1000x128xf32>
    %get3A_61 = arith.constant 0 : index
    %get3A_62 = arith.constant 0 : index
    %get3A_63 = vector.load %arg12[%get3A_61, %get3A_62] : memref<128x128xf32, #tpu.memory_space<vmem>>, vector<128x128xf32>
    %dot_general3A_64 = arith.constant dense<0.000000e+00> : vector<1000x128xf32>
    %dot_general3A_65 = tpu.matmul %add3A, %get3A_63, %dot_general3A_64 {dimension_numbers = #tpu.dot_dimension_numbers<[1], [0], [0], [1], [0, 0, 1, 1], [], []>, transpose_lhs_hint = false} : vector<1000x128xf32>, vector<128x128xf32>, vector<1000x128xf32> -> vector<1000x128xf32>
    %get3A_66 = arith.constant 0 : index
    %get3A_67 = arith.constant 0 : index
    %get3A_68 = vector.load %arg13[%get3A_66, %get3A_67] : memref<1x128xf32, #tpu.memory_space<vmem>>, vector<1x128xf32>
    %add3A_69 = vector.broadcast %get3A_68 : vector<1x128xf32> to vector<1000x128xf32>
    %add3A_70 = arith.addf %dot_general3A_65, %add3A_69 : vector<1000x128xf32>
    %logistic3A_71 = arith.negf %add3A_70 : vector<1000x128xf32>
    %logistic3A_72 = math.exp %logistic3A_71 : vector<1000x128xf32>
    %logistic3A_73 = arith.constant 1.000000e+00 : f32
    %logistic3A_74 = vector.broadcast %logistic3A_73 : f32 to vector<1000x128xf32>
    %logistic3A_75 = arith.addf %logistic3A_74, %logistic3A_72 : vector<1000x128xf32>
    %logistic3A_76 = arith.divf %logistic3A_74, %logistic3A_75 : vector<1000x128xf32>
    %mul3A_77 = arith.mulf %add3A_70, %logistic3A_76 : vector<1000x128xf32>
    %get3A_78 = arith.constant 0 : index
    %get3A_79 = arith.constant 0 : index
    %get3A_80 = vector.load %arg14[%get3A_78, %get3A_79] : memref<128x1xf32, #tpu.memory_space<vmem>>, vector<128x1xf32>
    %dot_general3A_81 = arith.constant dense<0.000000e+00> : vector<1000x1xf32>
    %dot_general3A_82 = tpu.matmul %mul3A_77, %get3A_80, %dot_general3A_81 {dimension_numbers = #tpu.dot_dimension_numbers<[1], [0], [0], [1], [0, 0, 1, 1], [], []>, transpose_lhs_hint = false} : vector<1000x128xf32>, vector<128x1xf32>, vector<1000x1xf32> -> vector<1000x1xf32>
    %get3A_83 = arith.constant 0 : index
    %get3A_84 = arith.constant 0 : index
    %get3A_85 = vector.load %arg15[%get3A_83, %get3A_84] : memref<1x1xf32, #tpu.memory_space<vmem>>, vector<1x1xf32>
    %add3A_86 = vector.broadcast %get3A_85 : vector<1x1xf32> to vector<1000x1xf32>
    %add3A_87 = arith.addf %dot_general3A_82, %add3A_86 : vector<1000x1xf32>
    %tanh3A = math.tanh %add3A_87 : vector<1000x1xf32>
    %exp3A = math.exp %tanh3A : vector<1000x1xf32>
    %get3A_88 = arith.constant 0 : index
    %get3A_89 = arith.constant 0 : index
    %get3A_90 = vector.load %arg3[%get3A_88, %get3A_89] : memref<1000x128xf32, #tpu.memory_space<vmem>>, vector<1000x128xf32>
    %mul3A_91 = vector.broadcast %exp3A : vector<1000x1xf32> to vector<1000x128xf32>
    %mul3A_92 = arith.mulf %mul3A_91, %get3A_90 : vector<1000x128xf32>
    %mul3A_93 = arith.constant 0.00999999977 : f32
    %mul3A_94 = vector.broadcast %mul3A_93 : f32 to vector<1000x128xf32>
    %mul3A_95 = arith.mulf %mul3A_26, %mul3A_94 : vector<1000x128xf32>
    %add3A_96 = arith.addf %mul3A_92, %mul3A_95 : vector<1000x128xf32>
    %get3A_97 = arith.constant 0 : index
    %get3A_98 = arith.constant 0 : index
    %get3A_99 = vector.load %arg4[%get3A_97, %get3A_98] : memref<1000x128xf32, #tpu.memory_space<vmem>>, vector<1000x128xf32>
    %mul3A_100 = arith.constant 0.00999999977 : f32
    %mul3A_101 = vector.broadcast %mul3A_100 : f32 to vector<1000x128xf32>
    %mul3A_102 = arith.mulf %add3A_96, %mul3A_101 : vector<1000x128xf32>
    %add3A_103 = arith.addf %get3A_99, %mul3A_102 : vector<1000x128xf32>
    %get3A_104 = arith.constant 0 : index
    %get3A_105 = arith.constant 0 : index
    %get3A_106 = vector.load %arg2[%get3A_104, %get3A_105] : memref<1000x128xf32, #tpu.memory_space<vmem>>, vector<1000x128xf32>
    %add3A_107 = arith.addf %get3A_106, %add3A_60 : vector<1000x128xf32>
    %add3A_108 = arith.addf %get3A_29, %add3A_107 : vector<1000x128xf32>
    %swap3A = arith.constant 0 : index
    %swap3A_109 = arith.constant 0 : index
    %swap3A_110 = vector.load %arg18[%swap3A, %swap3A_109] : memref<1000x128xf32, #tpu.memory_space<vmem>>, vector<1000x128xf32>
    tpu.vector_store %arg18[%swap3A, %swap3A_109], %add3A_108 {strides = array<i32>} : memref<1000x128xf32, #tpu.memory_space<vmem>>, vector<1000x128xf32>,
    %swap3A_111 = arith.constant 0 : index
    %swap3A_112 = arith.constant 0 : index
    %swap3A_113 = vector.load %arg19[%swap3A_111, %swap3A_112] : memref<1000x128xf32, #tpu.memory_space<vmem>>, vector<1000x128xf32>
    tpu.vector_store %arg19[%swap3A_111, %swap3A_112], %add3A_107 {strides = array<i32>} : memref<1000x128xf32, #tpu.memory_space<vmem>>, vector<1000x128xf32>,
    %swap3A_114 = arith.constant 0 : index
    %swap3A_115 = arith.constant 0 : index
    %swap3A_116 = vector.load %arg20[%swap3A_114, %swap3A_115] : memref<1000x128xf32, #tpu.memory_space<vmem>>, vector<1000x128xf32>
    tpu.vector_store %arg20[%swap3A_114, %swap3A_115], %add3A_96 {strides = array<i32>} : memref<1000x128xf32, #tpu.memory_space<vmem>>, vector<1000x128xf32>,
    %swap3A_117 = arith.constant 0 : index
    %swap3A_118 = arith.constant 0 : index
    %swap3A_119 = vector.load %arg21[%swap3A_117, %swap3A_118] : memref<1000x128xf32, #tpu.memory_space<vmem>>, vector<1000x128xf32>
    tpu.vector_store %arg21[%swap3A_117, %swap3A_118], %add3A_103 {strides = array<i32>} : memref<1000x128xf32, #tpu.memory_space<vmem>>, vector<1000x128xf32>,
    %get3A_120 = arith.constant 0 : index
    %get3A_121 = arith.constant 0 : index
    %get3A_122 = vector.load %arg16[%get3A_120, %get3A_121] : memref<128x128xf32, #tpu.memory_space<vmem>>, vector<128x128xf32>
    %dot_general3A_123 = arith.constant dense<0.000000e+00> : vector<1000x128xf32>
    %dot_general3A_124 = tpu.matmul %add3A_108, %get3A_122, %dot_general3A_123 {dimension_numbers = #tpu.dot_dimension_numbers<[1], [0], [0], [1], [0, 0, 1, 1], [], []>, transpose_lhs_hint = false} : vector<1000x128xf32>, vector<128x128xf32>, vector<1000x128xf32> -> vector<1000x128xf32>
    %swap3A_125 = arith.constant 0 : index
    %swap3A_126 = arith.constant 0 : index
    %swap3A_127 = vector.load %arg22[%swap3A_125, %swap3A_126] : memref<1000x128xf32, #tpu.memory_space<vmem>>, vector<1000x128xf32>
    tpu.vector_store %arg22[%swap3A_125, %swap3A_126], %dot_general3A_124 {strides = array<i32>} : memref<1000x128xf32, #tpu.memory_space<vmem>>, vector<1000x128xf32>,
    %get3A_128 = arith.constant 0 : index
    %get3A_129 = arith.constant 0 : index
    %get3A_130 = vector.load %arg17[%get3A_128, %get3A_129] : memref<128x128xf32, #tpu.memory_space<vmem>>, vector<128x128xf32>
    %dot_general3A_131 = arith.constant dense<0.000000e+00> : vector<1000x128xf32>
    %dot_general3A_132 = tpu.matmul %add3A_108, %get3A_130, %dot_general3A_131 {dimension_numbers = #tpu.dot_dimension_numbers<[1], [0], [0], [1], [0, 0, 1, 1], [], []>, transpose_lhs_hint = false} : vector<1000x128xf32>, vector<128x128xf32>, vector<1000x128xf32> -> vector<1000x128xf32>
    %swap3A_133 = arith.constant 0 : index
    %swap3A_134 = arith.constant 0 : index
    %swap3A_135 = vector.load %arg23[%swap3A_133, %swap3A_134] : memref<1000x128xf32, #tpu.memory_space<vmem>>, vector<1000x128xf32>
    tpu.vector_store %arg23[%swap3A_133, %swap3A_134], %dot_general3A_132 {strides = array<i32>} : memref<1000x128xf32, #tpu.memory_space<vmem>>, vector<1000x128xf32>,
    %eq3A = arith.constant 0 : i32
    %eq3A_136 = arith.cmpi eq, %arg0, %eq3A : i32
    %convert_element_type3A = arith.extui %eq3A_136 : i1 to i32
    %cond3A = arith.constant 0 : i32
    %cond3A_137 = arith.cmpi ne, %convert_element_type3A, %cond3A : i32
    scf.if %cond3A_137 {
      %broadcast_in_dim3A_149 = arith.constant 0.000000e+00 : f32
      %broadcast_in_dim3A_150 = vector.broadcast %broadcast_in_dim3A_149 : f32 to vector<1x1xf32>
      %swap3A_151 = arith.constant 0 : index
      %swap3A_152 = arith.constant 0 : index
      %swap3A_153 = vector.load %arg24[%swap3A_151, %swap3A_152] : memref<1x1xf32, #tpu.memory_space<vmem>>, vector<1x1xf32>
      tpu.vector_store %arg24[%swap3A_151, %swap3A_152], %broadcast_in_dim3A_150 {strides = array<i32>} : memref<1x1xf32, #tpu.memory_space<vmem>>, vector<1x1xf32>,
    } else {
    }
    %get3A_138 = arith.constant 0 : index
    %get3A_139 = arith.constant 0 : index
    %get3A_140 = vector.load %arg24[%get3A_138, %get3A_139] : memref<1x1xf32, #tpu.memory_space<vmem>>, vector<1x1xf32>
    %reduce_sum3A = vector.shape_cast %tanh3A : vector<1000x1xf32> to vector<1x1000x1xf32>
    %reduce_sum3A_141 = arith.constant dense<0.000000e+00> : vector<1xf32>
    %reduce_sum3A_142 = vector.multi_reduction <add>, %reduce_sum3A, %reduce_sum3A_141 [1, 2] : vector<1x1000x1xf32> to vector<1xf32>
    %reduce_sum3A_143 = vector.shape_cast %reduce_sum3A_142 : vector<1xf32> to vector<1x1x1xf32>
    %reduce_sum3A_144 = vector.extract %reduce_sum3A_143[0, 0, 0] : f32 from vector<1x1x1xf32>
    %reshape3A = vector.broadcast %reduce_sum3A_144 : f32 to vector<1x1xf32>
    %add3A_145 = arith.addf %get3A_140, %reshape3A : vector<1x1xf32>
    %swap3A_146 = arith.constant 0 : index
    %swap3A_147 = arith.constant 0 : index
    %swap3A_148 = vector.load %arg24[%swap3A_146, %swap3A_147] : memref<1x1xf32, #tpu.memory_space<vmem>>, vector<1x1xf32>
    tpu.vector_store %arg24[%swap3A_146, %swap3A_147], %add3A_145 {strides = array<i32>} : memref<1x1xf32, #tpu.memory_space<vmem>>, vector<1x1xf32>,
    return
  }
  func.func @transform_0(%arg0: i32) -> (i32, i32) {
    %c0_i32 = arith.constant 0 : i32
    %c0_i32_0 = arith.constant 0 : i32
    return %arg0, %c0_i32 : i32, i32
  }
  func.func @transform_1(%arg0: i32) -> (i32, i32) {
    %c0_i32 = arith.constant 0 : i32
    %c0_i32_0 = arith.constant 0 : i32
    return %arg0, %c0_i32 : i32, i32
  }
  func.func @transform_2(%arg0: i32) -> (i32, i32) {
    %c0_i32 = arith.constant 0 : i32
    %c0_i32_0 = arith.constant 0 : i32
    return %arg0, %c0_i32 : i32, i32
  }
  func.func @transform_3(%arg0: i32) -> (i32, i32) {
    %c0_i32 = arith.constant 0 : i32
    %c0_i32_0 = arith.constant 0 : i32
    return %arg0, %c0_i32 : i32, i32
  }
  func.func @transform_4(%arg0: i32) -> (i32, i32, i32) {
    %c0_i32 = arith.constant 0 : i32
    %c0_i32_0 = arith.constant 0 : i32
    %c0_i32_1 = arith.constant 0 : i32
    return %c0_i32, %arg0, %c0_i32_0 : i32, i32, i32
  }
  func.func @transform_5(%arg0: i32) -> (i32, i32, i32) {
    %c0_i32 = arith.constant 0 : i32
    %c0_i32_0 = arith.constant 0 : i32
    %c0_i32_1 = arith.constant 0 : i32
    return %c0_i32, %arg0, %c0_i32_0 : i32, i32, i32
  }
  func.func @transform_6(%arg0: i32) -> (i32, i32) {
    %c0_i32 = arith.constant 0 : i32
    %c0_i32_0 = arith.constant 0 : i32
    %c0_i32_1 = arith.constant 0 : i32
    return %c0_i32, %c0_i32_0 : i32, i32
  }
  func.func @transform_7(%arg0: i32) -> (i32, i32) {
    %c0_i32 = arith.constant 0 : i32
    %c0_i32_0 = arith.constant 0 : i32
    %c0_i32_1 = arith.constant 0 : i32
    return %c0_i32, %c0_i32_0 : i32, i32
  }
  func.func @transform_8(%arg0: i32) -> (i32, i32) {
    %c0_i32 = arith.constant 0 : i32
    %c0_i32_0 = arith.constant 0 : i32
    %c0_i32_1 = arith.constant 0 : i32
    return %c0_i32, %c0_i32_0 : i32, i32
  }
  func.func @transform_9(%arg0: i32) -> (i32, i32) {
    %c0_i32 = arith.constant 0 : i32
    %c0_i32_0 = arith.constant 0 : i32
    %c0_i32_1 = arith.constant 0 : i32
    return %c0_i32, %c0_i32_0 : i32, i32
  }
  func.func @transform_10(%arg0: i32) -> (i32, i32) {
    %c0_i32 = arith.constant 0 : i32
    %c0_i32_0 = arith.constant 0 : i32
    %c0_i32_1 = arith.constant 0 : i32
    return %c0_i32, %c0_i32_0 : i32, i32
  }
  func.func @transform_11(%arg0: i32) -> (i32, i32) {
    %c0_i32 = arith.constant 0 : i32
    %c0_i32_0 = arith.constant 0 : i32
    %c0_i32_1 = arith.constant 0 : i32
    return %c0_i32, %c0_i32_0 : i32, i32
  }
  func.func @transform_12(%arg0: i32) -> (i32, i32) {
    %c0_i32 = arith.constant 0 : i32
    %c0_i32_0 = arith.constant 0 : i32
    %c0_i32_1 = arith.constant 0 : i32
    return %c0_i32, %c0_i32_0 : i32, i32
  }
  func.func @transform_13(%arg0: i32) -> (i32, i32) {
    %c0_i32 = arith.constant 0 : i32
    %c0_i32_0 = arith.constant 0 : i32
    %c0_i32_1 = arith.constant 0 : i32
    return %c0_i32, %c0_i32_0 : i32, i32
  }
  func.func @transform_14(%arg0: i32) -> (i32, i32) {
    %c0_i32 = arith.constant 0 : i32
    %c0_i32_0 = arith.constant 0 : i32
    %c0_i32_1 = arith.constant 0 : i32
    return %c0_i32, %c0_i32_0 : i32, i32
  }
  func.func @transform_15(%arg0: i32) -> (i32, i32) {
    %c0_i32 = arith.constant 0 : i32
    %c0_i32_0 = arith.constant 0 : i32
    %c0_i32_1 = arith.constant 0 : i32
    return %c0_i32, %c0_i32_0 : i32, i32
  }
  func.func @transform_16(%arg0: i32) -> (i32, i32) {
    %c0_i32 = arith.constant 0 : i32
    %c0_i32_0 = arith.constant 0 : i32
    %c0_i32_1 = arith.constant 0 : i32
    return %c0_i32, %c0_i32_0 : i32, i32
  }
  func.func @transform_17(%arg0: i32) -> (i32, i32) {
    %c0_i32 = arith.constant 0 : i32
    %c0_i32_0 = arith.constant 0 : i32
    return %arg0, %c0_i32 : i32, i32
  }
  func.func @transform_18(%arg0: i32) -> (i32, i32) {
    %c0_i32 = arith.constant 0 : i32
    %c0_i32_0 = arith.constant 0 : i32
    return %arg0, %c0_i32 : i32, i32
  }
  func.func @transform_19(%arg0: i32) -> (i32, i32) {
    %c0_i32 = arith.constant 0 : i32
    %c0_i32_0 = arith.constant 0 : i32
    return %arg0, %c0_i32 : i32, i32
  }
  func.func @transform_20(%arg0: i32) -> (i32, i32) {
    %c0_i32 = arith.constant 0 : i32
    %c0_i32_0 = arith.constant 0 : i32
    return %arg0, %c0_i32 : i32, i32
  }
  func.func @transform_21(%arg0: i32) -> (i32, i32) {
    %c0_i32 = arith.constant 0 : i32
    %c0_i32_0 = arith.constant 0 : i32
    return %arg0, %c0_i32 : i32, i32
  }
  func.func @transform_22(%arg0: i32) -> (i32, i32) {
    %c0_i32 = arith.constant 0 : i32
    %c0_i32_0 = arith.constant 0 : i32
    return %arg0, %c0_i32 : i32, i32
  }
  func.func @transform_23(%arg0: i32) -> (i32, i32) {
    %c0_i32 = arith.constant 0 : i32
    %c0_i32_0 = arith.constant 0 : i32
    %c0_i32_1 = arith.constant 0 : i32
    return %c0_i32, %c0_i32_0 : i32, i32
  }
}

</mosaic_0001>

<sc_bundles>
// kernel: kernel.13.cloned.1.call-start
scs
__scs_entry_jumppad:
0x0: {  	(pc) =	sbr.rel $0x88, $3  }
0x1: {  	(tag) =	ssettag $0x0;
	lr =	simm.s32 $0x1  }
0x2: {  	[smem:$0x3F8D] =	sst lr;
	_ =	strace $0xD0000000  }
0x3: {  	_ = 	snop  }
0x4: {  	_ = 	snop  }
0x5: {  	_ = 	snop  }
0x6: {  	_ = 	snop  }
0x7: {  	_ = 	snop  }
__scs_overlays_trampoline_lowered:
0x8: {  	[smem:$0x3F9C] =	sst s0  }
0x9: {  	[smem:$0x3F9D] =	sst s1  }
0xa: {  	[smem:$0x3F9E] =	sst s2  }
0xb: {  	[smem:$0x3F9F] =	sst s3  }
0xc: {  	[smem:$0x3FA0] =	sst s4  }
0xd: {  	[smem:$0x3FA1] =	sst s5  }
0xe: {  	[smem:$0x3FA2] =	sst s6  }
0xf: {  	[smem:$0x3FA3] =	sst s7  }
0x10: {  	[smem:$0x3FA4] =	sst s8  }
0x11: {  	[smem:$0x3FA5] =	sst s9;
	s0 =	simm.s32 @!p0 $0x0  }
0x12: {  	s1 =	sld [smem:$0x3F8B];
	s0 =	simm.s32 @p0 $0x1  }
0x13: {  	[smem:$0x3FA6] =	sst s0;
	s0 =	simm.s32 @!p1 $0x0  }
0x14: {  	s2 =	sld [smem:$0x3F8A];
	s0 =	simm.s32 @p1 $0x1  }
0x15: {  	[smem:$0x3FA7] =	sst s0;
	s0 =	simm.s32 @!p2 $0x0  }
0x16: {  	s3 =	sld [smem:$0x3FDB];
	s0 =	simm.s32 @p2 $0x1  }
0x17: {  	s4 =	simm.s32 $0x1BF5;
	[smem:$0x3FA9] =	sst s0  }
0x18: {  	s0 =	sld [smem:$0x3F8C];
	_ =	swait.ge [sflag:s4], $0x0  }
0x19: {  	s7 =	sld [smem:$0x3F8D]  }
0x1a: {  	s8 =	sadd.s32 $0xFFFFE003, lr  }
0x1b: {  	s9 =	sadd.s32 $0xFFFFFEF7, lr;
	s5 =	simm.s32 $0xFFFFFFFF;
	p2 =	slt.u32 s8, $0xFFFFF086  }
0x1c: {  	p1 =	slt.u32 s9, $0xF7A;
	s5 =	simm.s32 @!p2 $0x0  }
0x1d: {  	s5 =	simm.s32 @p1 $0x1;
	p0 =	seq.s32 s7, s2  }
0x1e: {  	s7 =	smul.u32 @!p0 $0xF7A, s2;
	p2 =	seq.s32 @!p0 s5, $0x0  }
0x1f: {  	s9 =	smul.u32 $0xF7A, s1;
	s8 =	simm.s32 @!p0 $0x1BF5;
	p2 =	por !p2, p0  }
0x20: {  	[sflag:s8] =	ssyncset.s32 @!p0 $0xFFFFF086;
	s6 =	sadd.s32 @!p0 s3, s7;
	s7 =	simm.s32 @!p0 $0x108  }
0x21: {  	s3 =	sadd.s32 s3, s9;
	s6 =	sadd.s32 @!p0 $0x88, s6;
	s7 =	simm.s32 @p2 $0x1082  }
0x22: {  	[simem:s7], [sflag:s8] =	dma.local @!p0 [hbm:s6], $0xF7A  }
0x23: {  	s9 =	sor.u32 $0xD0000000, s2;
	s6 =	simm.s32 $0x108;
	_ =	swait.ge @!p0 [sflag:s8], $0x0  }
0x24: {  	s3 =	sadd.s32 $0x88, s3;
	s6 =	simm.s32 @!p1 $0x1082;
	[sflag:s4] =	ssyncset.s32 $0xFFFFF086  }
0x25: {  	[simem:s6], [sflag:s4] =	dma.local [hbm:s3], $0xF7A  }
0x26: {  	[smem:$0x3F8D] =	sst s1;
	(tag) =	ssettag s2;
	_ =	strace s9  }
0x27: {  	s1 =	sld [smem:$0x3F9D]  }
0x28: {  	s2 =	sld [smem:$0x3F9E]  }
0x29: {  	s4 =	sld [smem:$0x3FA0]  }
0x2a: {  	p0 =	seq.s32 s5, $0x0;
	s5 =	sld [smem:$0x3FA1]  }
0x2b: {  	s6 =	sld [smem:$0x3FA2]  }
0x2c: {  	s7 =	sld [smem:$0x3FA3]  }
0x2d: {  	s3 =	simm.s32 $0x108;
	s8 =	sld [smem:$0x3FA4]  }
0x2e: {  	s3 =	simm.s32 @!p0 $0x1082;
	s9 =	sld [smem:$0x3FA5]  }
0x2f: {  	lr =	sadd.s32 s0, s3;
	s0 =	sld [smem:$0x3F9C]  }
0x30: {  	s3 =	sld [smem:$0x3F9F]  }
0x31: {  	[smem:$0x3FA8] =	sst s10  }
0x32: {  	s10 =	sld [smem:$0x3FA6];
	_ =	sdelay $0x3  }
0x33: {  	p0 =	seq.s32 s10, $0x1;
	s10 =	sld [smem:$0x3FA8];
	_ =	sdelay $0x3  }
0x34: {  	[smem:$0x3FA8] =	sst s10  }
0x35: {  	s10 =	sld [smem:$0x3FA7];
	_ =	sdelay $0x3  }
0x36: {  	p1 =	seq.s32 s10, $0x1;
	s10 =	sld [smem:$0x3FA8];
	_ =	sdelay $0x3  }
0x37: {  	[smem:$0x3FA8] =	sst s10  }
0x38: {  	s10 =	sld [smem:$0x3FA9]  }
0x39: {  	_ = 	snop;
	(pc) =	sbr.ind lr, $3  }
0x3a: {  	_ = 	snop  }
0x3b: {  	_ = 	snop  }
0x3c: {  	p2 =	seq.s32 s10, $0x1;
	s10 =	sld [smem:$0x3FA8]  }
0x3d: {  	_ =	shalt  }
0x3e: {  	_ =	shalt  }
0x3f: {  	_ =	shalt  }
0x40: {  	_ =	shalt  }
0x41: {  	_ =	shalt  }
0x42: {  	_ =	shalt  }
0x43: {  	_ =	shalt  }
0x44: {  	_ =	shalt  }
0x45: {  	_ =	shalt  }
0x46: {  	_ =	shalt  }
0x47: {  	_ =	shalt  }
0x48: {  	_ =	shalt  }
0x49: {  	_ =	shalt  }
0x4a: {  	_ =	shalt  }
0x4b: {  	_ =	shalt  }
0x4c: {  	_ =	shalt  }
0x4d: {  	_ =	shalt  }
0x4e: {  	_ =	shalt  }
0x4f: {  	_ =	shalt  }
0x50: {  	_ =	shalt  }
0x51: {  	_ =	shalt  }
0x52: {  	_ =	shalt  }
0x53: {  	_ =	shalt  }
0x54: {  	_ =	shalt  }
0x55: {  	_ =	shalt  }
0x56: {  	_ =	shalt  }
0x57: {  	_ =	shalt  }
0x58: {  	_ =	shalt  }
0x59: {  	_ =	shalt  }
0x5a: {  	_ =	shalt  }
0x5b: {  	_ =	shalt  }
0x5c: {  	_ =	shalt  }
0x5d: {  	_ =	shalt  }
0x5e: {  	_ =	shalt  }
0x5f: {  	_ =	shalt  }
0x60: {  	_ =	shalt  }
0x61: {  	_ =	shalt  }
0x62: {  	_ =	shalt  }
0x63: {  	_ =	shalt  }
0x64: {  	_ =	shalt  }
0x65: {  	_ =	shalt  }
0x66: {  	_ =	shalt  }
0x67: {  	_ =	shalt  }
0x68: {  	_ =	shalt  }
0x69: {  	_ =	shalt  }
0x6a: {  	_ =	shalt  }
0x6b: {  	_ =	shalt  }
0x6c: {  	_ =	shalt  }
0x6d: {  	_ =	shalt  }
0x6e: {  	_ =	shalt  }
0x6f: {  	_ =	shalt  }
0x70: {  	_ =	shalt  }
0x71: {  	_ =	shalt  }
0x72: {  	_ =	shalt  }
0x73: {  	_ =	shalt  }
0x74: {  	_ =	shalt  }
0x75: {  	_ =	shalt  }
0x76: {  	_ =	shalt  }
0x77: {  	_ =	shalt  }
0x78: {  	_ =	shalt  }
0x79: {  	_ =	shalt  }
0x7a: {  	_ =	shalt  }
0x7b: {  	_ =	shalt  }
0x7c: {  	_ =	shalt  }
0x7d: {  	_ =	shalt  }
0x7e: {  	_ =	shalt  }
0x7f: {  	_ =	shalt  }
0x80: {  	_ =	shalt  }
0x81: {  	_ =	shalt  }
0x82: {  	_ =	shalt  }
0x83: {  	_ =	shalt  }
0x84: {  	_ =	shalt  }
0x85: {  	_ =	shalt  }
0x86: {  	_ =	shalt  }
0x87: {  	_ =	shalt  }
.Lfunc_end0:
.L_simem_size_0:
called_computation_lowered:
.L_overlay_start_0:
0x88: {  	s2 =	sld [smem:$0x3FD9]  }
0x89: {  	s3 =	sld [smem:$0x3FFE];
	_ =	sdelay $0x1  }
0x8a: {  	s1 =	srdreg.scid  }
0x8b: {  	s0 =	sand.u32 $0x1, s1  }
0x8c: {  	s14 =	sshll.u32 s0, $0xA;
	s2 =	sadd.s32 s3, s2  }
0x8d: {  	s2 =	sadd.s32 s2, s14  }
0x8e: {  	[smem:$0x3FB4] =	sst s2  }
0x8f: {  	_ = 	snop  }
0x90: {  	s2 =	sld [smem:$0x3FD0];
	_ =	sdelay $0x2  }
0x91: {  	s15 =	simm.s32 $0xB;
	s4 =	simm.s32 $0x10  }
0x92: {  	[smem:s4], [sflag:s15] =	dma.local [hbm:s2], $0x1  }
0x93: {  	_ =	swait.eq [sflag:s15], $0x1  }
0x94: {  	[sflag:s15] =	ssyncset.done $0x0  }
0x95: {  	[sflag:s15] =	ssyncadd.s32 $0xFFFFFFFF  }
0x96: {  	s16 =	sld [smem:$0x10];
	(tm) =	ssettm $0x1  }
0x97: {  	s17 =	sld [smem:$0x3FFB];
	_ =	sdelay $0x3  }
0x98: {  	_ =	strace s17  }
0x99: {  	s3 =	sld [smem:$0x3FFC];
	_ =	sdelay $0x3  }
0x9a: {  	_ =	strace s3  }
0x9b: {  	s3 =	sld [smem:$0x3FFD];
	_ =	sdelay $0x3  }
0x9c: {  	_ =	strace s3  }
0x9d: {  	_ =	strace $0x8FFFFFFF  }
0x9e: {  	s18 =	sld [smem:$0x3FDB];
	_ =	sdelay $0x1  }
0x9f: {  	s19 =	simm.s32 $_scs_section_size  }
0xa0: {  	s5 =	simm.s32 $_size__tile_overlayer_lowered;
	s6 =	simm.s32 $_tile_overlayer_lowered  }
0xa1: {  	s22 =	simm.s32 $0x1BFF;
	s21 =	sshll.u32 s6, $0x1;
	s3 =	sadd.s32 s19, s18  }
0xa2: {  	s7 =	simm.s32 $0x0;
	s20 =	sshll.u32 s5, $0x1;
	s5 =	sadd.s32 s21, s3  }
0xa3: {  	[timem:s7], [sflag:s22] =	dma.local [hbm:s5], s20  }
0xa4: {  	_ =	swait.ge [sflag:s22], s20  }
0xa5: {  	s4 =	ssub.s32 $0x0, s20;
	[sflag:s22] =	ssyncset.done $0x0  }
0xa6: {  	[sflag:s22] =	ssyncadd.s32 s4;
	_ =	sdelay $0x1  }
0xa7: {  	s23 =	simm.s32 $0x1B8B  }
0xa8: {  	_ =	swait.ge [sflag:s23], $0x1  }
0xa9: {  	[sflag:s23] =	ssyncset.done $0x0  }
0xaa: {  	s25 =	simm.s32 $0x1B8E;
	s24 =	sld [smem:$0x3FFE];
	[sflag:s23] =	ssyncadd.s32 $0xFFFFFFFF  }
0xab: {  	s26 =	simm.s32 $execute0_lowered;
	[smem:$0x3FD2] =	sst s25  }
0xac: {  	s5 =	sshll.u32 s26, $0x1;
	_ =	strace $0x80000046;
	[dreg:$0x1] =	wrdreg $0xFFFFFFFF  }
0xad: {  	s28 =	simm.s32 $_size_execute0_lowered;
	s3 =	sadd.s32 s3, s5;
	[dreg:$0x0] =	wrdreg $0x0  }
0xae: {  	s5 =	sshll.u32 s28, $0x1;
	[dreg:$0x2] =	wrdreg s3  }
0xaf: {  	[dreg:$0x3] =	wrdreg s5  }
0xb0: {  	[dreg:$0x4] =	wrdreg $0xC0  }
0xb1: {  	_ =	task [dreg:s7], $0x5FFFF  }
0xb2: {  	[dreg:$0x1] =	wrdreg $0xFFFFFFFF  }
0xb3: {  	[dreg:$0x0] =	wrdreg $0x60  }
0xb4: {  	[dreg:$0x2] =	wrdreg s24  }
0xb5: {  	[dreg:$0x3] =	wrdreg s16  }
0xb6: {  	[dreg:$0x4] =	wrdreg $0x9  }
0xb7: {  	_ =	task.clear_ibuf [dreg:s7], $0x5FFFF;
	_ =	strace $0x90000046  }
0xb8: {  	s29 =	simm.s32 $0x9;
	_ =	strace $0x80000048  }
0xb9: {  	_ =	swait.ge [sflag:s29], $0x1  }
0xba: {  	[sflag:s29] =	ssyncadd.s32 $0xFFFFFFFF  }
0xbb: {  	_ =	strace $0x90000048  }
0xbc: {  	_ =	sfence  }
0xbd: {  	s30 =	sld [smem:$0x0];
	_ =	sdelay $0x2  }
0xbe: {  	s31 =	sshll.u32 s1, $0xD;
	s1 =	sshrl.u32 s1, $0x2  }
0xbf: {  	s3 =	sand.u32 $0x4000, s31;
	s1 =	sadd.s32 s1, s30  }
0xc0: {  	s0 =	sor.u32 s3, s0;
	s1 =	sshll.u32 s1, $0x11  }
0xc1: {  	s0 =	sor.u32 s1, s0  }
0xc2: {  	s0 =	sadd.s32 $0x8F2B, s0  }
0xc3: {  	[sflag:s0] =	ssyncadd.remote.s32 $0x1  }
0xc4: {  	_ =	sfence.sel $0xFFFF  }
0xc5: {  	[dreg:$0x0] =	wrdreg $0xFFFFFFFF;
	(pc) =	sbr.abs _section_cstart, $3  }
0xc6: {  	[dreg:$0x1] =	wrdreg $0xFFFFFFFF  }
0xc7: {  	_ =	task.clear_ibuf [dreg:s7], $0x2FFFF;
	_ =	strace $0x9FFFFFFF  }
0xc8: {  	(tm) =	ssettm $0x7FFFFFFF  }
0xc9: {  	_ =	shalt  }
tec
execute0_lowered:
.L_overlay_start_1:
0x0: {  	(tag) =	ssettag $0x1  }
0x1: {  	s6 =	rddreg [dreg:$0x0]  }
0x2: {  	s1 =	rddreg [dreg:$0x1]  }
0x3: {  	s0 =	rddreg [dreg:$0x2];
	s2 =	simm.s32 $0x0  }
0x4: {  	s7 =	srdreg.scid;
	s3 =	stileid.u32;
	s13 =	simm.s32 $0x2  }
0x5: {  	s14 =	simm.s32 $0x50;
	s15 =	simm.s32 $0x8000;
	s16 =	simm.s32 $0xA800  }
0x6: {  	s17 =	simm.s32 $0xD000;
	s18 =	simm.s32 $0xF800;
	s19 =	simm.s32 $0x1  }
0x7: {  	[smem:$0x7FF] =	sst s2;
	s4 =	sadd.s32 $0x29200, s6;
	s5 =	sadd.s32 $0x50400, s6  }
0x8: {  	s7 =	sand.u32 $0x1, s7;
	s8 =	sshll.u32 s3, $0xC;
	s9 =	smul.u32 $0x4E200, s3  }
0x9: {  	_ =	strace $0x80000047;
	s10 =	sshll.u32 s7, $0xB;
	s11 =	ssub.s32 $0x2, s7  }
0xa: {  	s7 =	smul.u32 $0x27100, s7;
	s8 =	sor.u32 s10, s8;
	s31 =	sshrl.u32 s11, $0x1  }
0xb: {  	s9 =	sadd.s32 s9, s6;
	s8 =	sadd.s32 s8, s6;
	s10 =	ssub.s32 s11, s31  }
0xc: {  	s12 =	sadd.s32 s7, s9;
	s6 =	sadd.s32 $0x9200, s8;
	s7 =	sadd.s32 $0x19200, s8  }
0xd: {  	s8 =	sadd.s32 $0x77600, s12;
	s9 =	smax.u32 s10, $0x1;
	s10 =	sadd.s32 $0x559600, s12  }
0xe: {  	s20 =	simm.s32 $0x0;
	s11 =	sadd.s32 $0xA3B600, s12;
	s12 =	sadd.s32 $0xF1D600, s12  }
.LBB2_1:
0xf: {  	[tilespmem:s2], [sflag:$0x2] =	stream.linear.gather [hbm4b:s6+s2], $0x3E80, $0x38;
	[tilespmem:$0x12000] =	vst v63  }
0x10: {  	_ =	swait.ge [sflag:s13], $0x3E80  }
0x11: {  	[sflag:s13] =	ssyncset.done $0x0  }
0x12: {  	s21 =	simm.s32 $0x4000;
	[sflag:s13] =	ssyncadd.s32 $0xFFFFC180  }
0x13: {  	[tilespmem:s21], [sflag:$0x2] =	stream.linear.gather [hbm4b:s7+s2], $0x3E80, $0x38;
	[tilespmem:$0x12000] =	vst v63  }
0x14: {  	_ =	swait.ge [sflag:s13], $0x3E80  }
0x15: {  	[sflag:s13] =	ssyncset.done $0x0  }
0x16: {  	[sflag:s13] =	ssyncadd.s32 $0xFFFFC180  }
0x17: {  	[tilespmem:s15], [sflag:$0x1] =	stream.indirect.gather [hbm4b:s4+s14], $0x80, s2, s14, $0xb8;
	[tilespmem:$0x12000] =	vst v63  }
0x18: {  	_ = 	snop  }
0x19: {  	[tilespmem:s16], [sflag:$0x1] =	stream.indirect.gather [hbm4b:s5+s14], $0x80, s21, s14, $0xb8;
	[tilespmem:$0x12000] =	vst v63  }
0x1a: {  	_ = 	snop  }
0x1b: {  	[tilespmem:s17], [sflag:$0x1] =	stream.indirect.gather [hbm4b:s1+s14], $0x80, s2, s14, $0xb8;
	[tilespmem:$0x12000] =	vst v63  }
0x1c: {  	_ = 	snop  }
0x1d: {  	[tilespmem:s18], [sflag:$0x1] =	stream.indirect.gather [hbm4b:s1+s14], $0x80, s21, s14, $0xb8;
	[tilespmem:$0x12000] =	vst v63  }
0x1e: {  	_ =	swait.ge [sflag:s19], $0x2800  }
0x1f: {  	[sflag:s19] =	ssyncset.done $0x0  }
0x20: {  	[sflag:s19] =	ssyncadd.s32 $0xFFFFD800  }
0x21: {  	_ =	swait.ge [sflag:s19], $0x2800  }
0x22: {  	[sflag:s19] =	ssyncset.done $0x0  }
0x23: {  	[sflag:s19] =	ssyncadd.s32 $0xFFFFD800  }
0x24: {  	_ =	swait.ge [sflag:s19], $0x2800  }
0x25: {  	[sflag:s19] =	ssyncset.done $0x0  }
0x26: {  	[sflag:s19] =	ssyncadd.s32 $0xFFFFD800  }
0x27: {  	_ =	swait.ge [sflag:s19], $0x2800  }
0x28: {  	[sflag:s19] =	ssyncset.done $0x0  }
0x29: {  	s22 =	sadd.s32 $0x0, s8;
	[sflag:s19] =	ssyncadd.s32 $0xFFFFD800  }
0x2a: {  	[hbm4b:s22+s2] =	stream.linear.scatter [tilespmem:s15], [sflag:$0x2], $0x2800, $0x38;
	[tilespmem:$0x12000] =	vst v63  }
0x2b: {  	_ =	swait.ge [sflag:s13], $0x2800  }
0x2c: {  	[sflag:s13] =	ssyncset.done $0x0  }
0x2d: {  	s29 =	sadd.s32 $0x0, s10;
	[sflag:s13] =	ssyncadd.s32 $0xFFFFD800  }
0x2e: {  	[hbm4b:s29+s2] =	stream.linear.scatter [tilespmem:s16], [sflag:$0x2], $0x2800, $0x38;
	[tilespmem:$0x12000] =	vst v63  }
0x2f: {  	_ =	swait.ge [sflag:s13], $0x2800  }
0x30: {  	[sflag:s13] =	ssyncset.done $0x0  }
0x31: {  	s30 =	sadd.s32 $0x0, s11;
	[sflag:s13] =	ssyncadd.s32 $0xFFFFD800  }
0x32: {  	[hbm4b:s30+s2] =	stream.linear.scatter [tilespmem:s17], [sflag:$0x2], $0x2800, $0x38;
	[tilespmem:$0x12000] =	vst v63  }
0x33: {  	_ =	swait.ge [sflag:s13], $0x2800  }
0x34: {  	[sflag:s13] =	ssyncset.done $0x0  }
0x35: {  	s31 =	sadd.s32 $0x0, s12;
	[sflag:s13] =	ssyncadd.s32 $0xFFFFD800  }
0x36: {  	[hbm4b:s31+s2] =	stream.linear.scatter [tilespmem:s18], [sflag:$0x2], $0x2800, $0x38;
	[tilespmem:$0x12000] =	vst v63  }
0x37: {  	_ =	swait.ge [sflag:s13], $0x2800  }
0x38: {  	s23 =	simm.s32 $0x0;
	s22 =	simm.s32 $0x500;
	[sflag:s13] =	ssyncset.done $0x0  }
.LBB2_2:
0x39: {  	[sflag:s13] =	ssyncadd.s32 $0xFFFFD800;
	s23 =	sadd.s32 $0x80, s23;
	s21 =	sadd.s32 $0x80, s21  }
0x3a: {  	[tilespmem:s15], [sflag:$0x1] =	stream.indirect.gather [hbm4b:s4+s14], $0x80, s23, s14, $0xb8;
	[tilespmem:$0x12000] =	vst v63  }
0x3b: {  	p0 =	sne.s32 s22, $0x26C00;
	s24 =	smov.u32 s22;
	s22 =	sadd.s32 $0x500, s22  }
0x3c: {  	[tilespmem:s16], [sflag:$0x1] =	stream.indirect.gather [hbm4b:s5+s14], $0x80, s21, s14, $0xb8;
	[tilespmem:$0x12000] =	vst v63  }
0x3d: {  	_ = 	snop  }
0x3e: {  	[tilespmem:s17], [sflag:$0x1] =	stream.indirect.gather [hbm4b:s1+s14], $0x80, s23, s14, $0xb8;
	[tilespmem:$0x12000] =	vst v63  }
0x3f: {  	_ = 	snop  }
0x40: {  	[tilespmem:s18], [sflag:$0x1] =	stream.indirect.gather [hbm4b:s1+s14], $0x80, s21, s14, $0xb8;
	[tilespmem:$0x12000] =	vst v63  }
0x41: {  	_ =	swait.ge [sflag:s19], $0x2800  }
0x42: {  	[sflag:s19] =	ssyncset.done $0x0  }
0x43: {  	[sflag:s19] =	ssyncadd.s32 $0xFFFFD800  }
0x44: {  	_ =	swait.ge [sflag:s19], $0x2800  }
0x45: {  	[sflag:s19] =	ssyncset.done $0x0  }
0x46: {  	[sflag:s19] =	ssyncadd.s32 $0xFFFFD800  }
0x47: {  	_ =	swait.ge [sflag:s19], $0x2800  }
0x48: {  	[sflag:s19] =	ssyncset.done $0x0  }
0x49: {  	[sflag:s19] =	ssyncadd.s32 $0xFFFFD800  }
0x4a: {  	_ =	swait.ge [sflag:s19], $0x2800  }
0x4b: {  	[sflag:s19] =	ssyncset.done $0x0  }
0x4c: {  	s25 =	sadd.s32 s24, s8;
	[sflag:s19] =	ssyncadd.s32 $0xFFFFD800  }
0x4d: {  	[hbm4b:s25+s2] =	stream.linear.scatter [tilespmem:s15], [sflag:$0x2], $0x2800, $0x38;
	[tilespmem:$0x12000] =	vst v63  }
0x4e: {  	_ =	swait.ge [sflag:s13], $0x2800  }
0x4f: {  	[sflag:s13] =	ssyncset.done $0x0  }
0x50: {  	s25 =	sadd.s32 s24, s10;
	[sflag:s13] =	ssyncadd.s32 $0xFFFFD800  }
0x51: {  	[hbm4b:s25+s2] =	stream.linear.scatter [tilespmem:s16], [sflag:$0x2], $0x2800, $0x38;
	[tilespmem:$0x12000] =	vst v63  }
0x52: {  	_ =	swait.ge [sflag:s13], $0x2800  }
0x53: {  	[sflag:s13] =	ssyncset.done $0x0  }
0x54: {  	s25 =	sadd.s32 s24, s11;
	[sflag:s13] =	ssyncadd.s32 $0xFFFFD800  }
0x55: {  	[hbm4b:s25+s2] =	stream.linear.scatter [tilespmem:s17], [sflag:$0x2], $0x2800, $0x38;
	[tilespmem:$0x12000] =	vst v63  }
0x56: {  	_ =	swait.ge [sflag:s13], $0x2800  }
.Ltmp0:
0x57: {  	[sflag:s13] =	ssyncset.done $0x0;
	(pc) =	sbr.rel @p0 .LBB2_2-.Ltmp0, $4  }
0x58: {  	s24 =	sadd.s32 s24, s12;
	[sflag:s13] =	ssyncadd.s32 $0xFFFFD800  }
0x59: {  	[hbm4b:s24+s2] =	stream.linear.scatter [tilespmem:s18], [sflag:$0x2], $0x2800, $0x38;
	[tilespmem:$0x12000] =	vst v63  }
0x5a: {  	_ =	swait.ge [sflag:s13], $0x2800  }
0x5b: {  	[sflag:s13] =	ssyncset.done $0x0  }
0x5c: {  	s20 =	sadd.s32 $0x1, s20  }
0x5d: {  	p0 =	sne.s32 s20, s9  }
.Ltmp1:
0x5e: {  	_ = 	snop;
	(pc) =	sbr.rel @p0 .LBB2_1-.Ltmp1, $2  }
0x5f: {  	_ =	sdelay $0x2  }
0x60: {  	[sflag:s13] =	ssyncadd.s32 $0xFFFFD800  }
0x61: {  	_ =	sfence.sel $0x180000  }
0x62: {  	[bflag:$0x0] =	sbarrier.arrive $0xFFFF  }
0x63: {  	p0 =	sne.s32 s3, $0x0;
	_ =	strace $0x90000047  }
0x64: {  	s0 =	sadd.s32 @!p0 $0x100000, s0;
	[bflag:$0x2] =	sbarrier.arrive $0xFFFF  }
0x65: {  	[sflag:s0] =	ssyncadd.tile.s32 @!p0 $0x1;
	_ =	shalt  }
.Lfunc_end2:
_tile_overlayer_lowered:
.L_overlay_start_2:
0x66: {  	(tag) =	ssettag $0x2  }
0x67: {  	s0 =	rddreg [dreg:$0x0];
	s2 =	stileid.u32  }
0x68: {  	s1 =	rddreg [dreg:$0x1];
	p0 =	sne.s32 s2, $0x0  }
0x69: {  	s3 =	rddreg [dreg:$0x2];
	[bflag:$0x3] =	sbarrier.arrive $0xFFFF;
	s2 =	simm.s32 @!p0 $0x1C02  }
0x6a: {  	[timem:s3], [sflag:s2] =	dma.local @!p0 [hbm:s0], s1  }
0x6b: {  	s0 =	simm.s32 @!p0 $0x2  }
0x6c: {  	_ =	swait.ge @!p0 [sflag:s0], s1  }
0x6d: {  	s1 =	ssub.s32 @!p0 $0x0, s1;
	[sflag:s0] =	ssyncset.done @!p0 $0x0  }
0x6e: {  	[sflag:s0] =	ssyncadd.s32 @!p0 s1  }
0x6f: {  	[bflag:$0x3] =	sbarrier.arrive $0xFFFF  }
0x70: {  	_ =	shalt  }

// kernel: kernel.16.cloned.1.call-start
scs
__scs_entry_jumppad:
0x0: {  	(pc) =	sbr.rel $0x88, $3  }
0x1: {  	(tag) =	ssettag $0x0;
	lr =	simm.s32 $0x1  }
0x2: {  	[smem:$0x3F8D] =	sst lr;
	_ =	strace $0xD0000000  }
0x3: {  	_ = 	snop  }
0x4: {  	_ = 	snop  }
0x5: {  	_ = 	snop  }
0x6: {  	_ = 	snop  }
0x7: {  	_ = 	snop  }
__scs_overlays_trampoline_lowered:
0x8: {  	[smem:$0x3F9C] =	sst s0  }
0x9: {  	[smem:$0x3F9D] =	sst s1  }
0xa: {  	[smem:$0x3F9E] =	sst s2  }
0xb: {  	[smem:$0x3F9F] =	sst s3  }
0xc: {  	[smem:$0x3FA0] =	sst s4  }
0xd: {  	[smem:$0x3FA1] =	sst s5  }
0xe: {  	[smem:$0x3FA2] =	sst s6  }
0xf: {  	[smem:$0x3FA3] =	sst s7  }
0x10: {  	[smem:$0x3FA4] =	sst s8  }
0x11: {  	[smem:$0x3FA5] =	sst s9;
	s0 =	simm.s32 @!p0 $0x0  }
0x12: {  	s1 =	sld [smem:$0x3F8B];
	s0 =	simm.s32 @p0 $0x1  }
0x13: {  	[smem:$0x3FA6] =	sst s0;
	s0 =	simm.s32 @!p1 $0x0  }
0x14: {  	s2 =	sld [smem:$0x3F8A];
	s0 =	simm.s32 @p1 $0x1  }
0x15: {  	[smem:$0x3FA7] =	sst s0;
	s0 =	simm.s32 @!p2 $0x0  }
0x16: {  	s3 =	sld [smem:$0x3FDB];
	s0 =	simm.s32 @p2 $0x1  }
0x17: {  	s4 =	simm.s32 $0x1BF5;
	[smem:$0x3FA9] =	sst s0  }
0x18: {  	s0 =	sld [smem:$0x3F8C];
	_ =	swait.ge [sflag:s4], $0x0  }
0x19: {  	s7 =	sld [smem:$0x3F8D]  }
0x1a: {  	s8 =	sadd.s32 $0xFFFFE003, lr  }
0x1b: {  	s9 =	sadd.s32 $0xFFFFFEF7, lr;
	s5 =	simm.s32 $0xFFFFFFFF;
	p2 =	slt.u32 s8, $0xFFFFF086  }
0x1c: {  	p1 =	slt.u32 s9, $0xF7A;
	s5 =	simm.s32 @!p2 $0x0  }
0x1d: {  	s5 =	simm.s32 @p1 $0x1;
	p0 =	seq.s32 s7, s2  }
0x1e: {  	s7 =	smul.u32 @!p0 $0xF7A, s2;
	p2 =	seq.s32 @!p0 s5, $0x0  }
0x1f: {  	s9 =	smul.u32 $0xF7A, s1;
	s8 =	simm.s32 @!p0 $0x1BF5;
	p2 =	por !p2, p0  }
0x20: {  	[sflag:s8] =	ssyncset.s32 @!p0 $0xFFFFF086;
	s6 =	sadd.s32 @!p0 s3, s7;
	s7 =	simm.s32 @!p0 $0x108  }
0x21: {  	s3 =	sadd.s32 s3, s9;
	s6 =	sadd.s32 @!p0 $0x88, s6;
	s7 =	simm.s32 @p2 $0x1082  }
0x22: {  	[simem:s7], [sflag:s8] =	dma.local @!p0 [hbm:s6], $0xF7A  }
0x23: {  	s9 =	sor.u32 $0xD0000000, s2;
	s6 =	simm.s32 $0x108;
	_ =	swait.ge @!p0 [sflag:s8], $0x0  }
0x24: {  	s3 =	sadd.s32 $0x88, s3;
	s6 =	simm.s32 @!p1 $0x1082;
	[sflag:s4] =	ssyncset.s32 $0xFFFFF086  }
0x25: {  	[simem:s6], [sflag:s4] =	dma.local [hbm:s3], $0xF7A  }
0x26: {  	[smem:$0x3F8D] =	sst s1;
	(tag) =	ssettag s2;
	_ =	strace s9  }
0x27: {  	s1 =	sld [smem:$0x3F9D]  }
0x28: {  	s2 =	sld [smem:$0x3F9E]  }
0x29: {  	s4 =	sld [smem:$0x3FA0]  }
0x2a: {  	p0 =	seq.s32 s5, $0x0;
	s5 =	sld [smem:$0x3FA1]  }
0x2b: {  	s6 =	sld [smem:$0x3FA2]  }
0x2c: {  	s7 =	sld [smem:$0x3FA3]  }
0x2d: {  	s3 =	simm.s32 $0x108;
	s8 =	sld [smem:$0x3FA4]  }
0x2e: {  	s3 =	simm.s32 @!p0 $0x1082;
	s9 =	sld [smem:$0x3FA5]  }
0x2f: {  	lr =	sadd.s32 s0, s3;
	s0 =	sld [smem:$0x3F9C]  }
0x30: {  	s3 =	sld [smem:$0x3F9F]  }
0x31: {  	[smem:$0x3FA8] =	sst s10  }
0x32: {  	s10 =	sld [smem:$0x3FA6];
	_ =	sdelay $0x3  }
0x33: {  	p0 =	seq.s32 s10, $0x1;
	s10 =	sld [smem:$0x3FA8];
	_ =	sdelay $0x3  }
0x34: {  	[smem:$0x3FA8] =	sst s10  }
0x35: {  	s10 =	sld [smem:$0x3FA7];
	_ =	sdelay $0x3  }
0x36: {  	p1 =	seq.s32 s10, $0x1;
	s10 =	sld [smem:$0x3FA8];
	_ =	sdelay $0x3  }
0x37: {  	[smem:$0x3FA8] =	sst s10  }
0x38: {  	s10 =	sld [smem:$0x3FA9]  }
0x39: {  	_ = 	snop;
	(pc) =	sbr.ind lr, $3  }
0x3a: {  	_ = 	snop  }
0x3b: {  	_ = 	snop  }
0x3c: {  	p2 =	seq.s32 s10, $0x1;
	s10 =	sld [smem:$0x3FA8]  }
0x3d: {  	_ =	shalt  }
0x3e: {  	_ =	shalt  }
0x3f: {  	_ =	shalt  }
0x40: {  	_ =	shalt  }
0x41: {  	_ =	shalt  }
0x42: {  	_ =	shalt  }
0x43: {  	_ =	shalt  }
0x44: {  	_ =	shalt  }
0x45: {  	_ =	shalt  }
0x46: {  	_ =	shalt  }
0x47: {  	_ =	shalt  }
0x48: {  	_ =	shalt  }
0x49: {  	_ =	shalt  }
0x4a: {  	_ =	shalt  }
0x4b: {  	_ =	shalt  }
0x4c: {  	_ =	shalt  }
0x4d: {  	_ =	shalt  }
0x4e: {  	_ =	shalt  }
0x4f: {  	_ =	shalt  }
0x50: {  	_ =	shalt  }
0x51: {  	_ =	shalt  }
0x52: {  	_ =	shalt  }
0x53: {  	_ =	shalt  }
0x54: {  	_ =	shalt  }
0x55: {  	_ =	shalt  }
0x56: {  	_ =	shalt  }
0x57: {  	_ =	shalt  }
0x58: {  	_ =	shalt  }
0x59: {  	_ =	shalt  }
0x5a: {  	_ =	shalt  }
0x5b: {  	_ =	shalt  }
0x5c: {  	_ =	shalt  }
0x5d: {  	_ =	shalt  }
0x5e: {  	_ =	shalt  }
0x5f: {  	_ =	shalt  }
0x60: {  	_ =	shalt  }
0x61: {  	_ =	shalt  }
0x62: {  	_ =	shalt  }
0x63: {  	_ =	shalt  }
0x64: {  	_ =	shalt  }
0x65: {  	_ =	shalt  }
0x66: {  	_ =	shalt  }
0x67: {  	_ =	shalt  }
0x68: {  	_ =	shalt  }
0x69: {  	_ =	shalt  }
0x6a: {  	_ =	shalt  }
0x6b: {  	_ =	shalt  }
0x6c: {  	_ =	shalt  }
0x6d: {  	_ =	shalt  }
0x6e: {  	_ =	shalt  }
0x6f: {  	_ =	shalt  }
0x70: {  	_ =	shalt  }
0x71: {  	_ =	shalt  }
0x72: {  	_ =	shalt  }
0x73: {  	_ =	shalt  }
0x74: {  	_ =	shalt  }
0x75: {  	_ =	shalt  }
0x76: {  	_ =	shalt  }
0x77: {  	_ =	shalt  }
0x78: {  	_ =	shalt  }
0x79: {  	_ =	shalt  }
0x7a: {  	_ =	shalt  }
0x7b: {  	_ =	shalt  }
0x7c: {  	_ =	shalt  }
0x7d: {  	_ =	shalt  }
0x7e: {  	_ =	shalt  }
0x7f: {  	_ =	shalt  }
0x80: {  	_ =	shalt  }
0x81: {  	_ =	shalt  }
0x82: {  	_ =	shalt  }
0x83: {  	_ =	shalt  }
0x84: {  	_ =	shalt  }
0x85: {  	_ =	shalt  }
0x86: {  	_ =	shalt  }
0x87: {  	_ =	shalt  }
.Lfunc_end0:
.L_simem_size_0:
called_computation.1_lowered:
.L_overlay_start_0:
0x88: {  	s2 =	sld [smem:$0x3FD9]  }
0x89: {  	s3 =	sld [smem:$0x3FFE];
	_ =	sdelay $0x1  }
0x8a: {  	s1 =	srdreg.scid  }
0x8b: {  	s0 =	sand.u32 $0x1, s1  }
0x8c: {  	s17 =	sshll.u32 s0, $0xA;
	s2 =	sadd.s32 s3, s2  }
0x8d: {  	s2 =	sadd.s32 s2, s17  }
0x8e: {  	[smem:$0x3FB4] =	sst s2  }
0x8f: {  	_ = 	snop  }
0x90: {  	(tm) =	ssettm $0x1  }
0x91: {  	s18 =	sld [smem:$0x3FFB];
	_ =	sdelay $0x3  }
0x92: {  	_ =	strace s18  }
0x93: {  	s2 =	sld [smem:$0x3FFC];
	_ =	sdelay $0x3  }
0x94: {  	_ =	strace s2  }
0x95: {  	s2 =	sld [smem:$0x3FFD];
	_ =	sdelay $0x3  }
0x96: {  	_ =	strace s2  }
0x97: {  	_ =	strace $0x8FFFFFFF  }
0x98: {  	s19 =	sld [smem:$0x3FDB];
	_ =	sdelay $0x1  }
0x99: {  	s20 =	simm.s32 $_scs_section_size  }
0x9a: {  	s4 =	simm.s32 $_size__tile_overlayer_lowered;
	s5 =	simm.s32 $_tile_overlayer_lowered  }
0x9b: {  	s6 =	simm.s32 $0x1BFF;
	s21 =	sshll.u32 s5, $0x1;
	s3 =	sadd.s32 s20, s19  }
0x9c: {  	s22 =	simm.s32 $0x0;
	s4 =	sshll.u32 s4, $0x1;
	s5 =	sadd.s32 s21, s3  }
0x9d: {  	[timem:s22], [sflag:s6] =	dma.local [hbm:s5], s4  }
0x9e: {  	_ =	swait.ge [sflag:s6], s4  }
0x9f: {  	s4 =	ssub.s32 $0x0, s4;
	[sflag:s6] =	ssyncset.done $0x0  }
0xa0: {  	[sflag:s6] =	ssyncadd.s32 s4;
	_ =	sdelay $0x1  }
0xa1: {  	s23 =	simm.s32 $0x1B8B  }
0xa2: {  	_ =	swait.ge [sflag:s23], $0x1  }
0xa3: {  	[sflag:s23] =	ssyncset.done $0x0  }
0xa4: {  	[sflag:s23] =	ssyncadd.s32 $0xFFFFFFFF  }
0xa5: {  	s4 =	sld [smem:$0x0]  }
0xa6: {  	s5 =	sand.u32 $0xFFFFFFFE, s1  }
0xa7: {  	p0 =	sne.s32 s1, s5  }
0xa8: {  	s5 =	sshll.u32 @p0 s5, $0xE  }
0xa9: {  	s5 =	sadd.s32 @p0 $0x11B8D, s5;
	s6 =	sshll.u32 @p0 s4, $0x11  }
0xaa: {  	s5 =	sor.u32 @p0 s6, s5  }
0xab: {  	[sflag:s5] =	ssyncadd.remote.s32 @p0 $0x1;
	_ =	sdelay $0x1  }
0xac: {  	s5 =	simm.s32 @p0 $0x1B8D  }
0xad: {  	_ =	swait.eq @p0 [sflag:s5], $0x1  }
0xae: {  	[sflag:s5] =	ssyncadd.s32 @p0 $0xFFFFFFFF  }
0xaf: {  	s6 =	sshll.u32 @!p0 s1, $0xE  }
0xb0: {  	s6 =	sor.u32 @!p0 $0x4000, s6;
	s5 =	simm.s32 @!p0 $0x1B8D  }
0xb1: {  	s4 =	sshll.u32 @!p0 s4, $0x11;
	s6 =	sadd.s32 @!p0 $0x11B8D, s6;
	_ =	swait.eq @!p0 [sflag:s5], $0x1  }
0xb2: {  	s4 =	sor.u32 @!p0 s4, s6;
	[sflag:s5] =	ssyncadd.s32 @!p0 $0xFFFFFFFF  }
0xb3: {  	s25 =	simm.s32 $0x1B8E;
	s24 =	sld [smem:$0x3FFE];
	[sflag:s4] =	ssyncadd.remote.s32 @!p0 $0x1  }
0xb4: {  	s26 =	simm.s32 $execute0_lowered;
	[smem:$0x3FD2] =	sst s25  }
0xb5: {  	s5 =	sshll.u32 s26, $0x1;
	_ =	strace $0x8000004C;
	[dreg:$0x1] =	wrdreg $0xFFFFFFFF  }
0xb6: {  	s28 =	simm.s32 $_size_execute0_lowered;
	s3 =	sadd.s32 s3, s5;
	[dreg:$0x0] =	wrdreg $0x0  }
0xb7: {  	s5 =	sshll.u32 s28, $0x1;
	[dreg:$0x2] =	wrdreg s3  }
0xb8: {  	[dreg:$0x3] =	wrdreg s5  }
0xb9: {  	[dreg:$0x4] =	wrdreg $0xC0  }
0xba: {  	_ =	task [dreg:s22], $0x5FFFF  }
0xbb: {  	[dreg:$0x1] =	wrdreg $0xFFFFFFFF  }
0xbc: {  	[dreg:$0x0] =	wrdreg $0x60  }
0xbd: {  	[dreg:$0x2] =	wrdreg s24  }
0xbe: {  	[dreg:$0x3] =	wrdreg $0x68000  }
0xbf: {  	[dreg:$0x4] =	wrdreg $0x9  }
0xc0: {  	_ =	task.clear_ibuf [dreg:s22], $0x5FFFF;
	_ =	strace $0x9000004C  }
0xc1: {  	s29 =	simm.s32 $0x9;
	_ =	strace $0x8000004E  }
0xc2: {  	_ =	swait.ge [sflag:s29], $0x1  }
0xc3: {  	[sflag:s29] =	ssyncadd.s32 $0xFFFFFFFF  }
0xc4: {  	_ =	strace $0x9000004E  }
0xc5: {  	_ =	sfence  }
0xc6: {  	s30 =	sld [smem:$0x0];
	_ =	sdelay $0x2  }
0xc7: {  	s31 =	sshll.u32 s1, $0xD;
	s1 =	sshrl.u32 s1, $0x2  }
0xc8: {  	s4 =	sand.u32 $0x4000, s31;
	s1 =	sadd.s32 s1, s30  }
0xc9: {  	s0 =	sor.u32 s4, s0;
	s1 =	sshll.u32 s1, $0x11  }
0xca: {  	s0 =	sor.u32 s1, s0  }
0xcb: {  	s0 =	sadd.s32 $0x8F2B, s0  }
0xcc: {  	[sflag:s0] =	ssyncadd.remote.s32 $0x1  }
0xcd: {  	_ =	sfence.sel $0xFFFF  }
0xce: {  	[dreg:$0x0] =	wrdreg $0xFFFFFFFF;
	(pc) =	sbr.abs _section_cstart, $3  }
0xcf: {  	[dreg:$0x1] =	wrdreg $0xFFFFFFFF  }
0xd0: {  	_ =	task.clear_ibuf [dreg:s22], $0x2FFFF;
	_ =	strace $0x9FFFFFFF  }
0xd1: {  	(tm) =	ssettm $0x7FFFFFFF  }
tec
execute0_lowered:
.L_overlay_start_1:
0x0: {  	(tag) =	ssettag $0x1  }
0x1: {  	s4 =	rddreg [dreg:$0x0]  }
0x2: {  	s1 =	rddreg [dreg:$0x1]  }
0x3: {  	s0 =	rddreg [dreg:$0x2]  }
0x4: {  	s2 =	simm.s32 $0x0;
	s14 =	stileid.u32;
	s3 =	srdreg.scid  }
0x5: {  	[smem:$0x7FF] =	sst s2;
	s5 =	smul.u32 $0x4E200, s14;
	s6 =	sand.u32 $0x1, s3  }
0x6: {  	s25 =	sshll.u32 s14, $0xC;
	s10 =	smul.u32 $0x13800, s14;
	s11 =	sadd.s32 $0x9E600, s4  }
0x7: {  	s12 =	smul.u32 $0x4E000, s14;
	s16 =	sadd.s32 $0x124800, s1;
	p1 =	seq.s32 s14, $0xF  }
0x8: {  	p0 =	sne.s32 s14, $0x0;
	_ =	strace $0x8000004D;
	s26 =	smul.u32 $0x138800, s6  }
0x9: {  	s7 =	sshll.u32 s6, $0xB;
	s9 =	ssub.s32 $0x2, s6;
	s13 =	smul.u32 $0x27100, s6  }
0xa: {  	s14 =	sshll.u32 @!p1 s14, $0x6;
	s8 =	sadd.s32 s5, s4;
	s3 =	sor.u32 s7, s25  }
0xb: {  	s28 =	sshrl.u32 s9, $0x1;
	s30 =	sshrl.u32 s12, $0x2;
	s12 =	simm.s32 $0x50  }
0xc: {  	s14 =	sor.u32 @!p1 $0x1C01, s14;
	s7 =	sadd.s32 s3, s4;
	s3 =	sadd.s32 $0x29200, s4  }
0xd: {  	s9 =	ssub.s32 s9, s28;
	s10 =	sadd.s32 s10, s26;
	s5 =	sshrl.u32 s26, $0x3  }
0xe: {  	s15 =	sadd.s32 s30, s1;
	s8 =	sadd.s32 s13, s8;
	s13 =	sshrl.u32 @p1 s16, $0x3  }
0xf: {  	s16 =	simm.s32 $0x0;
	s4 =	sadd.s32 $0x9200, s7;
	s29 =	sshrl.u32 s10, $0x3  }
0x10: {  	s31 =	sadd.s32 s11, s5;
	s7 =	smax.u32 s9, $0x1;
	s8 =	sadd.s32 $0x18E2E00, s8  }
0x11: {  	s9 =	simm.s32 $0x1;
	s10 =	sshrl.u32 @!p0 s1, $0x3;
	s15 =	sshrl.u32 @!p1 s15, $0x3  }
0x12: {  	s5 =	sadd.s32 s11, s29;
	s6 =	sadd.s32 $0x24900, s31;
	s11 =	simm.s32 $0x4000  }
.LBB2_1:
0x13: {  	[tilespmem:s2], [sflag:$0x1] =	stream.linear.gather [hbm4b:s4+s2], $0x3E80, $0x38;
	[tilespmem:$0x1A080] =	vst v63  }
0x14: {  	_ =	swait.ge [sflag:s9], $0x3E80  }
0x15: {  	[sflag:s9] =	ssyncset.done $0x0  }
0x16: {  	s17 =	simm.s32 @!p0 $0x1C01;
	[sflag:s9] =	ssyncadd.s32 $0xFFFFC180  }
0x17: {  	[spmem:s10], [sflag:s17] =	dma.local @!p0 [hbm:s3], $0x27100  }
0x18: {  	s17 =	simm.s32 @!p0 $0x1  }
0x19: {  	_ =	swait.ge @!p0 [sflag:s17], $0x27100  }
0x1a: {  	[sflag:s17] =	ssyncset.done @!p0 $0x0  }
0x1b: {  	[sflag:s17] =	ssyncadd.s32 @!p0 $0xFFFD8F00  }
0x1c: {  	[bflag:$0x0] =	sbarrier.arrive $0xFFFF  }
0x1d: {  	[tilespmem:s11], [sflag:$0x1] =	stream.linear.gather [hbm4b:s8+s2], $0x2800, $0x38;
	[tilespmem:$0x1A080] =	vst v63  }
0x1e: {  	_ =	swait.ge [sflag:s9], $0x2800  }
0x1f: {  	[sflag:s9] =	ssyncset.done $0x0  }
0x20: {  	s31 =	simm.s32 $0x0;
	[sflag:s9] =	ssyncadd.s32 $0xFFFFD800  }
0x21: {  	[spmem:s1] =	stream.indirect.scatter.add.f32 [tilespmem:s11], [sflag:$0x1], $0x80, s31, s12, $0xb8;
	[tilespmem:$0x1A080] =	vst v63  }
0x22: {  	_ =	swait.ge [sflag:s9], $0x2800  }
0x23: {  	s18 =	smov.u32 s8;
	s17 =	simm.s32 $0x200;
	[sflag:s9] =	ssyncset.done $0x0  }
.LBB2_2:
0x24: {  	p2 =	sne.s32 s17, $0xF800;
	[sflag:s9] =	ssyncadd.s32 $0xFFFFD800;
	s18 =	sadd.s32 $0x500, s18  }
0x25: {  	[tilespmem:s11], [sflag:$0x1] =	stream.linear.gather [hbm4b:s18+s2], $0x2800, $0x38;
	[tilespmem:$0x1A080] =	vst v63  }
0x26: {  	s19 =	smov.u32 s17;
	s17 =	sadd.s32 $0x200, s17;
	_ =	swait.ge [sflag:s9], $0x2800  }
.Ltmp0:
0x27: {  	[sflag:s9] =	ssyncset.done $0x0;
	(pc) =	sbr.rel @p2 .LBB2_2-.Ltmp0, $4  }
0x28: {  	s19 =	sshra.s32 s19, $0x2;
	[sflag:s9] =	ssyncadd.s32 $0xFFFFD800  }
0x29: {  	[spmem:s1] =	stream.indirect.scatter.add.f32 [tilespmem:s11], [sflag:$0x1], $0x80, s19, s12, $0xb8;
	[tilespmem:$0x1A080] =	vst v63  }
0x2a: {  	_ =	swait.ge [sflag:s9], $0x2800  }
0x2b: {  	[sflag:s9] =	ssyncset.done $0x0  }
0x2c: {  	[sflag:s9] =	ssyncadd.s32 $0xFFFFD800  }
0x2d: {  	s17 =	simm.s32 @p1 $0x1FC1;
	[bflag:$0x0] =	sbarrier.arrive $0xFFFF  }
0x2e: {  	[hbm:s6], [sflag:s17] =	dma.local @p1 [spmem:s13], $0x2800  }
0x2f: {  	s17 =	simm.s32 @p1 $0x1  }
0x30: {  	s16 =	sadd.s32 $0x1, s16;
	_ =	swait.ge @p1 [sflag:s17], $0x2800  }
0x31: {  	p2 =	sne.s32 s16, s7;
	[sflag:s17] =	ssyncset.done @p1 $0x0  }
.Ltmp1:
0x32: {  	[sflag:s17] =	ssyncadd.s32 @p1 $0xFFFFD800;
	s17 =	simm.s32 @!p1 $0x1;
	(pc) =	sbr.rel @p2 .LBB2_1-.Ltmp1, $4  }
0x33: {  	[hbm:s5], [sflag:s14] =	dma.local @!p1 [spmem:s15], $0x2700  }
0x34: {  	_ =	swait.ge @!p1 [sflag:s17], $0x2700  }
0x35: {  	[sflag:s17] =	ssyncset.done @!p1 $0x0  }
0x36: {  	[sflag:s17] =	ssyncadd.s32 @!p1 $0xFFFFD900  }
0x37: {  	_ =	sfence.sel $0x180000  }
0x38: {  	[bflag:$0x0] =	sbarrier.arrive $0xFFFF  }
0x39: {  	_ =	strace $0x9000004D  }
0x3a: {  	s0 =	sadd.s32 @!p0 $0x100000, s0;
	[bflag:$0x2] =	sbarrier.arrive $0xFFFF  }
0x3b: {  	[sflag:s0] =	ssyncadd.tile.s32 @!p0 $0x1;
	_ =	shalt  }
.Lfunc_end2:
_tile_overlayer_lowered:
.L_overlay_start_2:
0x3c: {  	(tag) =	ssettag $0x2  }
0x3d: {  	s0 =	rddreg [dreg:$0x0];
	s2 =	stileid.u32  }
0x3e: {  	s1 =	rddreg [dreg:$0x1];
	p0 =	sne.s32 s2, $0x0  }
0x3f: {  	s3 =	rddreg [dreg:$0x2];
	[bflag:$0x3] =	sbarrier.arrive $0xFFFF;
	s2 =	simm.s32 @!p0 $0x1C01  }
0x40: {  	[timem:s3], [sflag:s2] =	dma.local @!p0 [hbm:s0], s1  }
0x41: {  	s0 =	simm.s32 @!p0 $0x1  }
0x42: {  	_ =	swait.ge @!p0 [sflag:s0], s1  }
0x43: {  	s1 =	ssub.s32 @!p0 $0x0, s1;
	[sflag:s0] =	ssyncset.done @!p0 $0x0  }
0x44: {  	[sflag:s0] =	ssyncadd.s32 @!p0 s1  }
0x45: {  	[bflag:$0x3] =	sbarrier.arrive $0xFFFF  }
0x46: {  	_ =	shalt  }

// kernel: kernel.19.cloned.1.call-start
scs
__scs_entry_jumppad:
0x0: {  	(pc) =	sbr.rel $0x88, $3  }
0x1: {  	(tag) =	ssettag $0x0;
	lr =	simm.s32 $0x1  }
0x2: {  	[smem:$0x3F8D] =	sst lr;
	_ =	strace $0xD0000000  }
0x3: {  	_ = 	snop  }
0x4: {  	_ = 	snop  }
0x5: {  	_ = 	snop  }
0x6: {  	_ = 	snop  }
0x7: {  	_ = 	snop  }
__scs_overlays_trampoline_lowered:
0x8: {  	[smem:$0x3F9C] =	sst s0  }
0x9: {  	[smem:$0x3F9D] =	sst s1  }
0xa: {  	[smem:$0x3F9E] =	sst s2  }
0xb: {  	[smem:$0x3F9F] =	sst s3  }
0xc: {  	[smem:$0x3FA0] =	sst s4  }
0xd: {  	[smem:$0x3FA1] =	sst s5  }
0xe: {  	[smem:$0x3FA2] =	sst s6  }
0xf: {  	[smem:$0x3FA3] =	sst s7  }
0x10: {  	[smem:$0x3FA4] =	sst s8  }
0x11: {  	[smem:$0x3FA5] =	sst s9;
	s0 =	simm.s32 @!p0 $0x0  }
0x12: {  	s1 =	sld [smem:$0x3F8B];
	s0 =	simm.s32 @p0 $0x1  }
0x13: {  	[smem:$0x3FA6] =	sst s0;
	s0 =	simm.s32 @!p1 $0x0  }
0x14: {  	s2 =	sld [smem:$0x3F8A];
	s0 =	simm.s32 @p1 $0x1  }
0x15: {  	[smem:$0x3FA7] =	sst s0;
	s0 =	simm.s32 @!p2 $0x0  }
0x16: {  	s3 =	sld [smem:$0x3FDB];
	s0 =	simm.s32 @p2 $0x1  }
0x17: {  	s4 =	simm.s32 $0x1BF5;
	[smem:$0x3FA9] =	sst s0  }
0x18: {  	s0 =	sld [smem:$0x3F8C];
	_ =	swait.ge [sflag:s4], $0x0  }
0x19: {  	s7 =	sld [smem:$0x3F8D]  }
0x1a: {  	s8 =	sadd.s32 $0xFFFFE003, lr  }
0x1b: {  	s9 =	sadd.s32 $0xFFFFFEF7, lr;
	s5 =	simm.s32 $0xFFFFFFFF;
	p2 =	slt.u32 s8, $0xFFFFF086  }
0x1c: {  	p1 =	slt.u32 s9, $0xF7A;
	s5 =	simm.s32 @!p2 $0x0  }
0x1d: {  	s5 =	simm.s32 @p1 $0x1;
	p0 =	seq.s32 s7, s2  }
0x1e: {  	s7 =	smul.u32 @!p0 $0xF7A, s2;
	p2 =	seq.s32 @!p0 s5, $0x0  }
0x1f: {  	s9 =	smul.u32 $0xF7A, s1;
	s8 =	simm.s32 @!p0 $0x1BF5;
	p2 =	por !p2, p0  }
0x20: {  	[sflag:s8] =	ssyncset.s32 @!p0 $0xFFFFF086;
	s6 =	sadd.s32 @!p0 s3, s7;
	s7 =	simm.s32 @!p0 $0x108  }
0x21: {  	s3 =	sadd.s32 s3, s9;
	s6 =	sadd.s32 @!p0 $0x88, s6;
	s7 =	simm.s32 @p2 $0x1082  }
0x22: {  	[simem:s7], [sflag:s8] =	dma.local @!p0 [hbm:s6], $0xF7A  }
0x23: {  	s9 =	sor.u32 $0xD0000000, s2;
	s6 =	simm.s32 $0x108;
	_ =	swait.ge @!p0 [sflag:s8], $0x0  }
0x24: {  	s3 =	sadd.s32 $0x88, s3;
	s6 =	simm.s32 @!p1 $0x1082;
	[sflag:s4] =	ssyncset.s32 $0xFFFFF086  }
0x25: {  	[simem:s6], [sflag:s4] =	dma.local [hbm:s3], $0xF7A  }
0x26: {  	[smem:$0x3F8D] =	sst s1;
	(tag) =	ssettag s2;
	_ =	strace s9  }
0x27: {  	s1 =	sld [smem:$0x3F9D]  }
0x28: {  	s2 =	sld [smem:$0x3F9E]  }
0x29: {  	s4 =	sld [smem:$0x3FA0]  }
0x2a: {  	p0 =	seq.s32 s5, $0x0;
	s5 =	sld [smem:$0x3FA1]  }
0x2b: {  	s6 =	sld [smem:$0x3FA2]  }
0x2c: {  	s7 =	sld [smem:$0x3FA3]  }
0x2d: {  	s3 =	simm.s32 $0x108;
	s8 =	sld [smem:$0x3FA4]  }
0x2e: {  	s3 =	simm.s32 @!p0 $0x1082;
	s9 =	sld [smem:$0x3FA5]  }
0x2f: {  	lr =	sadd.s32 s0, s3;
	s0 =	sld [smem:$0x3F9C]  }
0x30: {  	s3 =	sld [smem:$0x3F9F]  }
0x31: {  	[smem:$0x3FA8] =	sst s10  }
0x32: {  	s10 =	sld [smem:$0x3FA6];
	_ =	sdelay $0x3  }
0x33: {  	p0 =	seq.s32 s10, $0x1;
	s10 =	sld [smem:$0x3FA8];
	_ =	sdelay $0x3  }
0x34: {  	[smem:$0x3FA8] =	sst s10  }
0x35: {  	s10 =	sld [smem:$0x3FA7];
	_ =	sdelay $0x3  }
0x36: {  	p1 =	seq.s32 s10, $0x1;
	s10 =	sld [smem:$0x3FA8];
	_ =	sdelay $0x3  }
0x37: {  	[smem:$0x3FA8] =	sst s10  }
0x38: {  	s10 =	sld [smem:$0x3FA9]  }
0x39: {  	_ = 	snop;
	(pc) =	sbr.ind lr, $3  }
0x3a: {  	_ = 	snop  }
0x3b: {  	_ = 	snop  }
0x3c: {  	p2 =	seq.s32 s10, $0x1;
	s10 =	sld [smem:$0x3FA8]  }
0x3d: {  	_ =	shalt  }
0x3e: {  	_ =	shalt  }
0x3f: {  	_ =	shalt  }
0x40: {  	_ =	shalt  }
0x41: {  	_ =	shalt  }
0x42: {  	_ =	shalt  }
0x43: {  	_ =	shalt  }
0x44: {  	_ =	shalt  }
0x45: {  	_ =	shalt  }
0x46: {  	_ =	shalt  }
0x47: {  	_ =	shalt  }
0x48: {  	_ =	shalt  }
0x49: {  	_ =	shalt  }
0x4a: {  	_ =	shalt  }
0x4b: {  	_ =	shalt  }
0x4c: {  	_ =	shalt  }
0x4d: {  	_ =	shalt  }
0x4e: {  	_ =	shalt  }
0x4f: {  	_ =	shalt  }
0x50: {  	_ =	shalt  }
0x51: {  	_ =	shalt  }
0x52: {  	_ =	shalt  }
0x53: {  	_ =	shalt  }
0x54: {  	_ =	shalt  }
0x55: {  	_ =	shalt  }
0x56: {  	_ =	shalt  }
0x57: {  	_ =	shalt  }
0x58: {  	_ =	shalt  }
0x59: {  	_ =	shalt  }
0x5a: {  	_ =	shalt  }
0x5b: {  	_ =	shalt  }
0x5c: {  	_ =	shalt  }
0x5d: {  	_ =	shalt  }
0x5e: {  	_ =	shalt  }
0x5f: {  	_ =	shalt  }
0x60: {  	_ =	shalt  }
0x61: {  	_ =	shalt  }
0x62: {  	_ =	shalt  }
0x63: {  	_ =	shalt  }
0x64: {  	_ =	shalt  }
0x65: {  	_ =	shalt  }
0x66: {  	_ =	shalt  }
0x67: {  	_ =	shalt  }
0x68: {  	_ =	shalt  }
0x69: {  	_ =	shalt  }
0x6a: {  	_ =	shalt  }
0x6b: {  	_ =	shalt  }
0x6c: {  	_ =	shalt  }
0x6d: {  	_ =	shalt  }
0x6e: {  	_ =	shalt  }
0x6f: {  	_ =	shalt  }
0x70: {  	_ =	shalt  }
0x71: {  	_ =	shalt  }
0x72: {  	_ =	shalt  }
0x73: {  	_ =	shalt  }
0x74: {  	_ =	shalt  }
0x75: {  	_ =	shalt  }
0x76: {  	_ =	shalt  }
0x77: {  	_ =	shalt  }
0x78: {  	_ =	shalt  }
0x79: {  	_ =	shalt  }
0x7a: {  	_ =	shalt  }
0x7b: {  	_ =	shalt  }
0x7c: {  	_ =	shalt  }
0x7d: {  	_ =	shalt  }
0x7e: {  	_ =	shalt  }
0x7f: {  	_ =	shalt  }
0x80: {  	_ =	shalt  }
0x81: {  	_ =	shalt  }
0x82: {  	_ =	shalt  }
0x83: {  	_ =	shalt  }
0x84: {  	_ =	shalt  }
0x85: {  	_ =	shalt  }
0x86: {  	_ =	shalt  }
0x87: {  	_ =	shalt  }
.Lfunc_end0:
.L_simem_size_0:
called_computation.2_lowered:
.L_overlay_start_0:
0x88: {  	s2 =	sld [smem:$0x3FD9]  }
0x89: {  	s3 =	sld [smem:$0x3FFE];
	_ =	sdelay $0x1  }
0x8a: {  	s1 =	srdreg.scid  }
0x8b: {  	s0 =	sand.u32 $0x1, s1  }
0x8c: {  	s16 =	sshll.u32 s0, $0xA;
	s2 =	sadd.s32 s3, s2  }
0x8d: {  	s2 =	sadd.s32 s2, s16  }
0x8e: {  	[smem:$0x3FB4] =	sst s2  }
0x8f: {  	_ = 	snop  }
0x90: {  	(tm) =	ssettm $0x1  }
0x91: {  	s17 =	sld [smem:$0x3FFB];
	_ =	sdelay $0x3  }
0x92: {  	_ =	strace s17  }
0x93: {  	s2 =	sld [smem:$0x3FFC];
	_ =	sdelay $0x3  }
0x94: {  	_ =	strace s2  }
0x95: {  	s2 =	sld [smem:$0x3FFD];
	_ =	sdelay $0x3  }
0x96: {  	_ =	strace s2  }
0x97: {  	_ =	strace $0x8FFFFFFF  }
0x98: {  	s18 =	sld [smem:$0x3FDB];
	_ =	sdelay $0x1  }
0x99: {  	s19 =	simm.s32 $_scs_section_size  }
0x9a: {  	s4 =	simm.s32 $_size__tile_overlayer_lowered;
	s5 =	simm.s32 $_tile_overlayer_lowered  }
0x9b: {  	s22 =	simm.s32 $0x1BFF;
	s21 =	sshll.u32 s5, $0x1;
	s2 =	sadd.s32 s19, s18  }
0x9c: {  	s6 =	simm.s32 $0x0;
	s20 =	sshll.u32 s4, $0x1;
	s4 =	sadd.s32 s21, s2  }
0x9d: {  	[timem:s6], [sflag:s22] =	dma.local [hbm:s4], s20  }
0x9e: {  	_ =	swait.ge [sflag:s22], s20  }
0x9f: {  	s3 =	ssub.s32 $0x0, s20;
	[sflag:s22] =	ssyncset.done $0x0  }
0xa0: {  	[sflag:s22] =	ssyncadd.s32 s3;
	_ =	sdelay $0x1  }
0xa1: {  	s23 =	simm.s32 $0x1B8B  }
0xa2: {  	_ =	swait.ge [sflag:s23], $0x1  }
0xa3: {  	[sflag:s23] =	ssyncset.done $0x0  }
0xa4: {  	s25 =	simm.s32 $0x1B8E;
	s24 =	sld [smem:$0x3FFE];
	[sflag:s23] =	ssyncadd.s32 $0xFFFFFFFF  }
0xa5: {  	s26 =	simm.s32 $execute0_lowered;
	[smem:$0x3FD2] =	sst s25  }
0xa6: {  	s4 =	sshll.u32 s26, $0x1;
	_ =	strace $0x80000049;
	[dreg:$0x1] =	wrdreg $0xFFFFFFFF  }
0xa7: {  	s28 =	simm.s32 $_size_execute0_lowered;
	s2 =	sadd.s32 s2, s4;
	[dreg:$0x0] =	wrdreg $0x0  }
0xa8: {  	s4 =	sshll.u32 s28, $0x1;
	[dreg:$0x2] =	wrdreg s2  }
0xa9: {  	[dreg:$0x3] =	wrdreg s4  }
0xaa: {  	[dreg:$0x4] =	wrdreg $0xC0  }
0xab: {  	_ =	task [dreg:s6], $0x5FFFF  }
0xac: {  	[dreg:$0x1] =	wrdreg $0xFFFFFFFF  }
0xad: {  	[dreg:$0x0] =	wrdreg $0x60  }
0xae: {  	[dreg:$0x2] =	wrdreg s24  }
0xaf: {  	[dreg:$0x3] =	wrdreg $0x68000  }
0xb0: {  	[dreg:$0x4] =	wrdreg $0xA  }
0xb1: {  	_ =	task.clear_ibuf [dreg:s6], $0x5FFFF;
	_ =	strace $0x90000049  }
0xb2: {  	s29 =	simm.s32 $0xA;
	_ =	strace $0x8000004B  }
0xb3: {  	_ =	swait.ge [sflag:s29], $0x1  }
0xb4: {  	[sflag:s29] =	ssyncadd.s32 $0xFFFFFFFF  }
0xb5: {  	_ =	strace $0x9000004B  }
0xb6: {  	_ =	sfence  }
0xb7: {  	s30 =	sld [smem:$0x0];
	_ =	sdelay $0x2  }
0xb8: {  	s31 =	sshll.u32 s1, $0xD;
	s1 =	sshrl.u32 s1, $0x2  }
0xb9: {  	s3 =	sand.u32 $0x4000, s31;
	s1 =	sadd.s32 s1, s30  }
0xba: {  	s0 =	sor.u32 s3, s0;
	s1 =	sshll.u32 s1, $0x11  }
0xbb: {  	s0 =	sor.u32 s1, s0  }
0xbc: {  	s0 =	sadd.s32 $0x8F2B, s0  }
0xbd: {  	[sflag:s0] =	ssyncadd.remote.s32 $0x1  }
0xbe: {  	_ =	sfence.sel $0xFFFF  }
0xbf: {  	[dreg:$0x0] =	wrdreg $0xFFFFFFFF;
	(pc) =	sbr.abs _section_cstart, $3  }
0xc0: {  	[dreg:$0x1] =	wrdreg $0xFFFFFFFF  }
0xc1: {  	_ =	task.clear_ibuf [dreg:s6], $0x2FFFF;
	_ =	strace $0x9FFFFFFF  }
0xc2: {  	(tm) =	ssettm $0x7FFFFFFF  }
0xc3: {  	_ =	shalt  }
tec
execute0_lowered:
.L_overlay_start_1:
0x0: {  	(tag) =	ssettag $0x1  }
0x1: {  	s4 =	rddreg [dreg:$0x0]  }
0x2: {  	s1 =	rddreg [dreg:$0x1]  }
0x3: {  	s0 =	rddreg [dreg:$0x2]  }
0x4: {  	s2 =	simm.s32 $0x0;
	s14 =	stileid.u32;
	s3 =	srdreg.scid  }
0x5: {  	[smem:$0x7FF] =	sst s2;
	s5 =	smul.u32 $0x4E200, s14;
	s6 =	sand.u32 $0x1, s3  }
0x6: {  	s25 =	sshll.u32 s14, $0xC;
	s10 =	smul.u32 $0x13800, s14;
	s11 =	sadd.s32 $0x50400, s4  }
0x7: {  	s12 =	smul.u32 $0x4E000, s14;
	s16 =	sadd.s32 $0x124800, s1;
	p1 =	seq.s32 s14, $0xF  }
0x8: {  	p0 =	sne.s32 s14, $0x0;
	_ =	strace $0x8000004A;
	s26 =	smul.u32 $0x138800, s6  }
0x9: {  	s7 =	sshll.u32 s6, $0xB;
	s9 =	ssub.s32 $0x2, s6;
	s13 =	smul.u32 $0x27100, s6  }
0xa: {  	s14 =	sshll.u32 @!p1 s14, $0x6;
	s8 =	sadd.s32 s5, s4;
	s3 =	sor.u32 s7, s25  }
0xb: {  	s28 =	sshrl.u32 s9, $0x1;
	s30 =	sshrl.u32 s12, $0x2;
	s12 =	simm.s32 $0x50  }
0xc: {  	s14 =	sor.u32 @!p1 $0x1C01, s14;
	s7 =	sadd.s32 s3, s4;
	s3 =	sadd.s32 $0x29200, s4  }
0xd: {  	s9 =	ssub.s32 s9, s28;
	s10 =	sadd.s32 s10, s26;
	s5 =	sshrl.u32 s26, $0x3  }
0xe: {  	s15 =	sadd.s32 s30, s1;
	s8 =	sadd.s32 s13, s8;
	s13 =	sshrl.u32 @p1 s16, $0x3  }
0xf: {  	s16 =	simm.s32 $0x0;
	s4 =	sadd.s32 $0x9200, s7;
	s29 =	sshrl.u32 s10, $0x3  }
0x10: {  	s31 =	sadd.s32 s11, s5;
	s7 =	smax.u32 s9, $0x1;
	s8 =	sadd.s32 $0x1400E00, s8  }
0x11: {  	s9 =	simm.s32 $0x1;
	s10 =	sshrl.u32 @!p0 s1, $0x3;
	s15 =	sshrl.u32 @!p1 s15, $0x3  }
0x12: {  	s5 =	sadd.s32 s11, s29;
	s6 =	sadd.s32 $0x24900, s31;
	s11 =	simm.s32 $0x4000  }
.LBB2_1:
0x13: {  	[tilespmem:s2], [sflag:$0x1] =	stream.linear.gather [hbm4b:s4+s2], $0x3E80, $0x38;
	[tilespmem:$0x1A080] =	vst v63  }
0x14: {  	_ =	swait.ge [sflag:s9], $0x3E80  }
0x15: {  	[sflag:s9] =	ssyncset.done $0x0  }
0x16: {  	s17 =	simm.s32 @!p0 $0x1C01;
	[sflag:s9] =	ssyncadd.s32 $0xFFFFC180  }
0x17: {  	[spmem:s10], [sflag:s17] =	dma.local @!p0 [hbm:s3], $0x27100  }
0x18: {  	s17 =	simm.s32 @!p0 $0x1  }
0x19: {  	_ =	swait.ge @!p0 [sflag:s17], $0x27100  }
0x1a: {  	[sflag:s17] =	ssyncset.done @!p0 $0x0  }
0x1b: {  	[sflag:s17] =	ssyncadd.s32 @!p0 $0xFFFD8F00  }
0x1c: {  	[bflag:$0x0] =	sbarrier.arrive $0xFFFF  }
0x1d: {  	[tilespmem:s11], [sflag:$0x1] =	stream.linear.gather [hbm4b:s8+s2], $0x2800, $0x38;
	[tilespmem:$0x1A080] =	vst v63  }
0x1e: {  	_ =	swait.ge [sflag:s9], $0x2800  }
0x1f: {  	[sflag:s9] =	ssyncset.done $0x0  }
0x20: {  	s31 =	simm.s32 $0x0;
	[sflag:s9] =	ssyncadd.s32 $0xFFFFD800  }
0x21: {  	[spmem:s1] =	stream.indirect.scatter.add.f32 [tilespmem:s11], [sflag:$0x1], $0x80, s31, s12, $0xb8;
	[tilespmem:$0x1A080] =	vst v63  }
0x22: {  	_ =	swait.ge [sflag:s9], $0x2800  }
0x23: {  	s18 =	smov.u32 s8;
	s17 =	simm.s32 $0x200;
	[sflag:s9] =	ssyncset.done $0x0  }
.LBB2_2:
0x24: {  	p2 =	sne.s32 s17, $0xF800;
	[sflag:s9] =	ssyncadd.s32 $0xFFFFD800;
	s18 =	sadd.s32 $0x500, s18  }
0x25: {  	[tilespmem:s11], [sflag:$0x1] =	stream.linear.gather [hbm4b:s18+s2], $0x2800, $0x38;
	[tilespmem:$0x1A080] =	vst v63  }
0x26: {  	s19 =	smov.u32 s17;
	s17 =	sadd.s32 $0x200, s17;
	_ =	swait.ge [sflag:s9], $0x2800  }
.Ltmp0:
0x27: {  	[sflag:s9] =	ssyncset.done $0x0;
	(pc) =	sbr.rel @p2 .LBB2_2-.Ltmp0, $4  }
0x28: {  	s19 =	sshra.s32 s19, $0x2;
	[sflag:s9] =	ssyncadd.s32 $0xFFFFD800  }
0x29: {  	[spmem:s1] =	stream.indirect.scatter.add.f32 [tilespmem:s11], [sflag:$0x1], $0x80, s19, s12, $0xb8;
	[tilespmem:$0x1A080] =	vst v63  }
0x2a: {  	_ =	swait.ge [sflag:s9], $0x2800  }
0x2b: {  	[sflag:s9] =	ssyncset.done $0x0  }
0x2c: {  	[sflag:s9] =	ssyncadd.s32 $0xFFFFD800  }
0x2d: {  	s17 =	simm.s32 @p1 $0x1FC1;
	[bflag:$0x0] =	sbarrier.arrive $0xFFFF  }
0x2e: {  	[hbm:s6], [sflag:s17] =	dma.local @p1 [spmem:s13], $0x2800  }
0x2f: {  	s17 =	simm.s32 @p1 $0x1  }
0x30: {  	s16 =	sadd.s32 $0x1, s16;
	_ =	swait.ge @p1 [sflag:s17], $0x2800  }
0x31: {  	p2 =	sne.s32 s16, s7;
	[sflag:s17] =	ssyncset.done @p1 $0x0  }
.Ltmp1:
0x32: {  	[sflag:s17] =	ssyncadd.s32 @p1 $0xFFFFD800;
	s17 =	simm.s32 @!p1 $0x1;
	(pc) =	sbr.rel @p2 .LBB2_1-.Ltmp1, $4  }
0x33: {  	[hbm:s5], [sflag:s14] =	dma.local @!p1 [spmem:s15], $0x2700  }
0x34: {  	_ =	swait.ge @!p1 [sflag:s17], $0x2700  }
0x35: {  	[sflag:s17] =	ssyncset.done @!p1 $0x0  }
0x36: {  	[sflag:s17] =	ssyncadd.s32 @!p1 $0xFFFFD900  }
0x37: {  	_ =	sfence.sel $0x180000  }
0x38: {  	[bflag:$0x0] =	sbarrier.arrive $0xFFFF  }
0x39: {  	_ =	strace $0x9000004A  }
0x3a: {  	s0 =	sadd.s32 @!p0 $0x100000, s0;
	[bflag:$0x2] =	sbarrier.arrive $0xFFFF  }
0x3b: {  	[sflag:s0] =	ssyncadd.tile.s32 @!p0 $0x1;
	_ =	shalt  }
.Lfunc_end2:
_tile_overlayer_lowered:
.L_overlay_start_2:
0x3c: {  	(tag) =	ssettag $0x2  }
0x3d: {  	s0 =	rddreg [dreg:$0x0];
	s2 =	stileid.u32  }
0x3e: {  	s1 =	rddreg [dreg:$0x1];
	p0 =	sne.s32 s2, $0x0  }
0x3f: {  	s3 =	rddreg [dreg:$0x2];
	[bflag:$0x3] =	sbarrier.arrive $0xFFFF;
	s2 =	simm.s32 @!p0 $0x1C01  }
0x40: {  	[timem:s3], [sflag:s2] =	dma.local @!p0 [hbm:s0], s1  }
0x41: {  	s0 =	simm.s32 @!p0 $0x1  }
0x42: {  	_ =	swait.ge @!p0 [sflag:s0], s1  }
0x43: {  	s1 =	ssub.s32 @!p0 $0x0, s1;
	[sflag:s0] =	ssyncset.done @!p0 $0x0  }
0x44: {  	[sflag:s0] =	ssyncadd.s32 @!p0 s1  }
0x45: {  	[bflag:$0x3] =	sbarrier.arrive $0xFFFF  }
0x46: {  	_ =	shalt  }

// kernel: kernel.22.cloned.1.call-start
scs
__scs_entry_jumppad:
0x0: {  	(pc) =	sbr.rel $0x88, $3  }
0x1: {  	(tag) =	ssettag $0x0;
	lr =	simm.s32 $0x1  }
0x2: {  	[smem:$0x3F8D] =	sst lr;
	_ =	strace $0xD0000000  }
0x3: {  	_ = 	snop  }
0x4: {  	_ = 	snop  }
0x5: {  	_ = 	snop  }
0x6: {  	_ = 	snop  }
0x7: {  	_ = 	snop  }
__scs_overlays_trampoline_lowered:
0x8: {  	[smem:$0x3F9C] =	sst s0  }
0x9: {  	[smem:$0x3F9D] =	sst s1  }
0xa: {  	[smem:$0x3F9E] =	sst s2  }
0xb: {  	[smem:$0x3F9F] =	sst s3  }
0xc: {  	[smem:$0x3FA0] =	sst s4  }
0xd: {  	[smem:$0x3FA1] =	sst s5  }
0xe: {  	[smem:$0x3FA2] =	sst s6  }
0xf: {  	[smem:$0x3FA3] =	sst s7  }
0x10: {  	[smem:$0x3FA4] =	sst s8  }
0x11: {  	[smem:$0x3FA5] =	sst s9;
	s0 =	simm.s32 @!p0 $0x0  }
0x12: {  	s1 =	sld [smem:$0x3F8B];
	s0 =	simm.s32 @p0 $0x1  }
0x13: {  	[smem:$0x3FA6] =	sst s0;
	s0 =	simm.s32 @!p1 $0x0  }
0x14: {  	s2 =	sld [smem:$0x3F8A];
	s0 =	simm.s32 @p1 $0x1  }
0x15: {  	[smem:$0x3FA7] =	sst s0;
	s0 =	simm.s32 @!p2 $0x0  }
0x16: {  	s3 =	sld [smem:$0x3FDB];
	s0 =	simm.s32 @p2 $0x1  }
0x17: {  	s4 =	simm.s32 $0x1BF5;
	[smem:$0x3FA9] =	sst s0  }
0x18: {  	s0 =	sld [smem:$0x3F8C];
	_ =	swait.ge [sflag:s4], $0x0  }
0x19: {  	s7 =	sld [smem:$0x3F8D]  }
0x1a: {  	s8 =	sadd.s32 $0xFFFFE003, lr  }
0x1b: {  	s9 =	sadd.s32 $0xFFFFFEF7, lr;
	s5 =	simm.s32 $0xFFFFFFFF;
	p2 =	slt.u32 s8, $0xFFFFF086  }
0x1c: {  	p1 =	slt.u32 s9, $0xF7A;
	s5 =	simm.s32 @!p2 $0x0  }
0x1d: {  	s5 =	simm.s32 @p1 $0x1;
	p0 =	seq.s32 s7, s2  }
0x1e: {  	s7 =	smul.u32 @!p0 $0xF7A, s2;
	p2 =	seq.s32 @!p0 s5, $0x0  }
0x1f: {  	s9 =	smul.u32 $0xF7A, s1;
	s8 =	simm.s32 @!p0 $0x1BF5;
	p2 =	por !p2, p0  }
0x20: {  	[sflag:s8] =	ssyncset.s32 @!p0 $0xFFFFF086;
	s6 =	sadd.s32 @!p0 s3, s7;
	s7 =	simm.s32 @!p0 $0x108  }
0x21: {  	s3 =	sadd.s32 s3, s9;
	s6 =	sadd.s32 @!p0 $0x88, s6;
	s7 =	simm.s32 @p2 $0x1082  }
0x22: {  	[simem:s7], [sflag:s8] =	dma.local @!p0 [hbm:s6], $0xF7A  }
0x23: {  	s9 =	sor.u32 $0xD0000000, s2;
	s6 =	simm.s32 $0x108;
	_ =	swait.ge @!p0 [sflag:s8], $0x0  }
0x24: {  	s3 =	sadd.s32 $0x88, s3;
	s6 =	simm.s32 @!p1 $0x1082;
	[sflag:s4] =	ssyncset.s32 $0xFFFFF086  }
0x25: {  	[simem:s6], [sflag:s4] =	dma.local [hbm:s3], $0xF7A  }
0x26: {  	[smem:$0x3F8D] =	sst s1;
	(tag) =	ssettag s2;
	_ =	strace s9  }
0x27: {  	s1 =	sld [smem:$0x3F9D]  }
0x28: {  	s2 =	sld [smem:$0x3F9E]  }
0x29: {  	s4 =	sld [smem:$0x3FA0]  }
0x2a: {  	p0 =	seq.s32 s5, $0x0;
	s5 =	sld [smem:$0x3FA1]  }
0x2b: {  	s6 =	sld [smem:$0x3FA2]  }
0x2c: {  	s7 =	sld [smem:$0x3FA3]  }
0x2d: {  	s3 =	simm.s32 $0x108;
	s8 =	sld [smem:$0x3FA4]  }
0x2e: {  	s3 =	simm.s32 @!p0 $0x1082;
	s9 =	sld [smem:$0x3FA5]  }
0x2f: {  	lr =	sadd.s32 s0, s3;
	s0 =	sld [smem:$0x3F9C]  }
0x30: {  	s3 =	sld [smem:$0x3F9F]  }
0x31: {  	[smem:$0x3FA8] =	sst s10  }
0x32: {  	s10 =	sld [smem:$0x3FA6];
	_ =	sdelay $0x3  }
0x33: {  	p0 =	seq.s32 s10, $0x1;
	s10 =	sld [smem:$0x3FA8];
	_ =	sdelay $0x3  }
0x34: {  	[smem:$0x3FA8] =	sst s10  }
0x35: {  	s10 =	sld [smem:$0x3FA7];
	_ =	sdelay $0x3  }
0x36: {  	p1 =	seq.s32 s10, $0x1;
	s10 =	sld [smem:$0x3FA8];
	_ =	sdelay $0x3  }
0x37: {  	[smem:$0x3FA8] =	sst s10  }
0x38: {  	s10 =	sld [smem:$0x3FA9]  }
0x39: {  	_ = 	snop;
	(pc) =	sbr.ind lr, $3  }
0x3a: {  	_ = 	snop  }
0x3b: {  	_ = 	snop  }
0x3c: {  	p2 =	seq.s32 s10, $0x1;
	s10 =	sld [smem:$0x3FA8]  }
0x3d: {  	_ =	shalt  }
0x3e: {  	_ =	shalt  }
0x3f: {  	_ =	shalt  }
0x40: {  	_ =	shalt  }
0x41: {  	_ =	shalt  }
0x42: {  	_ =	shalt  }
0x43: {  	_ =	shalt  }
0x44: {  	_ =	shalt  }
0x45: {  	_ =	shalt  }
0x46: {  	_ =	shalt  }
0x47: {  	_ =	shalt  }
0x48: {  	_ =	shalt  }
0x49: {  	_ =	shalt  }
0x4a: {  	_ =	shalt  }
0x4b: {  	_ =	shalt  }
0x4c: {  	_ =	shalt  }
0x4d: {  	_ =	shalt  }
0x4e: {  	_ =	shalt  }
0x4f: {  	_ =	shalt  }
0x50: {  	_ =	shalt  }
0x51: {  	_ =	shalt  }
0x52: {  	_ =	shalt  }
0x53: {  	_ =	shalt  }
0x54: {  	_ =	shalt  }
0x55: {  	_ =	shalt  }
0x56: {  	_ =	shalt  }
0x57: {  	_ =	shalt  }
0x58: {  	_ =	shalt  }
0x59: {  	_ =	shalt  }
0x5a: {  	_ =	shalt  }
0x5b: {  	_ =	shalt  }
0x5c: {  	_ =	shalt  }
0x5d: {  	_ =	shalt  }
0x5e: {  	_ =	shalt  }
0x5f: {  	_ =	shalt  }
0x60: {  	_ =	shalt  }
0x61: {  	_ =	shalt  }
0x62: {  	_ =	shalt  }
0x63: {  	_ =	shalt  }
0x64: {  	_ =	shalt  }
0x65: {  	_ =	shalt  }
0x66: {  	_ =	shalt  }
0x67: {  	_ =	shalt  }
0x68: {  	_ =	shalt  }
0x69: {  	_ =	shalt  }
0x6a: {  	_ =	shalt  }
0x6b: {  	_ =	shalt  }
0x6c: {  	_ =	shalt  }
0x6d: {  	_ =	shalt  }
0x6e: {  	_ =	shalt  }
0x6f: {  	_ =	shalt  }
0x70: {  	_ =	shalt  }
0x71: {  	_ =	shalt  }
0x72: {  	_ =	shalt  }
0x73: {  	_ =	shalt  }
0x74: {  	_ =	shalt  }
0x75: {  	_ =	shalt  }
0x76: {  	_ =	shalt  }
0x77: {  	_ =	shalt  }
0x78: {  	_ =	shalt  }
0x79: {  	_ =	shalt  }
0x7a: {  	_ =	shalt  }
0x7b: {  	_ =	shalt  }
0x7c: {  	_ =	shalt  }
0x7d: {  	_ =	shalt  }
0x7e: {  	_ =	shalt  }
0x7f: {  	_ =	shalt  }
0x80: {  	_ =	shalt  }
0x81: {  	_ =	shalt  }
0x82: {  	_ =	shalt  }
0x83: {  	_ =	shalt  }
0x84: {  	_ =	shalt  }
0x85: {  	_ =	shalt  }
0x86: {  	_ =	shalt  }
0x87: {  	_ =	shalt  }
.Lfunc_end0:
.L_simem_size_0:
called_computation.3_lowered:
.L_overlay_start_0:
0x88: {  	s2 =	sld [smem:$0x3FD9]  }
0x89: {  	s3 =	sld [smem:$0x3FFE];
	_ =	sdelay $0x1  }
0x8a: {  	s1 =	srdreg.scid  }
0x8b: {  	s0 =	sand.u32 $0x1, s1  }
0x8c: {  	s16 =	sshll.u32 s0, $0xA;
	s2 =	sadd.s32 s3, s2  }
0x8d: {  	s2 =	sadd.s32 s2, s16  }
0x8e: {  	[smem:$0x3FB4] =	sst s2  }
0x8f: {  	_ = 	snop  }
0x90: {  	(tm) =	ssettm $0x1  }
0x91: {  	s17 =	sld [smem:$0x3FFB];
	_ =	sdelay $0x3  }
0x92: {  	_ =	strace s17  }
0x93: {  	s2 =	sld [smem:$0x3FFC];
	_ =	sdelay $0x3  }
0x94: {  	_ =	strace s2  }
0x95: {  	s2 =	sld [smem:$0x3FFD];
	_ =	sdelay $0x3  }
0x96: {  	_ =	strace s2  }
0x97: {  	_ =	strace $0x8FFFFFFF  }
0x98: {  	s18 =	sld [smem:$0x3FDB];
	_ =	sdelay $0x1  }
0x99: {  	s19 =	simm.s32 $_scs_section_size  }
0x9a: {  	s4 =	simm.s32 $_size__tile_overlayer_lowered;
	s5 =	simm.s32 $_tile_overlayer_lowered  }
0x9b: {  	s22 =	simm.s32 $0x1BFF;
	s21 =	sshll.u32 s5, $0x1;
	s2 =	sadd.s32 s19, s18  }
0x9c: {  	s6 =	simm.s32 $0x0;
	s20 =	sshll.u32 s4, $0x1;
	s4 =	sadd.s32 s21, s2  }
0x9d: {  	[timem:s6], [sflag:s22] =	dma.local [hbm:s4], s20  }
0x9e: {  	_ =	swait.ge [sflag:s22], s20  }
0x9f: {  	s3 =	ssub.s32 $0x0, s20;
	[sflag:s22] =	ssyncset.done $0x0  }
0xa0: {  	[sflag:s22] =	ssyncadd.s32 s3;
	_ =	sdelay $0x1  }
0xa1: {  	s23 =	simm.s32 $0x1B8B  }
0xa2: {  	_ =	swait.ge [sflag:s23], $0x1  }
0xa3: {  	[sflag:s23] =	ssyncset.done $0x0  }
0xa4: {  	s25 =	simm.s32 $0x1B8E;
	s24 =	sld [smem:$0x3FFE];
	[sflag:s23] =	ssyncadd.s32 $0xFFFFFFFF  }
0xa5: {  	s26 =	simm.s32 $execute0_lowered;
	[smem:$0x3FD2] =	sst s25  }
0xa6: {  	s4 =	sshll.u32 s26, $0x1;
	_ =	strace $0x8000004F;
	[dreg:$0x1] =	wrdreg $0xFFFFFFFF  }
0xa7: {  	s28 =	simm.s32 $_size_execute0_lowered;
	s2 =	sadd.s32 s2, s4;
	[dreg:$0x0] =	wrdreg $0x0  }
0xa8: {  	s4 =	sshll.u32 s28, $0x1;
	[dreg:$0x2] =	wrdreg s2  }
0xa9: {  	[dreg:$0x3] =	wrdreg s4  }
0xaa: {  	[dreg:$0x4] =	wrdreg $0xC0  }
0xab: {  	_ =	task [dreg:s6], $0x5FFFF  }
0xac: {  	[dreg:$0x1] =	wrdreg $0xFFFFFFFF  }
0xad: {  	[dreg:$0x0] =	wrdreg $0x60  }
0xae: {  	[dreg:$0x2] =	wrdreg s24  }
0xaf: {  	[dreg:$0x3] =	wrdreg $0x9  }
0xb0: {  	_ =	task.clear_ibuf [dreg:s6], $0x4FFFF;
	_ =	strace $0x9000004F  }
0xb1: {  	s29 =	simm.s32 $0x9;
	_ =	strace $0x80000051  }
0xb2: {  	_ =	swait.ge [sflag:s29], $0x1  }
0xb3: {  	[sflag:s29] =	ssyncadd.s32 $0xFFFFFFFF  }
0xb4: {  	_ =	strace $0x90000051  }
0xb5: {  	_ =	sfence  }
0xb6: {  	s30 =	sld [smem:$0x0];
	_ =	sdelay $0x2  }
0xb7: {  	s31 =	sshll.u32 s1, $0xD;
	s1 =	sshrl.u32 s1, $0x2  }
0xb8: {  	s3 =	sand.u32 $0x4000, s31;
	s1 =	sadd.s32 s1, s30  }
0xb9: {  	s0 =	sor.u32 s3, s0;
	s1 =	sshll.u32 s1, $0x11  }
0xba: {  	s0 =	sor.u32 s1, s0  }
0xbb: {  	s0 =	sadd.s32 $0x8F2B, s0  }
0xbc: {  	[sflag:s0] =	ssyncadd.remote.s32 $0x1  }
0xbd: {  	_ =	sfence.sel $0xFFFF  }
0xbe: {  	[dreg:$0x0] =	wrdreg $0xFFFFFFFF;
	(pc) =	sbr.abs _section_cstart, $3  }
0xbf: {  	[dreg:$0x1] =	wrdreg $0xFFFFFFFF  }
0xc0: {  	_ =	task.clear_ibuf [dreg:s6], $0x2FFFF;
	_ =	strace $0x9FFFFFFF  }
0xc1: {  	(tm) =	ssettm $0x7FFFFFFF  }
tec
execute0_lowered:
.L_overlay_start_1:
0x0: {  	(tag) =	ssettag $0x1  }
0x1: {  	s6 =	rddreg [dreg:$0x0]  }
0x2: {  	s0 =	rddreg [dreg:$0x1];
	s1 =	simm.s32 $0x0;
	s7 =	srdreg.scid  }
0x3: {  	s2 =	stileid.u32;
	s13 =	simm.s32 $0x2;
	s14 =	simm.s32 $0x50  }
0x4: {  	s15 =	simm.s32 $0x8000;
	s16 =	simm.s32 $0xA800;
	s17 =	simm.s32 $0xD000  }
0x5: {  	s18 =	simm.s32 $0xF800;
	s19 =	simm.s32 $0x1;
	[smem:$0x7FF] =	sst s1  }
0x6: {  	s3 =	sadd.s32 $0xEF400, s6;
	s4 =	sadd.s32 $0x116600, s6;
	s5 =	sadd.s32 $0x50400, s6  }
0x7: {  	s7 =	sand.u32 $0x1, s7;
	s8 =	sshll.u32 s2, $0xC;
	s9 =	smul.u32 $0x4E200, s2  }
0x8: {  	_ =	strace $0x80000050;
	s10 =	sshll.u32 s7, $0xB;
	s11 =	ssub.s32 $0x2, s7  }
0x9: {  	s7 =	smul.u32 $0x27100, s7;
	s8 =	sor.u32 s10, s8;
	s31 =	sshrl.u32 s11, $0x1  }
0xa: {  	s9 =	sadd.s32 s9, s6;
	s8 =	sadd.s32 s8, s6;
	s10 =	ssub.s32 s11, s31  }
0xb: {  	s12 =	sadd.s32 s7, s9;
	s6 =	sadd.s32 $0x9200, s8;
	s7 =	sadd.s32 $0x19200, s8  }
0xc: {  	s8 =	sadd.s32 $0x164C00, s12;
	s9 =	smax.u32 s10, $0x1;
	s10 =	sadd.s32 $0x646C00, s12  }
0xd: {  	s20 =	simm.s32 $0x0;
	s11 =	sadd.s32 $0xB28C00, s12;
	s12 =	sadd.s32 $0x1400E00, s12  }
.LBB2_1:
0xe: {  	[tilespmem:s1], [sflag:$0x2] =	stream.linear.gather [hbm4b:s6+s1], $0x3E80, $0x38;
	[tilespmem:$0x12000] =	vst v63  }
0xf: {  	_ =	swait.ge [sflag:s13], $0x3E80  }
0x10: {  	[sflag:s13] =	ssyncset.done $0x0  }
0x11: {  	s21 =	simm.s32 $0x4000;
	[sflag:s13] =	ssyncadd.s32 $0xFFFFC180  }
0x12: {  	[tilespmem:s21], [sflag:$0x2] =	stream.linear.gather [hbm4b:s7+s1], $0x3E80, $0x38;
	[tilespmem:$0x12000] =	vst v63  }
0x13: {  	_ =	swait.ge [sflag:s13], $0x3E80  }
0x14: {  	[sflag:s13] =	ssyncset.done $0x0  }
0x15: {  	[sflag:s13] =	ssyncadd.s32 $0xFFFFC180  }
0x16: {  	[tilespmem:s15], [sflag:$0x1] =	stream.indirect.gather [hbm4b:s3+s14], $0x80, s1, s14, $0xb8;
	[tilespmem:$0x12000] =	vst v63  }
0x17: {  	_ = 	snop  }
0x18: {  	[tilespmem:s16], [sflag:$0x1] =	stream.indirect.gather [hbm4b:s4+s14], $0x80, s21, s14, $0xb8;
	[tilespmem:$0x12000] =	vst v63  }
0x19: {  	_ = 	snop  }
0x1a: {  	[tilespmem:s17], [sflag:$0x1] =	stream.indirect.gather [hbm4b:s5+s14], $0x80, s1, s14, $0xb8;
	[tilespmem:$0x12000] =	vst v63  }
0x1b: {  	_ = 	snop  }
0x1c: {  	[tilespmem:s18], [sflag:$0x1] =	stream.indirect.gather [hbm4b:s5+s14], $0x80, s21, s14, $0xb8;
	[tilespmem:$0x12000] =	vst v63  }
0x1d: {  	_ =	swait.ge [sflag:s19], $0x2800  }
0x1e: {  	[sflag:s19] =	ssyncset.done $0x0  }
0x1f: {  	[sflag:s19] =	ssyncadd.s32 $0xFFFFD800  }
0x20: {  	_ =	swait.ge [sflag:s19], $0x2800  }
0x21: {  	[sflag:s19] =	ssyncset.done $0x0  }
0x22: {  	[sflag:s19] =	ssyncadd.s32 $0xFFFFD800  }
0x23: {  	_ =	swait.ge [sflag:s19], $0x2800  }
0x24: {  	[sflag:s19] =	ssyncset.done $0x0  }
0x25: {  	[sflag:s19] =	ssyncadd.s32 $0xFFFFD800  }
0x26: {  	_ =	swait.ge [sflag:s19], $0x2800  }
0x27: {  	[sflag:s19] =	ssyncset.done $0x0  }
0x28: {  	s22 =	sadd.s32 $0x0, s8;
	[sflag:s19] =	ssyncadd.s32 $0xFFFFD800  }
0x29: {  	[hbm4b:s22+s1] =	stream.linear.scatter [tilespmem:s15], [sflag:$0x2], $0x2800, $0x38;
	[tilespmem:$0x12000] =	vst v63  }
0x2a: {  	_ =	swait.ge [sflag:s13], $0x2800  }
0x2b: {  	[sflag:s13] =	ssyncset.done $0x0  }
0x2c: {  	s29 =	sadd.s32 $0x0, s10;
	[sflag:s13] =	ssyncadd.s32 $0xFFFFD800  }
0x2d: {  	[hbm4b:s29+s1] =	stream.linear.scatter [tilespmem:s16], [sflag:$0x2], $0x2800, $0x38;
	[tilespmem:$0x12000] =	vst v63  }
0x2e: {  	_ =	swait.ge [sflag:s13], $0x2800  }
0x2f: {  	[sflag:s13] =	ssyncset.done $0x0  }
0x30: {  	s30 =	sadd.s32 $0x0, s11;
	[sflag:s13] =	ssyncadd.s32 $0xFFFFD800  }
0x31: {  	[hbm4b:s30+s1] =	stream.linear.scatter [tilespmem:s17], [sflag:$0x2], $0x2800, $0x38;
	[tilespmem:$0x12000] =	vst v63  }
0x32: {  	_ =	swait.ge [sflag:s13], $0x2800  }
0x33: {  	[sflag:s13] =	ssyncset.done $0x0  }
0x34: {  	s31 =	sadd.s32 $0x0, s12;
	[sflag:s13] =	ssyncadd.s32 $0xFFFFD800  }
0x35: {  	[hbm4b:s31+s1] =	stream.linear.scatter [tilespmem:s18], [sflag:$0x2], $0x2800, $0x38;
	[tilespmem:$0x12000] =	vst v63  }
0x36: {  	_ =	swait.ge [sflag:s13], $0x2800  }
0x37: {  	s23 =	simm.s32 $0x0;
	s22 =	simm.s32 $0x500;
	[sflag:s13] =	ssyncset.done $0x0  }
.LBB2_2:
0x38: {  	[sflag:s13] =	ssyncadd.s32 $0xFFFFD800;
	s23 =	sadd.s32 $0x80, s23;
	s21 =	sadd.s32 $0x80, s21  }
0x39: {  	[tilespmem:s15], [sflag:$0x1] =	stream.indirect.gather [hbm4b:s3+s14], $0x80, s23, s14, $0xb8;
	[tilespmem:$0x12000] =	vst v63  }
0x3a: {  	p0 =	sne.s32 s22, $0x26C00;
	s24 =	smov.u32 s22;
	s22 =	sadd.s32 $0x500, s22  }
0x3b: {  	[tilespmem:s16], [sflag:$0x1] =	stream.indirect.gather [hbm4b:s4+s14], $0x80, s21, s14, $0xb8;
	[tilespmem:$0x12000] =	vst v63  }
0x3c: {  	_ = 	snop  }
0x3d: {  	[tilespmem:s17], [sflag:$0x1] =	stream.indirect.gather [hbm4b:s5+s14], $0x80, s23, s14, $0xb8;
	[tilespmem:$0x12000] =	vst v63  }
0x3e: {  	_ = 	snop  }
0x3f: {  	[tilespmem:s18], [sflag:$0x1] =	stream.indirect.gather [hbm4b:s5+s14], $0x80, s21, s14, $0xb8;
	[tilespmem:$0x12000] =	vst v63  }
0x40: {  	_ =	swait.ge [sflag:s19], $0x2800  }
0x41: {  	[sflag:s19] =	ssyncset.done $0x0  }
0x42: {  	[sflag:s19] =	ssyncadd.s32 $0xFFFFD800  }
0x43: {  	_ =	swait.ge [sflag:s19], $0x2800  }
0x44: {  	[sflag:s19] =	ssyncset.done $0x0  }
0x45: {  	[sflag:s19] =	ssyncadd.s32 $0xFFFFD800  }
0x46: {  	_ =	swait.ge [sflag:s19], $0x2800  }
0x47: {  	[sflag:s19] =	ssyncset.done $0x0  }
0x48: {  	[sflag:s19] =	ssyncadd.s32 $0xFFFFD800  }
0x49: {  	_ =	swait.ge [sflag:s19], $0x2800  }
0x4a: {  	[sflag:s19] =	ssyncset.done $0x0  }
0x4b: {  	s25 =	sadd.s32 s24, s8;
	[sflag:s19] =	ssyncadd.s32 $0xFFFFD800  }
0x4c: {  	[hbm4b:s25+s1] =	stream.linear.scatter [tilespmem:s15], [sflag:$0x2], $0x2800, $0x38;
	[tilespmem:$0x12000] =	vst v63  }
0x4d: {  	_ =	swait.ge [sflag:s13], $0x2800  }
0x4e: {  	[sflag:s13] =	ssyncset.done $0x0  }
0x4f: {  	s25 =	sadd.s32 s24, s10;
	[sflag:s13] =	ssyncadd.s32 $0xFFFFD800  }
0x50: {  	[hbm4b:s25+s1] =	stream.linear.scatter [tilespmem:s16], [sflag:$0x2], $0x2800, $0x38;
	[tilespmem:$0x12000] =	vst v63  }
0x51: {  	_ =	swait.ge [sflag:s13], $0x2800  }
0x52: {  	[sflag:s13] =	ssyncset.done $0x0  }
0x53: {  	s25 =	sadd.s32 s24, s11;
	[sflag:s13] =	ssyncadd.s32 $0xFFFFD800  }
0x54: {  	[hbm4b:s25+s1] =	stream.linear.scatter [tilespmem:s17], [sflag:$0x2], $0x2800, $0x38;
	[tilespmem:$0x12000] =	vst v63  }
0x55: {  	_ =	swait.ge [sflag:s13], $0x2800  }
.Ltmp0:
0x56: {  	[sflag:s13] =	ssyncset.done $0x0;
	(pc) =	sbr.rel @p0 .LBB2_2-.Ltmp0, $4  }
0x57: {  	s24 =	sadd.s32 s24, s12;
	[sflag:s13] =	ssyncadd.s32 $0xFFFFD800  }
0x58: {  	[hbm4b:s24+s1] =	stream.linear.scatter [tilespmem:s18], [sflag:$0x2], $0x2800, $0x38;
	[tilespmem:$0x12000] =	vst v63  }
0x59: {  	_ =	swait.ge [sflag:s13], $0x2800  }
0x5a: {  	[sflag:s13] =	ssyncset.done $0x0  }
0x5b: {  	s20 =	sadd.s32 $0x1, s20  }
0x5c: {  	p0 =	sne.s32 s20, s9  }
.Ltmp1:
0x5d: {  	_ = 	snop;
	(pc) =	sbr.rel @p0 .LBB2_1-.Ltmp1, $2  }
0x5e: {  	_ =	sdelay $0x2  }
0x5f: {  	[sflag:s13] =	ssyncadd.s32 $0xFFFFD800  }
0x60: {  	_ =	sfence.sel $0x180000  }
0x61: {  	[bflag:$0x0] =	sbarrier.arrive $0xFFFF  }
0x62: {  	p0 =	sne.s32 s2, $0x0;
	_ =	strace $0x90000050  }
0x63: {  	s0 =	sadd.s32 @!p0 $0x100000, s0;
	[bflag:$0x2] =	sbarrier.arrive $0xFFFF  }
0x64: {  	[sflag:s0] =	ssyncadd.tile.s32 @!p0 $0x1;
	_ =	shalt  }
.Lfunc_end2:
_tile_overlayer_lowered:
.L_overlay_start_2:
0x65: {  	(tag) =	ssettag $0x2  }
0x66: {  	s0 =	rddreg [dreg:$0x0];
	s2 =	stileid.u32  }
0x67: {  	s1 =	rddreg [dreg:$0x1];
	p0 =	sne.s32 s2, $0x0  }
0x68: {  	s3 =	rddreg [dreg:$0x2];
	[bflag:$0x3] =	sbarrier.arrive $0xFFFF;
	s2 =	simm.s32 @!p0 $0x1C02  }
0x69: {  	[timem:s3], [sflag:s2] =	dma.local @!p0 [hbm:s0], s1  }
0x6a: {  	s0 =	simm.s32 @!p0 $0x2  }
0x6b: {  	_ =	swait.ge @!p0 [sflag:s0], s1  }
0x6c: {  	s1 =	ssub.s32 @!p0 $0x0, s1;
	[sflag:s0] =	ssyncset.done @!p0 $0x0  }
0x6d: {  	[sflag:s0] =	ssyncadd.s32 @!p0 s1  }
0x6e: {  	[bflag:$0x3] =	sbarrier.arrive $0xFFFF  }
0x6f: {  	_ =	shalt  }

// kernel: kernel.25.cloned.1.call-start
scs
__scs_entry_jumppad:
0x0: {  	(pc) =	sbr.rel $0x88, $3  }
0x1: {  	(tag) =	ssettag $0x0;
	lr =	simm.s32 $0x1  }
0x2: {  	[smem:$0x3F8D] =	sst lr;
	_ =	strace $0xD0000000  }
0x3: {  	_ = 	snop  }
0x4: {  	_ = 	snop  }
0x5: {  	_ = 	snop  }
0x6: {  	_ = 	snop  }
0x7: {  	_ = 	snop  }
__scs_overlays_trampoline_lowered:
0x8: {  	[smem:$0x3F9C] =	sst s0  }
0x9: {  	[smem:$0x3F9D] =	sst s1  }
0xa: {  	[smem:$0x3F9E] =	sst s2  }
0xb: {  	[smem:$0x3F9F] =	sst s3  }
0xc: {  	[smem:$0x3FA0] =	sst s4  }
0xd: {  	[smem:$0x3FA1] =	sst s5  }
0xe: {  	[smem:$0x3FA2] =	sst s6  }
0xf: {  	[smem:$0x3FA3] =	sst s7  }
0x10: {  	[smem:$0x3FA4] =	sst s8  }
0x11: {  	[smem:$0x3FA5] =	sst s9;
	s0 =	simm.s32 @!p0 $0x0  }
0x12: {  	s1 =	sld [smem:$0x3F8B];
	s0 =	simm.s32 @p0 $0x1  }
0x13: {  	[smem:$0x3FA6] =	sst s0;
	s0 =	simm.s32 @!p1 $0x0  }
0x14: {  	s2 =	sld [smem:$0x3F8A];
	s0 =	simm.s32 @p1 $0x1  }
0x15: {  	[smem:$0x3FA7] =	sst s0;
	s0 =	simm.s32 @!p2 $0x0  }
0x16: {  	s3 =	sld [smem:$0x3FDB];
	s0 =	simm.s32 @p2 $0x1  }
0x17: {  	s4 =	simm.s32 $0x1BF5;
	[smem:$0x3FA9] =	sst s0  }
0x18: {  	s0 =	sld [smem:$0x3F8C];
	_ =	swait.ge [sflag:s4], $0x0  }
0x19: {  	s7 =	sld [smem:$0x3F8D]  }
0x1a: {  	s8 =	sadd.s32 $0xFFFFE003, lr  }
0x1b: {  	s9 =	sadd.s32 $0xFFFFFEF7, lr;
	s5 =	simm.s32 $0xFFFFFFFF;
	p2 =	slt.u32 s8, $0xFFFFF086  }
0x1c: {  	p1 =	slt.u32 s9, $0xF7A;
	s5 =	simm.s32 @!p2 $0x0  }
0x1d: {  	s5 =	simm.s32 @p1 $0x1;
	p0 =	seq.s32 s7, s2  }
0x1e: {  	s7 =	smul.u32 @!p0 $0xF7A, s2;
	p2 =	seq.s32 @!p0 s5, $0x0  }
0x1f: {  	s9 =	smul.u32 $0xF7A, s1;
	s8 =	simm.s32 @!p0 $0x1BF5;
	p2 =	por !p2, p0  }
0x20: {  	[sflag:s8] =	ssyncset.s32 @!p0 $0xFFFFF086;
	s6 =	sadd.s32 @!p0 s3, s7;
	s7 =	simm.s32 @!p0 $0x108  }
0x21: {  	s3 =	sadd.s32 s3, s9;
	s6 =	sadd.s32 @!p0 $0x88, s6;
	s7 =	simm.s32 @p2 $0x1082  }
0x22: {  	[simem:s7], [sflag:s8] =	dma.local @!p0 [hbm:s6], $0xF7A  }
0x23: {  	s9 =	sor.u32 $0xD0000000, s2;
	s6 =	simm.s32 $0x108;
	_ =	swait.ge @!p0 [sflag:s8], $0x0  }
0x24: {  	s3 =	sadd.s32 $0x88, s3;
	s6 =	simm.s32 @!p1 $0x1082;
	[sflag:s4] =	ssyncset.s32 $0xFFFFF086  }
0x25: {  	[simem:s6], [sflag:s4] =	dma.local [hbm:s3], $0xF7A  }
0x26: {  	[smem:$0x3F8D] =	sst s1;
	(tag) =	ssettag s2;
	_ =	strace s9  }
0x27: {  	s1 =	sld [smem:$0x3F9D]  }
0x28: {  	s2 =	sld [smem:$0x3F9E]  }
0x29: {  	s4 =	sld [smem:$0x3FA0]  }
0x2a: {  	p0 =	seq.s32 s5, $0x0;
	s5 =	sld [smem:$0x3FA1]  }
0x2b: {  	s6 =	sld [smem:$0x3FA2]  }
0x2c: {  	s7 =	sld [smem:$0x3FA3]  }
0x2d: {  	s3 =	simm.s32 $0x108;
	s8 =	sld [smem:$0x3FA4]  }
0x2e: {  	s3 =	simm.s32 @!p0 $0x1082;
	s9 =	sld [smem:$0x3FA5]  }
0x2f: {  	lr =	sadd.s32 s0, s3;
	s0 =	sld [smem:$0x3F9C]  }
0x30: {  	s3 =	sld [smem:$0x3F9F]  }
0x31: {  	[smem:$0x3FA8] =	sst s10  }
0x32: {  	s10 =	sld [smem:$0x3FA6];
	_ =	sdelay $0x3  }
0x33: {  	p0 =	seq.s32 s10, $0x1;
	s10 =	sld [smem:$0x3FA8];
	_ =	sdelay $0x3  }
0x34: {  	[smem:$0x3FA8] =	sst s10  }
0x35: {  	s10 =	sld [smem:$0x3FA7];
	_ =	sdelay $0x3  }
0x36: {  	p1 =	seq.s32 s10, $0x1;
	s10 =	sld [smem:$0x3FA8];
	_ =	sdelay $0x3  }
0x37: {  	[smem:$0x3FA8] =	sst s10  }
0x38: {  	s10 =	sld [smem:$0x3FA9]  }
0x39: {  	_ = 	snop;
	(pc) =	sbr.ind lr, $3  }
0x3a: {  	_ = 	snop  }
0x3b: {  	_ = 	snop  }
0x3c: {  	p2 =	seq.s32 s10, $0x1;
	s10 =	sld [smem:$0x3FA8]  }
0x3d: {  	_ =	shalt  }
0x3e: {  	_ =	shalt  }
0x3f: {  	_ =	shalt  }
0x40: {  	_ =	shalt  }
0x41: {  	_ =	shalt  }
0x42: {  	_ =	shalt  }
0x43: {  	_ =	shalt  }
0x44: {  	_ =	shalt  }
0x45: {  	_ =	shalt  }
0x46: {  	_ =	shalt  }
0x47: {  	_ =	shalt  }
0x48: {  	_ =	shalt  }
0x49: {  	_ =	shalt  }
0x4a: {  	_ =	shalt  }
0x4b: {  	_ =	shalt  }
0x4c: {  	_ =	shalt  }
0x4d: {  	_ =	shalt  }
0x4e: {  	_ =	shalt  }
0x4f: {  	_ =	shalt  }
0x50: {  	_ =	shalt  }
0x51: {  	_ =	shalt  }
0x52: {  	_ =	shalt  }
0x53: {  	_ =	shalt  }
0x54: {  	_ =	shalt  }
0x55: {  	_ =	shalt  }
0x56: {  	_ =	shalt  }
0x57: {  	_ =	shalt  }
0x58: {  	_ =	shalt  }
0x59: {  	_ =	shalt  }
0x5a: {  	_ =	shalt  }
0x5b: {  	_ =	shalt  }
0x5c: {  	_ =	shalt  }
0x5d: {  	_ =	shalt  }
0x5e: {  	_ =	shalt  }
0x5f: {  	_ =	shalt  }
0x60: {  	_ =	shalt  }
0x61: {  	_ =	shalt  }
0x62: {  	_ =	shalt  }
0x63: {  	_ =	shalt  }
0x64: {  	_ =	shalt  }
0x65: {  	_ =	shalt  }
0x66: {  	_ =	shalt  }
0x67: {  	_ =	shalt  }
0x68: {  	_ =	shalt  }
0x69: {  	_ =	shalt  }
0x6a: {  	_ =	shalt  }
0x6b: {  	_ =	shalt  }
0x6c: {  	_ =	shalt  }
0x6d: {  	_ =	shalt  }
0x6e: {  	_ =	shalt  }
0x6f: {  	_ =	shalt  }
0x70: {  	_ =	shalt  }
0x71: {  	_ =	shalt  }
0x72: {  	_ =	shalt  }
0x73: {  	_ =	shalt  }
0x74: {  	_ =	shalt  }
0x75: {  	_ =	shalt  }
0x76: {  	_ =	shalt  }
0x77: {  	_ =	shalt  }
0x78: {  	_ =	shalt  }
0x79: {  	_ =	shalt  }
0x7a: {  	_ =	shalt  }
0x7b: {  	_ =	shalt  }
0x7c: {  	_ =	shalt  }
0x7d: {  	_ =	shalt  }
0x7e: {  	_ =	shalt  }
0x7f: {  	_ =	shalt  }
0x80: {  	_ =	shalt  }
0x81: {  	_ =	shalt  }
0x82: {  	_ =	shalt  }
0x83: {  	_ =	shalt  }
0x84: {  	_ =	shalt  }
0x85: {  	_ =	shalt  }
0x86: {  	_ =	shalt  }
0x87: {  	_ =	shalt  }
.Lfunc_end0:
.L_simem_size_0:
called_computation.4_lowered:
.L_overlay_start_0:
0x88: {  	s2 =	sld [smem:$0x3FD9]  }
0x89: {  	s3 =	sld [smem:$0x3FFE];
	_ =	sdelay $0x1  }
0x8a: {  	s1 =	srdreg.scid  }
0x8b: {  	s0 =	sand.u32 $0x1, s1  }
0x8c: {  	s17 =	sshll.u32 s0, $0xA;
	s2 =	sadd.s32 s3, s2  }
0x8d: {  	s2 =	sadd.s32 s2, s17  }
0x8e: {  	[smem:$0x3FB4] =	sst s2  }
0x8f: {  	_ = 	snop  }
0x90: {  	(tm) =	ssettm $0x1  }
0x91: {  	s18 =	sld [smem:$0x3FFB];
	_ =	sdelay $0x3  }
0x92: {  	_ =	strace s18  }
0x93: {  	s2 =	sld [smem:$0x3FFC];
	_ =	sdelay $0x3  }
0x94: {  	_ =	strace s2  }
0x95: {  	s2 =	sld [smem:$0x3FFD];
	_ =	sdelay $0x3  }
0x96: {  	_ =	strace s2  }
0x97: {  	_ =	strace $0x8FFFFFFF  }
0x98: {  	s19 =	sld [smem:$0x3FDB];
	_ =	sdelay $0x1  }
0x99: {  	s20 =	simm.s32 $_scs_section_size  }
0x9a: {  	s4 =	simm.s32 $_size__tile_overlayer_lowered;
	s5 =	simm.s32 $_tile_overlayer_lowered  }
0x9b: {  	s6 =	simm.s32 $0x1BFF;
	s21 =	sshll.u32 s5, $0x1;
	s3 =	sadd.s32 s20, s19  }
0x9c: {  	s22 =	simm.s32 $0x0;
	s4 =	sshll.u32 s4, $0x1;
	s5 =	sadd.s32 s21, s3  }
0x9d: {  	[timem:s22], [sflag:s6] =	dma.local [hbm:s5], s4  }
0x9e: {  	_ =	swait.ge [sflag:s6], s4  }
0x9f: {  	s4 =	ssub.s32 $0x0, s4;
	[sflag:s6] =	ssyncset.done $0x0  }
0xa0: {  	[sflag:s6] =	ssyncadd.s32 s4;
	_ =	sdelay $0x1  }
0xa1: {  	s23 =	simm.s32 $0x1B8B  }
0xa2: {  	_ =	swait.ge [sflag:s23], $0x1  }
0xa3: {  	[sflag:s23] =	ssyncset.done $0x0  }
0xa4: {  	[sflag:s23] =	ssyncadd.s32 $0xFFFFFFFF  }
0xa5: {  	s4 =	sld [smem:$0x0]  }
0xa6: {  	s5 =	sand.u32 $0xFFFFFFFE, s1  }
0xa7: {  	p0 =	sne.s32 s1, s5  }
0xa8: {  	s5 =	sshll.u32 @p0 s5, $0xE  }
0xa9: {  	s5 =	sadd.s32 @p0 $0x11B8D, s5;
	s6 =	sshll.u32 @p0 s4, $0x11  }
0xaa: {  	s5 =	sor.u32 @p0 s6, s5  }
0xab: {  	[sflag:s5] =	ssyncadd.remote.s32 @p0 $0x1;
	_ =	sdelay $0x1  }
0xac: {  	s5 =	simm.s32 @p0 $0x1B8D  }
0xad: {  	_ =	swait.eq @p0 [sflag:s5], $0x1  }
0xae: {  	[sflag:s5] =	ssyncadd.s32 @p0 $0xFFFFFFFF  }
0xaf: {  	s6 =	sshll.u32 @!p0 s1, $0xE  }
0xb0: {  	s6 =	sor.u32 @!p0 $0x4000, s6;
	s5 =	simm.s32 @!p0 $0x1B8D  }
0xb1: {  	s4 =	sshll.u32 @!p0 s4, $0x11;
	s6 =	sadd.s32 @!p0 $0x11B8D, s6;
	_ =	swait.eq @!p0 [sflag:s5], $0x1  }
0xb2: {  	s4 =	sor.u32 @!p0 s4, s6;
	[sflag:s5] =	ssyncadd.s32 @!p0 $0xFFFFFFFF  }
0xb3: {  	s25 =	simm.s32 $0x1B8E;
	s24 =	sld [smem:$0x3FFE];
	[sflag:s4] =	ssyncadd.remote.s32 @!p0 $0x1  }
0xb4: {  	s26 =	simm.s32 $execute0_lowered;
	[smem:$0x3FD2] =	sst s25  }
0xb5: {  	s5 =	sshll.u32 s26, $0x1;
	_ =	strace $0x80000055;
	[dreg:$0x1] =	wrdreg $0xFFFFFFFF  }
0xb6: {  	s28 =	simm.s32 $_size_execute0_lowered;
	s3 =	sadd.s32 s3, s5;
	[dreg:$0x0] =	wrdreg $0x0  }
0xb7: {  	s5 =	sshll.u32 s28, $0x1;
	[dreg:$0x2] =	wrdreg s3  }
0xb8: {  	[dreg:$0x3] =	wrdreg s5  }
0xb9: {  	[dreg:$0x4] =	wrdreg $0xC0  }
0xba: {  	_ =	task [dreg:s22], $0x5FFFF  }
0xbb: {  	[dreg:$0x1] =	wrdreg $0xFFFFFFFF  }
0xbc: {  	[dreg:$0x0] =	wrdreg $0x60  }
0xbd: {  	[dreg:$0x2] =	wrdreg s24  }
0xbe: {  	[dreg:$0x3] =	wrdreg $0x68000  }
0xbf: {  	[dreg:$0x4] =	wrdreg $0x9  }
0xc0: {  	_ =	task.clear_ibuf [dreg:s22], $0x5FFFF;
	_ =	strace $0x90000055  }
0xc1: {  	s29 =	simm.s32 $0x9;
	_ =	strace $0x80000057  }
0xc2: {  	_ =	swait.ge [sflag:s29], $0x1  }
0xc3: {  	[sflag:s29] =	ssyncadd.s32 $0xFFFFFFFF  }
0xc4: {  	_ =	strace $0x90000057  }
0xc5: {  	_ =	sfence  }
0xc6: {  	s30 =	sld [smem:$0x0];
	_ =	sdelay $0x2  }
0xc7: {  	s31 =	sshll.u32 s1, $0xD;
	s1 =	sshrl.u32 s1, $0x2  }
0xc8: {  	s4 =	sand.u32 $0x4000, s31;
	s1 =	sadd.s32 s1, s30  }
0xc9: {  	s0 =	sor.u32 s4, s0;
	s1 =	sshll.u32 s1, $0x11  }
0xca: {  	s0 =	sor.u32 s1, s0  }
0xcb: {  	s0 =	sadd.s32 $0x8F2B, s0  }
0xcc: {  	[sflag:s0] =	ssyncadd.remote.s32 $0x1  }
0xcd: {  	_ =	sfence.sel $0xFFFF  }
0xce: {  	[dreg:$0x0] =	wrdreg $0xFFFFFFFF;
	(pc) =	sbr.abs _section_cstart, $3  }
0xcf: {  	[dreg:$0x1] =	wrdreg $0xFFFFFFFF  }
0xd0: {  	_ =	task.clear_ibuf [dreg:s22], $0x2FFFF;
	_ =	strace $0x9FFFFFFF  }
0xd1: {  	(tm) =	ssettm $0x7FFFFFFF  }
tec
execute0_lowered:
.L_overlay_start_1:
0x0: {  	(tag) =	ssettag $0x1  }
0x1: {  	s4 =	rddreg [dreg:$0x0]  }
0x2: {  	s1 =	rddreg [dreg:$0x1]  }
0x3: {  	s0 =	rddreg [dreg:$0x2]  }
0x4: {  	s2 =	simm.s32 $0x0;
	s14 =	stileid.u32;
	s3 =	srdreg.scid  }
0x5: {  	[smem:$0x7FF] =	sst s2;
	s5 =	smul.u32 $0x4E200, s14;
	s6 =	sand.u32 $0x1, s3  }
0x6: {  	s25 =	sshll.u32 s14, $0xC;
	s10 =	smul.u32 $0x13800, s14;
	s11 =	sadd.s32 $0x164C00, s4  }
0x7: {  	s12 =	smul.u32 $0x4E000, s14;
	s16 =	sadd.s32 $0x124800, s1;
	p1 =	seq.s32 s14, $0xF  }
0x8: {  	p0 =	sne.s32 s14, $0x0;
	_ =	strace $0x80000056;
	s26 =	smul.u32 $0x138800, s6  }
0x9: {  	s7 =	sshll.u32 s6, $0xB;
	s9 =	ssub.s32 $0x2, s6;
	s13 =	smul.u32 $0x27100, s6  }
0xa: {  	s14 =	sshll.u32 @!p1 s14, $0x6;
	s8 =	sadd.s32 s5, s4;
	s3 =	sor.u32 s7, s25  }
0xb: {  	s28 =	sshrl.u32 s9, $0x1;
	s30 =	sshrl.u32 s12, $0x2;
	s12 =	simm.s32 $0x50  }
0xc: {  	s14 =	sor.u32 @!p1 $0x1C01, s14;
	s7 =	sadd.s32 s3, s4;
	s3 =	sadd.s32 $0x29200, s4  }
0xd: {  	s9 =	ssub.s32 s9, s28;
	s10 =	sadd.s32 s10, s26;
	s5 =	sshrl.u32 s26, $0x3  }
0xe: {  	s15 =	sadd.s32 s30, s1;
	s8 =	sadd.s32 s13, s8;
	s13 =	sshrl.u32 @p1 s16, $0x3  }
0xf: {  	s16 =	simm.s32 $0x0;
	s4 =	sadd.s32 $0x9200, s7;
	s29 =	sshrl.u32 s10, $0x3  }
0x10: {  	s31 =	sadd.s32 s11, s5;
	s7 =	smax.u32 s9, $0x1;
	s8 =	sadd.s32 $0x1DC4E00, s8  }
0x11: {  	s9 =	simm.s32 $0x1;
	s10 =	sshrl.u32 @!p0 s1, $0x3;
	s15 =	sshrl.u32 @!p1 s15, $0x3  }
0x12: {  	s5 =	sadd.s32 s11, s29;
	s6 =	sadd.s32 $0x24900, s31;
	s11 =	simm.s32 $0x4000  }
.LBB2_1:
0x13: {  	[tilespmem:s2], [sflag:$0x1] =	stream.linear.gather [hbm4b:s4+s2], $0x3E80, $0x38;
	[tilespmem:$0x1A080] =	vst v63  }
0x14: {  	_ =	swait.ge [sflag:s9], $0x3E80  }
0x15: {  	[sflag:s9] =	ssyncset.done $0x0  }
0x16: {  	s17 =	simm.s32 @!p0 $0x1C01;
	[sflag:s9] =	ssyncadd.s32 $0xFFFFC180  }
0x17: {  	[spmem:s10], [sflag:s17] =	dma.local @!p0 [hbm:s3], $0x27100  }
0x18: {  	s17 =	simm.s32 @!p0 $0x1  }
0x19: {  	_ =	swait.ge @!p0 [sflag:s17], $0x27100  }
0x1a: {  	[sflag:s17] =	ssyncset.done @!p0 $0x0  }
0x1b: {  	[sflag:s17] =	ssyncadd.s32 @!p0 $0xFFFD8F00  }
0x1c: {  	[bflag:$0x0] =	sbarrier.arrive $0xFFFF  }
0x1d: {  	[tilespmem:s11], [sflag:$0x1] =	stream.linear.gather [hbm4b:s8+s2], $0x2800, $0x38;
	[tilespmem:$0x1A080] =	vst v63  }
0x1e: {  	_ =	swait.ge [sflag:s9], $0x2800  }
0x1f: {  	[sflag:s9] =	ssyncset.done $0x0  }
0x20: {  	s31 =	simm.s32 $0x0;
	[sflag:s9] =	ssyncadd.s32 $0xFFFFD800  }
0x21: {  	[spmem:s1] =	stream.indirect.scatter.add.f32 [tilespmem:s11], [sflag:$0x1], $0x80, s31, s12, $0xb8;
	[tilespmem:$0x1A080] =	vst v63  }
0x22: {  	_ =	swait.ge [sflag:s9], $0x2800  }
0x23: {  	s18 =	smov.u32 s8;
	s17 =	simm.s32 $0x200;
	[sflag:s9] =	ssyncset.done $0x0  }
.LBB2_2:
0x24: {  	p2 =	sne.s32 s17, $0xF800;
	[sflag:s9] =	ssyncadd.s32 $0xFFFFD800;
	s18 =	sadd.s32 $0x500, s18  }
0x25: {  	[tilespmem:s11], [sflag:$0x1] =	stream.linear.gather [hbm4b:s18+s2], $0x2800, $0x38;
	[tilespmem:$0x1A080] =	vst v63  }
0x26: {  	s19 =	smov.u32 s17;
	s17 =	sadd.s32 $0x200, s17;
	_ =	swait.ge [sflag:s9], $0x2800  }
.Ltmp0:
0x27: {  	[sflag:s9] =	ssyncset.done $0x0;
	(pc) =	sbr.rel @p2 .LBB2_2-.Ltmp0, $4  }
0x28: {  	s19 =	sshra.s32 s19, $0x2;
	[sflag:s9] =	ssyncadd.s32 $0xFFFFD800  }
0x29: {  	[spmem:s1] =	stream.indirect.scatter.add.f32 [tilespmem:s11], [sflag:$0x1], $0x80, s19, s12, $0xb8;
	[tilespmem:$0x1A080] =	vst v63  }
0x2a: {  	_ =	swait.ge [sflag:s9], $0x2800  }
0x2b: {  	[sflag:s9] =	ssyncset.done $0x0  }
0x2c: {  	[sflag:s9] =	ssyncadd.s32 $0xFFFFD800  }
0x2d: {  	s17 =	simm.s32 @p1 $0x1FC1;
	[bflag:$0x0] =	sbarrier.arrive $0xFFFF  }
0x2e: {  	[hbm:s6], [sflag:s17] =	dma.local @p1 [spmem:s13], $0x2800  }
0x2f: {  	s17 =	simm.s32 @p1 $0x1  }
0x30: {  	s16 =	sadd.s32 $0x1, s16;
	_ =	swait.ge @p1 [sflag:s17], $0x2800  }
0x31: {  	p2 =	sne.s32 s16, s7;
	[sflag:s17] =	ssyncset.done @p1 $0x0  }
.Ltmp1:
0x32: {  	[sflag:s17] =	ssyncadd.s32 @p1 $0xFFFFD800;
	s17 =	simm.s32 @!p1 $0x1;
	(pc) =	sbr.rel @p2 .LBB2_1-.Ltmp1, $4  }
0x33: {  	[hbm:s5], [sflag:s14] =	dma.local @!p1 [spmem:s15], $0x2700  }
0x34: {  	_ =	swait.ge @!p1 [sflag:s17], $0x2700  }
0x35: {  	[sflag:s17] =	ssyncset.done @!p1 $0x0  }
0x36: {  	[sflag:s17] =	ssyncadd.s32 @!p1 $0xFFFFD900  }
0x37: {  	_ =	sfence.sel $0x180000  }
0x38: {  	[bflag:$0x0] =	sbarrier.arrive $0xFFFF  }
0x39: {  	_ =	strace $0x90000056  }
0x3a: {  	s0 =	sadd.s32 @!p0 $0x100000, s0;
	[bflag:$0x2] =	sbarrier.arrive $0xFFFF  }
0x3b: {  	[sflag:s0] =	ssyncadd.tile.s32 @!p0 $0x1;
	_ =	shalt  }
.Lfunc_end2:
_tile_overlayer_lowered:
.L_overlay_start_2:
0x3c: {  	(tag) =	ssettag $0x2  }
0x3d: {  	s0 =	rddreg [dreg:$0x0];
	s2 =	stileid.u32  }
0x3e: {  	s1 =	rddreg [dreg:$0x1];
	p0 =	sne.s32 s2, $0x0  }
0x3f: {  	s3 =	rddreg [dreg:$0x2];
	[bflag:$0x3] =	sbarrier.arrive $0xFFFF;
	s2 =	simm.s32 @!p0 $0x1C01  }
0x40: {  	[timem:s3], [sflag:s2] =	dma.local @!p0 [hbm:s0], s1  }
0x41: {  	s0 =	simm.s32 @!p0 $0x1  }
0x42: {  	_ =	swait.ge @!p0 [sflag:s0], s1  }
0x43: {  	s1 =	ssub.s32 @!p0 $0x0, s1;
	[sflag:s0] =	ssyncset.done @!p0 $0x0  }
0x44: {  	[sflag:s0] =	ssyncadd.s32 @!p0 s1  }
0x45: {  	[bflag:$0x3] =	sbarrier.arrive $0xFFFF  }
0x46: {  	_ =	shalt  }

// kernel: kernel.28.cloned.1.call-start
scs
__scs_entry_jumppad:
0x0: {  	(pc) =	sbr.rel $0x88, $3  }
0x1: {  	(tag) =	ssettag $0x0;
	lr =	simm.s32 $0x1  }
0x2: {  	[smem:$0x3F8D] =	sst lr;
	_ =	strace $0xD0000000  }
0x3: {  	_ = 	snop  }
0x4: {  	_ = 	snop  }
0x5: {  	_ = 	snop  }
0x6: {  	_ = 	snop  }
0x7: {  	_ = 	snop  }
__scs_overlays_trampoline_lowered:
0x8: {  	[smem:$0x3F9C] =	sst s0  }
0x9: {  	[smem:$0x3F9D] =	sst s1  }
0xa: {  	[smem:$0x3F9E] =	sst s2  }
0xb: {  	[smem:$0x3F9F] =	sst s3  }
0xc: {  	[smem:$0x3FA0] =	sst s4  }
0xd: {  	[smem:$0x3FA1] =	sst s5  }
0xe: {  	[smem:$0x3FA2] =	sst s6  }
0xf: {  	[smem:$0x3FA3] =	sst s7  }
0x10: {  	[smem:$0x3FA4] =	sst s8  }
0x11: {  	[smem:$0x3FA5] =	sst s9;
	s0 =	simm.s32 @!p0 $0x0  }
0x12: {  	s1 =	sld [smem:$0x3F8B];
	s0 =	simm.s32 @p0 $0x1  }
0x13: {  	[smem:$0x3FA6] =	sst s0;
	s0 =	simm.s32 @!p1 $0x0  }
0x14: {  	s2 =	sld [smem:$0x3F8A];
	s0 =	simm.s32 @p1 $0x1  }
0x15: {  	[smem:$0x3FA7] =	sst s0;
	s0 =	simm.s32 @!p2 $0x0  }
0x16: {  	s3 =	sld [smem:$0x3FDB];
	s0 =	simm.s32 @p2 $0x1  }
0x17: {  	s4 =	simm.s32 $0x1BF5;
	[smem:$0x3FA9] =	sst s0  }
0x18: {  	s0 =	sld [smem:$0x3F8C];
	_ =	swait.ge [sflag:s4], $0x0  }
0x19: {  	s7 =	sld [smem:$0x3F8D]  }
0x1a: {  	s8 =	sadd.s32 $0xFFFFE003, lr  }
0x1b: {  	s9 =	sadd.s32 $0xFFFFFEF7, lr;
	s5 =	simm.s32 $0xFFFFFFFF;
	p2 =	slt.u32 s8, $0xFFFFF086  }
0x1c: {  	p1 =	slt.u32 s9, $0xF7A;
	s5 =	simm.s32 @!p2 $0x0  }
0x1d: {  	s5 =	simm.s32 @p1 $0x1;
	p0 =	seq.s32 s7, s2  }
0x1e: {  	s7 =	smul.u32 @!p0 $0xF7A, s2;
	p2 =	seq.s32 @!p0 s5, $0x0  }
0x1f: {  	s9 =	smul.u32 $0xF7A, s1;
	s8 =	simm.s32 @!p0 $0x1BF5;
	p2 =	por !p2, p0  }
0x20: {  	[sflag:s8] =	ssyncset.s32 @!p0 $0xFFFFF086;
	s6 =	sadd.s32 @!p0 s3, s7;
	s7 =	simm.s32 @!p0 $0x108  }
0x21: {  	s3 =	sadd.s32 s3, s9;
	s6 =	sadd.s32 @!p0 $0x88, s6;
	s7 =	simm.s32 @p2 $0x1082  }
0x22: {  	[simem:s7], [sflag:s8] =	dma.local @!p0 [hbm:s6], $0xF7A  }
0x23: {  	s9 =	sor.u32 $0xD0000000, s2;
	s6 =	simm.s32 $0x108;
	_ =	swait.ge @!p0 [sflag:s8], $0x0  }
0x24: {  	s3 =	sadd.s32 $0x88, s3;
	s6 =	simm.s32 @!p1 $0x1082;
	[sflag:s4] =	ssyncset.s32 $0xFFFFF086  }
0x25: {  	[simem:s6], [sflag:s4] =	dma.local [hbm:s3], $0xF7A  }
0x26: {  	[smem:$0x3F8D] =	sst s1;
	(tag) =	ssettag s2;
	_ =	strace s9  }
0x27: {  	s1 =	sld [smem:$0x3F9D]  }
0x28: {  	s2 =	sld [smem:$0x3F9E]  }
0x29: {  	s4 =	sld [smem:$0x3FA0]  }
0x2a: {  	p0 =	seq.s32 s5, $0x0;
	s5 =	sld [smem:$0x3FA1]  }
0x2b: {  	s6 =	sld [smem:$0x3FA2]  }
0x2c: {  	s7 =	sld [smem:$0x3FA3]  }
0x2d: {  	s3 =	simm.s32 $0x108;
	s8 =	sld [smem:$0x3FA4]  }
0x2e: {  	s3 =	simm.s32 @!p0 $0x1082;
	s9 =	sld [smem:$0x3FA5]  }
0x2f: {  	lr =	sadd.s32 s0, s3;
	s0 =	sld [smem:$0x3F9C]  }
0x30: {  	s3 =	sld [smem:$0x3F9F]  }
0x31: {  	[smem:$0x3FA8] =	sst s10  }
0x32: {  	s10 =	sld [smem:$0x3FA6];
	_ =	sdelay $0x3  }
0x33: {  	p0 =	seq.s32 s10, $0x1;
	s10 =	sld [smem:$0x3FA8];
	_ =	sdelay $0x3  }
0x34: {  	[smem:$0x3FA8] =	sst s10  }
0x35: {  	s10 =	sld [smem:$0x3FA7];
	_ =	sdelay $0x3  }
0x36: {  	p1 =	seq.s32 s10, $0x1;
	s10 =	sld [smem:$0x3FA8];
	_ =	sdelay $0x3  }
0x37: {  	[smem:$0x3FA8] =	sst s10  }
0x38: {  	s10 =	sld [smem:$0x3FA9]  }
0x39: {  	_ = 	snop;
	(pc) =	sbr.ind lr, $3  }
0x3a: {  	_ = 	snop  }
0x3b: {  	_ = 	snop  }
0x3c: {  	p2 =	seq.s32 s10, $0x1;
	s10 =	sld [smem:$0x3FA8]  }
0x3d: {  	_ =	shalt  }
0x3e: {  	_ =	shalt  }
0x3f: {  	_ =	shalt  }
0x40: {  	_ =	shalt  }
0x41: {  	_ =	shalt  }
0x42: {  	_ =	shalt  }
0x43: {  	_ =	shalt  }
0x44: {  	_ =	shalt  }
0x45: {  	_ =	shalt  }
0x46: {  	_ =	shalt  }
0x47: {  	_ =	shalt  }
0x48: {  	_ =	shalt  }
0x49: {  	_ =	shalt  }
0x4a: {  	_ =	shalt  }
0x4b: {  	_ =	shalt  }
0x4c: {  	_ =	shalt  }
0x4d: {  	_ =	shalt  }
0x4e: {  	_ =	shalt  }
0x4f: {  	_ =	shalt  }
0x50: {  	_ =	shalt  }
0x51: {  	_ =	shalt  }
0x52: {  	_ =	shalt  }
0x53: {  	_ =	shalt  }
0x54: {  	_ =	shalt  }
0x55: {  	_ =	shalt  }
0x56: {  	_ =	shalt  }
0x57: {  	_ =	shalt  }
0x58: {  	_ =	shalt  }
0x59: {  	_ =	shalt  }
0x5a: {  	_ =	shalt  }
0x5b: {  	_ =	shalt  }
0x5c: {  	_ =	shalt  }
0x5d: {  	_ =	shalt  }
0x5e: {  	_ =	shalt  }
0x5f: {  	_ =	shalt  }
0x60: {  	_ =	shalt  }
0x61: {  	_ =	shalt  }
0x62: {  	_ =	shalt  }
0x63: {  	_ =	shalt  }
0x64: {  	_ =	shalt  }
0x65: {  	_ =	shalt  }
0x66: {  	_ =	shalt  }
0x67: {  	_ =	shalt  }
0x68: {  	_ =	shalt  }
0x69: {  	_ =	shalt  }
0x6a: {  	_ =	shalt  }
0x6b: {  	_ =	shalt  }
0x6c: {  	_ =	shalt  }
0x6d: {  	_ =	shalt  }
0x6e: {  	_ =	shalt  }
0x6f: {  	_ =	shalt  }
0x70: {  	_ =	shalt  }
0x71: {  	_ =	shalt  }
0x72: {  	_ =	shalt  }
0x73: {  	_ =	shalt  }
0x74: {  	_ =	shalt  }
0x75: {  	_ =	shalt  }
0x76: {  	_ =	shalt  }
0x77: {  	_ =	shalt  }
0x78: {  	_ =	shalt  }
0x79: {  	_ =	shalt  }
0x7a: {  	_ =	shalt  }
0x7b: {  	_ =	shalt  }
0x7c: {  	_ =	shalt  }
0x7d: {  	_ =	shalt  }
0x7e: {  	_ =	shalt  }
0x7f: {  	_ =	shalt  }
0x80: {  	_ =	shalt  }
0x81: {  	_ =	shalt  }
0x82: {  	_ =	shalt  }
0x83: {  	_ =	shalt  }
0x84: {  	_ =	shalt  }
0x85: {  	_ =	shalt  }
0x86: {  	_ =	shalt  }
0x87: {  	_ =	shalt  }
.Lfunc_end0:
.L_simem_size_0:
called_computation.5_lowered:
.L_overlay_start_0:
0x88: {  	s2 =	sld [smem:$0x3FD9]  }
0x89: {  	s3 =	sld [smem:$0x3FFE];
	_ =	sdelay $0x1  }
0x8a: {  	s1 =	srdreg.scid  }
0x8b: {  	s0 =	sand.u32 $0x1, s1  }
0x8c: {  	s16 =	sshll.u32 s0, $0xA;
	s2 =	sadd.s32 s3, s2  }
0x8d: {  	s2 =	sadd.s32 s2, s16  }
0x8e: {  	[smem:$0x3FB4] =	sst s2  }
0x8f: {  	_ = 	snop  }
0x90: {  	(tm) =	ssettm $0x1  }
0x91: {  	s17 =	sld [smem:$0x3FFB];
	_ =	sdelay $0x3  }
0x92: {  	_ =	strace s17  }
0x93: {  	s2 =	sld [smem:$0x3FFC];
	_ =	sdelay $0x3  }
0x94: {  	_ =	strace s2  }
0x95: {  	s2 =	sld [smem:$0x3FFD];
	_ =	sdelay $0x3  }
0x96: {  	_ =	strace s2  }
0x97: {  	_ =	strace $0x8FFFFFFF  }
0x98: {  	s18 =	sld [smem:$0x3FDB];
	_ =	sdelay $0x1  }
0x99: {  	s19 =	simm.s32 $_scs_section_size  }
0x9a: {  	s4 =	simm.s32 $_size__tile_overlayer_lowered;
	s5 =	simm.s32 $_tile_overlayer_lowered  }
0x9b: {  	s22 =	simm.s32 $0x1BFF;
	s21 =	sshll.u32 s5, $0x1;
	s2 =	sadd.s32 s19, s18  }
0x9c: {  	s6 =	simm.s32 $0x0;
	s20 =	sshll.u32 s4, $0x1;
	s4 =	sadd.s32 s21, s2  }
0x9d: {  	[timem:s6], [sflag:s22] =	dma.local [hbm:s4], s20  }
0x9e: {  	_ =	swait.ge [sflag:s22], s20  }
0x9f: {  	s3 =	ssub.s32 $0x0, s20;
	[sflag:s22] =	ssyncset.done $0x0  }
0xa0: {  	[sflag:s22] =	ssyncadd.s32 s3;
	_ =	sdelay $0x1  }
0xa1: {  	s23 =	simm.s32 $0x1B8B  }
0xa2: {  	_ =	swait.ge [sflag:s23], $0x1  }
0xa3: {  	[sflag:s23] =	ssyncset.done $0x0  }
0xa4: {  	s25 =	simm.s32 $0x1B8E;
	s24 =	sld [smem:$0x3FFE];
	[sflag:s23] =	ssyncadd.s32 $0xFFFFFFFF  }
0xa5: {  	s26 =	simm.s32 $execute0_lowered;
	[smem:$0x3FD2] =	sst s25  }
0xa6: {  	s4 =	sshll.u32 s26, $0x1;
	_ =	strace $0x80000052;
	[dreg:$0x1] =	wrdreg $0xFFFFFFFF  }
0xa7: {  	s28 =	simm.s32 $_size_execute0_lowered;
	s2 =	sadd.s32 s2, s4;
	[dreg:$0x0] =	wrdreg $0x0  }
0xa8: {  	s4 =	sshll.u32 s28, $0x1;
	[dreg:$0x2] =	wrdreg s2  }
0xa9: {  	[dreg:$0x3] =	wrdreg s4  }
0xaa: {  	[dreg:$0x4] =	wrdreg $0xC0  }
0xab: {  	_ =	task [dreg:s6], $0x5FFFF  }
0xac: {  	[dreg:$0x1] =	wrdreg $0xFFFFFFFF  }
0xad: {  	[dreg:$0x0] =	wrdreg $0x60  }
0xae: {  	[dreg:$0x2] =	wrdreg s24  }
0xaf: {  	[dreg:$0x3] =	wrdreg $0x68000  }
0xb0: {  	[dreg:$0x4] =	wrdreg $0xA  }
0xb1: {  	_ =	task.clear_ibuf [dreg:s6], $0x5FFFF;
	_ =	strace $0x90000052  }
0xb2: {  	s29 =	simm.s32 $0xA;
	_ =	strace $0x80000054  }
0xb3: {  	_ =	swait.ge [sflag:s29], $0x1  }
0xb4: {  	[sflag:s29] =	ssyncadd.s32 $0xFFFFFFFF  }
0xb5: {  	_ =	strace $0x90000054  }
0xb6: {  	_ =	sfence  }
0xb7: {  	s30 =	sld [smem:$0x0];
	_ =	sdelay $0x2  }
0xb8: {  	s31 =	sshll.u32 s1, $0xD;
	s1 =	sshrl.u32 s1, $0x2  }
0xb9: {  	s3 =	sand.u32 $0x4000, s31;
	s1 =	sadd.s32 s1, s30  }
0xba: {  	s0 =	sor.u32 s3, s0;
	s1 =	sshll.u32 s1, $0x11  }
0xbb: {  	s0 =	sor.u32 s1, s0  }
0xbc: {  	s0 =	sadd.s32 $0x8F2B, s0  }
0xbd: {  	[sflag:s0] =	ssyncadd.remote.s32 $0x1  }
0xbe: {  	_ =	sfence.sel $0xFFFF  }
0xbf: {  	[dreg:$0x0] =	wrdreg $0xFFFFFFFF;
	(pc) =	sbr.abs _section_cstart, $3  }
0xc0: {  	[dreg:$0x1] =	wrdreg $0xFFFFFFFF  }
0xc1: {  	_ =	task.clear_ibuf [dreg:s6], $0x2FFFF;
	_ =	strace $0x9FFFFFFF  }
0xc2: {  	(tm) =	ssettm $0x7FFFFFFF  }
0xc3: {  	_ =	shalt  }
tec
execute0_lowered:
.L_overlay_start_1:
0x0: {  	(tag) =	ssettag $0x1  }
0x1: {  	s4 =	rddreg [dreg:$0x0]  }
0x2: {  	s1 =	rddreg [dreg:$0x1]  }
0x3: {  	s0 =	rddreg [dreg:$0x2]  }
0x4: {  	s2 =	simm.s32 $0x0;
	s14 =	stileid.u32;
	s3 =	srdreg.scid  }
0x5: {  	[smem:$0x7FF] =	sst s2;
	s5 =	smul.u32 $0x4E200, s14;
	s6 =	sand.u32 $0x1, s3  }
0x6: {  	s25 =	sshll.u32 s14, $0xC;
	s10 =	smul.u32 $0x13800, s14;
	s11 =	sadd.s32 $0xEF400, s4  }
0x7: {  	s12 =	smul.u32 $0x4E000, s14;
	s16 =	sadd.s32 $0x124800, s1;
	p1 =	seq.s32 s14, $0xF  }
0x8: {  	p0 =	sne.s32 s14, $0x0;
	_ =	strace $0x80000053;
	s26 =	smul.u32 $0x138800, s6  }
0x9: {  	s7 =	sshll.u32 s6, $0xB;
	s9 =	ssub.s32 $0x2, s6;
	s13 =	smul.u32 $0x27100, s6  }
0xa: {  	s14 =	sshll.u32 @!p1 s14, $0x6;
	s8 =	sadd.s32 s5, s4;
	s3 =	sor.u32 s7, s25  }
0xb: {  	s28 =	sshrl.u32 s9, $0x1;
	s30 =	sshrl.u32 s12, $0x2;
	s12 =	simm.s32 $0x50  }
0xc: {  	s14 =	sor.u32 @!p1 $0x1C01, s14;
	s7 =	sadd.s32 s3, s4;
	s3 =	sadd.s32 $0x29200, s4  }
0xd: {  	s9 =	ssub.s32 s9, s28;
	s10 =	sadd.s32 s10, s26;
	s5 =	sshrl.u32 s26, $0x3  }
0xe: {  	s15 =	sadd.s32 s30, s1;
	s8 =	sadd.s32 s13, s8;
	s13 =	sshrl.u32 @p1 s16, $0x3  }
0xf: {  	s16 =	simm.s32 $0x0;
	s4 =	sadd.s32 $0x9200, s7;
	s29 =	sshrl.u32 s10, $0x3  }
0x10: {  	s31 =	sadd.s32 s11, s5;
	s7 =	smax.u32 s9, $0x1;
	s8 =	sadd.s32 $0x18E2E00, s8  }
0x11: {  	s9 =	simm.s32 $0x1;
	s10 =	sshrl.u32 @!p0 s1, $0x3;
	s15 =	sshrl.u32 @!p1 s15, $0x3  }
0x12: {  	s5 =	sadd.s32 s11, s29;
	s6 =	sadd.s32 $0x24900, s31;
	s11 =	simm.s32 $0x4000  }
.LBB2_1:
0x13: {  	[tilespmem:s2], [sflag:$0x1] =	stream.linear.gather [hbm4b:s4+s2], $0x3E80, $0x38;
	[tilespmem:$0x1A080] =	vst v63  }
0x14: {  	_ =	swait.ge [sflag:s9], $0x3E80  }
0x15: {  	[sflag:s9] =	ssyncset.done $0x0  }
0x16: {  	s17 =	simm.s32 @!p0 $0x1C01;
	[sflag:s9] =	ssyncadd.s32 $0xFFFFC180  }
0x17: {  	[spmem:s10], [sflag:s17] =	dma.local @!p0 [hbm:s3], $0x27100  }
0x18: {  	s17 =	simm.s32 @!p0 $0x1  }
0x19: {  	_ =	swait.ge @!p0 [sflag:s17], $0x27100  }
0x1a: {  	[sflag:s17] =	ssyncset.done @!p0 $0x0  }
0x1b: {  	[sflag:s17] =	ssyncadd.s32 @!p0 $0xFFFD8F00  }
0x1c: {  	[bflag:$0x0] =	sbarrier.arrive $0xFFFF  }
0x1d: {  	[tilespmem:s11], [sflag:$0x1] =	stream.linear.gather [hbm4b:s8+s2], $0x2800, $0x38;
	[tilespmem:$0x1A080] =	vst v63  }
0x1e: {  	_ =	swait.ge [sflag:s9], $0x2800  }
0x1f: {  	[sflag:s9] =	ssyncset.done $0x0  }
0x20: {  	s31 =	simm.s32 $0x0;
	[sflag:s9] =	ssyncadd.s32 $0xFFFFD800  }
0x21: {  	[spmem:s1] =	stream.indirect.scatter.add.f32 [tilespmem:s11], [sflag:$0x1], $0x80, s31, s12, $0xb8;
	[tilespmem:$0x1A080] =	vst v63  }
0x22: {  	_ =	swait.ge [sflag:s9], $0x2800  }
0x23: {  	s18 =	smov.u32 s8;
	s17 =	simm.s32 $0x200;
	[sflag:s9] =	ssyncset.done $0x0  }
.LBB2_2:
0x24: {  	p2 =	sne.s32 s17, $0xF800;
	[sflag:s9] =	ssyncadd.s32 $0xFFFFD800;
	s18 =	sadd.s32 $0x500, s18  }
0x25: {  	[tilespmem:s11], [sflag:$0x1] =	stream.linear.gather [hbm4b:s18+s2], $0x2800, $0x38;
	[tilespmem:$0x1A080] =	vst v63  }
0x26: {  	s19 =	smov.u32 s17;
	s17 =	sadd.s32 $0x200, s17;
	_ =	swait.ge [sflag:s9], $0x2800  }
.Ltmp0:
0x27: {  	[sflag:s9] =	ssyncset.done $0x0;
	(pc) =	sbr.rel @p2 .LBB2_2-.Ltmp0, $4  }
0x28: {  	s19 =	sshra.s32 s19, $0x2;
	[sflag:s9] =	ssyncadd.s32 $0xFFFFD800  }
0x29: {  	[spmem:s1] =	stream.indirect.scatter.add.f32 [tilespmem:s11], [sflag:$0x1], $0x80, s19, s12, $0xb8;
	[tilespmem:$0x1A080] =	vst v63  }
0x2a: {  	_ =	swait.ge [sflag:s9], $0x2800  }
0x2b: {  	[sflag:s9] =	ssyncset.done $0x0  }
0x2c: {  	[sflag:s9] =	ssyncadd.s32 $0xFFFFD800  }
0x2d: {  	s17 =	simm.s32 @p1 $0x1FC1;
	[bflag:$0x0] =	sbarrier.arrive $0xFFFF  }
0x2e: {  	[hbm:s6], [sflag:s17] =	dma.local @p1 [spmem:s13], $0x2800  }
0x2f: {  	s17 =	simm.s32 @p1 $0x1  }
0x30: {  	s16 =	sadd.s32 $0x1, s16;
	_ =	swait.ge @p1 [sflag:s17], $0x2800  }
0x31: {  	p2 =	sne.s32 s16, s7;
	[sflag:s17] =	ssyncset.done @p1 $0x0  }
.Ltmp1:
0x32: {  	[sflag:s17] =	ssyncadd.s32 @p1 $0xFFFFD800;
	s17 =	simm.s32 @!p1 $0x1;
	(pc) =	sbr.rel @p2 .LBB2_1-.Ltmp1, $4  }
0x33: {  	[hbm:s5], [sflag:s14] =	dma.local @!p1 [spmem:s15], $0x2700  }
0x34: {  	_ =	swait.ge @!p1 [sflag:s17], $0x2700  }
0x35: {  	[sflag:s17] =	ssyncset.done @!p1 $0x0  }
0x36: {  	[sflag:s17] =	ssyncadd.s32 @!p1 $0xFFFFD900  }
0x37: {  	_ =	sfence.sel $0x180000  }
0x38: {  	[bflag:$0x0] =	sbarrier.arrive $0xFFFF  }
0x39: {  	_ =	strace $0x90000053  }
0x3a: {  	s0 =	sadd.s32 @!p0 $0x100000, s0;
	[bflag:$0x2] =	sbarrier.arrive $0xFFFF  }
0x3b: {  	[sflag:s0] =	ssyncadd.tile.s32 @!p0 $0x1;
	_ =	shalt  }
.Lfunc_end2:
_tile_overlayer_lowered:
.L_overlay_start_2:
0x3c: {  	(tag) =	ssettag $0x2  }
0x3d: {  	s0 =	rddreg [dreg:$0x0];
	s2 =	stileid.u32  }
0x3e: {  	s1 =	rddreg [dreg:$0x1];
	p0 =	sne.s32 s2, $0x0  }
0x3f: {  	s3 =	rddreg [dreg:$0x2];
	[bflag:$0x3] =	sbarrier.arrive $0xFFFF;
	s2 =	simm.s32 @!p0 $0x1C01  }
0x40: {  	[timem:s3], [sflag:s2] =	dma.local @!p0 [hbm:s0], s1  }
0x41: {  	s0 =	simm.s32 @!p0 $0x1  }
0x42: {  	_ =	swait.ge @!p0 [sflag:s0], s1  }
0x43: {  	s1 =	ssub.s32 @!p0 $0x0, s1;
	[sflag:s0] =	ssyncset.done @!p0 $0x0  }
0x44: {  	[sflag:s0] =	ssyncadd.s32 @!p0 s1  }
0x45: {  	[bflag:$0x3] =	sbarrier.arrive $0xFFFF  }
0x46: {  	_ =	shalt  }

</sc_bundles>
